<compile_context>
chip_gen: v7x
topology: tpu7x:2x2x1
jax: 0.10.2.dev20260603
libtpu: 0.0.44.dev20260713+nightly
codegen_flags: <defaults>
</compile_context>

<pallas_src>
import functools

import jax
import jax.numpy as jnp
from jax import lax
from jax.experimental import pallas as pl
from jax.experimental.pallas import tpu as pltpu
from jax.experimental.pallas import tpu_sc as plsc

N_NODES = 10000
N_EDGES = 320000
D_IN = 128
D_HID = 256
D_OUT = 40

NW = 32
CH = 128
NP = 10240
EP = NW * 80 * CH
EPW = EP // NW
ROWS_PER_SUB = NP // 16

_mesh = plsc.VectorSubcoreMesh(core_axis_name="c", subcore_axis_name="s")


def _fill(ref, rows, cols, value):
    k = cols // 16
    v = jnp.full((16,), value, jnp.float32)

    def body(j, _):
        r = j // k
        c = (j % k) * 16
        ref[r, pl.ds(c, 16)] = v
        return 0

    lax.fori_loop(0, rows * k, body, 0)


CPW = EPW // CH
NB = 4


def _make_sc_degree():
    @functools.partial(
        pl.kernel,
        out_type=jax.ShapeDtypeStruct((2, NP, 16), jnp.float32),
        mesh=_mesh,
        scratch_types=[
            pltpu.VMEM((CPW, CH), jnp.int32),
            pltpu.VMEM((CH, 16), jnp.float32),
            pltpu.VMEM_SHARED((NP, 16), jnp.float32),
            pltpu.SemaphoreType.DMA,
        ],
    )
    def deg_kernel(dst_hbm, out_hbm, dst_all, ones_v, acc_sh, ssem):
        c = lax.axis_index("c")
        s = lax.axis_index("s")
        wid = s * 2 + c
        _fill(ones_v, CH, 16, 0.0)
        for k in range(ROWS_PER_SUB // CH):
            pltpu.sync_copy(ones_v, acc_sh.at[pl.ds(s * ROWS_PER_SUB + k * CH, CH)])
        pltpu.sync_copy(dst_hbm.at[pl.ds(wid * CPW, CPW)], dst_all)
        _fill(ones_v, CH, 16, 1.0)
        plsc.subcore_barrier()

        def body(g, _):
            descs = []
            for b in range(NB):
                t = g * NB + b
                descs.append(pltpu.async_copy(
                    ones_v, acc_sh.at[dst_all.at[t]], ssem, add=True))
            for d in descs:
                d.wait()
            return 0

        lax.fori_loop(0, CPW // NB, body, 0)
        plsc.subcore_barrier()
        pltpu.sync_copy(
            acc_sh.at[pl.ds(s * ROWS_PER_SUB, ROWS_PER_SUB)],
            out_hbm.at[c, pl.ds(s * ROWS_PER_SUB, ROWS_PER_SUB)],
        )

    return deg_kernel


CSB = EP // CH // 16


def _make_sc_agg_colsplit():
    nb = 2
    ng = 4
    tpb = nb * ng

    @functools.partial(
        pl.kernel,
        out_type=jax.ShapeDtypeStruct((2, NP, 64), jnp.float32),
        mesh=_mesh,
        compiler_params=pltpu.CompilerParams(use_tc_tiling_on_sc=False),
        scratch_types=[
            pltpu.VMEM((tpb, 2, CH), jnp.int32),
            pltpu.VMEM((2 * nb, CH, 64), jnp.float32),
            pltpu.VMEM_SHARED((NP, 64), jnp.float32),
            pltpu.VMEM_SHARED((NP, 64), jnp.float32),
            pltpu.SemaphoreType.DMA,
            pltpu.SemaphoreType.DMA,
        ],
    )
    def agg_kernel(table_hbm, ei_hbm, out_hbm, idx_blk, rows, acc_sh,
                   tbl_sh, gsem, ssem):
        c = lax.axis_index("c")
        s = lax.axis_index("s")
        tbl = tbl_sh
        pltpu.sync_copy(
            table_hbm.at[c, pl.ds(s * ROWS_PER_SUB, ROWS_PER_SUB)],
            tbl_sh.at[pl.ds(s * ROWS_PER_SUB, ROWS_PER_SUB)])
        _fill(rows.at[0], CH, 64, 0.0)
        for k in range(ROWS_PER_SUB // CH):
            pltpu.sync_copy(rows.at[0], acc_sh.at[pl.ds(s * ROWS_PER_SUB + k * CH, CH)])
        plsc.subcore_barrier()

        def body(u, _):
            pltpu.sync_copy(ei_hbm.at[pl.ds(s * CSB + u * tpb, tpb)], idx_blk)
            sds = [None] * ng
            for j in range(ng):
                off = (j % 2) * nb
                if j >= 2:
                    for d_ in sds[j - 2]:
                        d_.wait()
                gds = []
                for b in range(nb):
                    gds.append(pltpu.async_copy(
                        tbl.at[idx_blk.at[j * nb + b, 0]], rows.at[off + b],
                        gsem))
                sj = []
                for b in range(nb):
                    gds[b].wait()
                    sj.append(pltpu.async_copy(
                        rows.at[off + b], acc_sh.at[idx_blk.at[j * nb + b, 1]],
                        ssem, add=True))
                sds[j] = sj
            for j in (ng - 2, ng - 1):
                for d_ in sds[j]:
                    d_.wait()
            return 0

        lax.fori_loop(0, CSB // tpb, body, 0)
        plsc.subcore_barrier()
        pltpu.sync_copy(
            acc_sh.at[pl.ds(s * ROWS_PER_SUB, ROWS_PER_SUB)],
            out_hbm.at[c, pl.ds(s * ROWS_PER_SUB, ROWS_PER_SUB)],
        )

    return agg_kernel


def _make_sc_agg_edgesplit(d, nb, ng):
    tpb = nb * ng

    @functools.partial(
        pl.kernel,
        out_type=jax.ShapeDtypeStruct((2, NP, d), jnp.float32),
        mesh=_mesh,
        compiler_params=pltpu.CompilerParams(use_tc_tiling_on_sc=False),
        scratch_types=[
            pltpu.VMEM((tpb, 2, CH), jnp.int32),
            pltpu.VMEM((2 * nb, CH, d), jnp.float32),
            pltpu.VMEM_SHARED((NP, d), jnp.float32),
            pltpu.VMEM_SHARED((NP, d), jnp.float32),
            pltpu.SemaphoreType.DMA,
            pltpu.SemaphoreType.DMA,
        ],
    )
    def agg_kernel(table_hbm, ei_hbm, out_hbm, idx_blk, rows, acc_sh,
                   tbl_sh, gsem, ssem):
        c = lax.axis_index("c")
        s = lax.axis_index("s")
        wid = s * 2 + c
        pltpu.sync_copy(
            table_hbm.at[pl.ds(s * ROWS_PER_SUB, ROWS_PER_SUB)],
            tbl_sh.at[pl.ds(s * ROWS_PER_SUB, ROWS_PER_SUB)])
        _fill(rows.at[0], CH, d, 0.0)
        for k in range(ROWS_PER_SUB // CH):
            pltpu.sync_copy(rows.at[0], acc_sh.at[pl.ds(s * ROWS_PER_SUB + k * CH, CH)])
        plsc.subcore_barrier()

        def body(u, _):
            pltpu.sync_copy(ei_hbm.at[pl.ds(wid * CPW + u * tpb, tpb)], idx_blk)
            sds = [None] * ng
            for j in range(ng):
                off = (j % 2) * nb
                if j >= 2:
                    for d_ in sds[j - 2]:
                        d_.wait()
                gds = []
                for b in range(nb):
                    gds.append(pltpu.async_copy(
                        tbl_sh.at[idx_blk.at[j * nb + b, 0]], rows.at[off + b],
                        gsem))
                sj = []
                for b in range(nb):
                    gds[b].wait()
                    sj.append(pltpu.async_copy(
                        rows.at[off + b], acc_sh.at[idx_blk.at[j * nb + b, 1]],
                        ssem, add=True))
                sds[j] = sj
            for j in (ng - 2, ng - 1):
                for d_ in sds[j]:
                    d_.wait()
            return 0

        lax.fori_loop(0, CPW // tpb, body, 0)
        plsc.subcore_barrier()
        pltpu.sync_copy(
            acc_sh.at[pl.ds(s * ROWS_PER_SUB, ROWS_PER_SUB)],
            out_hbm.at[c, pl.ds(s * ROWS_PER_SUB, ROWS_PER_SUB)],
        )

    return agg_kernel


_sc_degree = _make_sc_degree()
_sc_agg128 = _make_sc_agg_colsplit()
_sc_agg64 = _make_sc_agg_edgesplit(64, 2, 4)

_TCB = 1024
_GRID = NP // _TCB


def _prep1_body(degp_ref, x_ref, table1_ref, dinvb_ref):
    deg = degp_ref[0, :, 0:1] + degp_ref[1, :, 0:1] + 1.0
    dinv = lax.rsqrt(deg)
    db = jnp.broadcast_to(dinv, (_TCB, D_IN))
    dinvb_ref[...] = db
    t1 = db * x_ref[...]
    table1_ref[0] = t1[:, :64]
    table1_ref[1] = t1[:, 64:]


def _tc_prep1(deg_parts, x_p):
    return pl.pallas_call(
        _prep1_body,
        grid=(_GRID,),
        in_specs=[
            pl.BlockSpec((2, _TCB, 16), lambda i: (0, i, 0)),
            pl.BlockSpec((_TCB, D_IN), lambda i: (i, 0)),
        ],
        out_specs=[
            pl.BlockSpec((2, _TCB, 64), lambda i: (0, i, 0)),
            pl.BlockSpec((_TCB, D_IN), lambda i: (i, 0)),
        ],
        out_shape=[
            jax.ShapeDtypeStruct((2, NP, 64), jnp.float32),
            jax.ShapeDtypeStruct((NP, D_IN), jnp.float32),
        ],
    )(deg_parts, x_p)


def _chain_body(s1p_ref, x_ref, dinvb_ref, W1_ref, b1_ref, W2_ref,
                table2_ref, P_ref):
    db = dinvb_ref[...]
    S1 = jnp.concatenate([s1p_ref[0], s1p_ref[1]], axis=1)
    agg1 = db * S1 + db * db * x_ref[...]
    h1 = jnp.maximum(
        jnp.dot(agg1, W1_ref[...], preferred_element_type=jnp.float32)
        + b1_ref[...], 0.0)
    P = jnp.dot(h1, W2_ref[...], preferred_element_type=jnp.float32)
    P_ref[...] = P
    table2_ref[...] = db[:, :64] * P


def _tc_chain(s1_parts, x_p, dinvb, W1, b1r, W2p):
    return pl.pallas_call(
        _chain_body,
        grid=(_GRID,),
        in_specs=[
            pl.BlockSpec((2, _TCB, 64), lambda i: (0, i, 0)),
            pl.BlockSpec((_TCB, D_IN), lambda i: (i, 0)),
            pl.BlockSpec((_TCB, D_IN), lambda i: (i, 0)),
            pl.BlockSpec((D_IN, D_HID), lambda i: (0, 0)),
            pl.BlockSpec((1, D_HID), lambda i: (0, 0)),
            pl.BlockSpec((D_HID, 64), lambda i: (0, 0)),
        ],
        out_specs=[
            pl.BlockSpec((_TCB, 64), lambda i: (i, 0)),
            pl.BlockSpec((_TCB, 64), lambda i: (i, 0)),
        ],
        out_shape=[
            jax.ShapeDtypeStruct((NP, 64), jnp.float32),
            jax.ShapeDtypeStruct((NP, 64), jnp.float32),
        ],
    )(s1_parts, x_p, dinvb, W1, b1r, W2p)


def _final_body(s2p_ref, P_ref, dinvb_ref, b2_ref, out_ref):
    db = dinvb_ref[:, :64]
    S2 = s2p_ref[0] + s2p_ref[1]
    P = P_ref[...]
    pre = db * S2 + db * db * P + b2_ref[...]
    mask = lax.broadcasted_iota(jnp.int32, (_TCB, 64), 1) < D_OUT
    neg = jnp.full_like(pre, -1e30)
    m = jnp.max(jnp.where(mask, pre, neg), axis=1, keepdims=True)
    e = jnp.where(mask, jnp.exp(pre - m), 0.0)
    ssum = jnp.sum(e, axis=1, keepdims=True)
    out_ref[...] = pre - m - jnp.log(ssum)


def _tc_final(s2_parts, P, dinvb, b2r):
    return pl.pallas_call(
        _final_body,
        grid=(_GRID,),
        in_specs=[
            pl.BlockSpec((2, _TCB, 64), lambda i: (0, i, 0)),
            pl.BlockSpec((_TCB, 64), lambda i: (i, 0)),
            pl.BlockSpec((_TCB, D_IN), lambda i: (i, 0)),
            pl.BlockSpec((1, 64), lambda i: (0, 0)),
        ],
        out_specs=pl.BlockSpec((_TCB, 64), lambda i: (i, 0)),
        out_shape=jax.ShapeDtypeStruct((NP, 64), jnp.float32),
    )(s2_parts, P, dinvb, b2r)


def kernel(x, edge_index, W1, b1, W2, b2):
    src = edge_index[0]
    dst = edge_index[1]
    pad = jnp.full((EP - N_EDGES,), N_NODES, dtype=jnp.int32)
    src_p = jnp.concatenate([src, pad]).reshape(EP // CH, CH)
    dst_p = jnp.concatenate([dst, pad]).reshape(EP // CH, CH)
    x_p = jnp.pad(x, ((0, NP - N_NODES), (0, 0)))
    W2p = jnp.pad(W2, ((0, 0), (0, 64 - D_OUT)))
    b1r = b1.reshape(1, D_HID)
    b2r = jnp.pad(b2, (0, 64 - D_OUT)).reshape(1, 64)

    ei_packed = jnp.stack([src_p, dst_p], axis=1)

    deg_parts = _sc_degree(dst_p)
    table1, dinvb = _tc_prep1(deg_parts, x_p)
    s1_parts = _sc_agg128(table1, ei_packed)
    table2, P = _tc_chain(s1_parts, x_p, dinvb, W1, b1r, W2p)
    s2_parts = _sc_agg64(table2, ei_packed)
    outp = _tc_final(s2_parts, P, dinvb, b2r)
    return outp[:N_NODES, :D_OUT]

# --- scband reference (transcript-rebuilt; emitter-appended) ---
"""Pipeline reference for scband-gcn-18141941859022 (READ-ONLY COPY).

The authoritative reference and input builder live on the scoring server;
editing this copy changes nothing except your own understanding.
"""

import jax, jax.numpy as jnp
import numpy as np

N_NODES = 10000
N_EDGES = 320000
D_IN = 128
D_HID = 256
D_OUT = 40


def glorot(key, shape):
    limit = np.sqrt(6.0 / (shape[0] + shape[1]))
    return jax.random.uniform(key, shape, dtype=jnp.float32, minval=-limit, maxval=limit)


def setup_inputs(seed: int = 0) -> dict:
    key = jax.random.key(seed)
    k1, k2, k3, k4 = jax.random.split(key, 4)
    x = jax.random.normal(k1, (N_NODES, D_IN), dtype=jnp.float32)
    edge_index = jax.random.randint(k2, (2, N_EDGES), 0, N_NODES, dtype=jnp.int32)
    W1 = glorot(k3, (D_IN, D_HID))
    b1 = jnp.zeros((D_HID,), dtype=jnp.float32)
    W2 = glorot(k4, (D_HID, D_OUT))
    b2 = jnp.zeros((D_OUT,), dtype=jnp.float32)
    return {"x": x, "edge_index": edge_index, "W1": W1, "b1": b1, "W2": W2, "b2": b2}


def gcn_conv(x, edge_index, W, b):
    # GCNConv: linear transform, add self-loops, symmetric-normalized scatter-add aggregation
    n = x.shape[0]
    self_loops = jnp.arange(n, dtype=edge_index.dtype)
    src = jnp.concatenate([edge_index[0], self_loops])
    dst = jnp.concatenate([edge_index[1], self_loops])
    h = x @ W
    deg = jnp.zeros((n,), dtype=h.dtype).at[dst].add(1.0)
    dinv = jax.lax.rsqrt(jnp.maximum(deg, 1.0))
    norm = dinv[src] * dinv[dst]
    msgs = jnp.take(h, src, axis=0) * norm[:, None]
    out = jnp.zeros_like(h).at[dst].add(msgs)
    return out + b


def reference(x, edge_index, W1, b1, W2, b2):
    h = jax.nn.relu(gcn_conv(x, edge_index, W1, b1))
    h = gcn_conv(h, edge_index, W2, b2)
    return jax.nn.log_softmax(h, axis=1)

if __name__ == "__main__":
    import jax
    _d = setup_inputs()
    print(jax.jit(kernel)(*tuple(_d.values())))

</pallas_src>

<mosaic_0001>
#map = affine_map<(d0, d1) -> (0, 0)>
#map1 = affine_map<(d0, d1) -> (0, 0, 0)>
module attributes {stable_mosaic.version = 14 : i64} {
  func.func @deg_kernel(%arg0: i32, %arg1: i32, %arg2: memref<2560x128xi32, #tpu.memory_space<hbm>>, %arg3: memref<2x10240x16xf32, #tpu.memory_space<hbm>>, %arg4: memref<80x128xi32, #tpu.memory_space<vmem>>, %arg5: memref<128x16xf32, #tpu.memory_space<vmem>>, %arg6: memref<10240x16xf32, #tpu.memory_space<vmem_shared>>, %arg7: memref<!tpu.dma_semaphore, #tpu.memory_space<semaphore_mem>>) attributes {dimension_semantics = [#tpu.dimension_semantics<core_parallel>, #tpu.dimension_semantics<subcore_parallel>], iteration_bounds = array<i64: 2, 16>, scalar_prefetch = 0 : i64, scratch_operands = 4 : i64, tpu.core_type = #tpu.core_type<sc_vector_subcore>, window_params = [{transform_indices = #map}, {transform_indices = #map1}]} {
    %mul3A = arith.constant 2 : i32
    %mul3A_0 = arith.muli %arg1, %mul3A : i32
    %add3A = arith.addi %mul3A_0, %arg0 : i32
    %broadcast_in_dim3A = arith.constant 0.000000e+00 : f32
    %broadcast_in_dim3A_1 = vector.broadcast %broadcast_in_dim3A : f32 to vector<16xf32>
    %scan3A = arith.constant 0 : i32
    %scan3A_2 = arith.constant 0 : i32
    %scan3A_3 = arith.constant 128 : i32
    %scan3A_4 = arith.addi %scan3A_2, %scan3A_3 : i32
    %scan3A_5 = arith.constant 1 : i32
    %scan3A_6 = scf.for %scan3A_51 = %scan3A_2 to %scan3A_4 step %scan3A_5 iter_args(%scan3A_52 = %scan3A) -> (i32)  : i32 {
      %jit3A = arith.constant 1 : i32
      %div3A = arith.divsi %scan3A_51, %jit3A : i32
      %sign3A = arith.constant 0 : i32
      %sign3A_53 = arith.cmpi sgt, %scan3A_51, %sign3A : i32
      %sign3A_54 = arith.extui %sign3A_53 : i1 to i32
      %sign3A_55 = arith.constant 0 : i32
      %sign3A_56 = arith.cmpi slt, %scan3A_51, %sign3A_55 : i32
      %sign3A_57 = arith.extui %sign3A_56 : i1 to i32
      %sign3A_58 = arith.subi %sign3A_54, %sign3A_57 : i32
      %sign3A_59 = arith.constant 0 : i32
      %sign3A_60 = arith.cmpi sgt, %jit3A, %sign3A_59 : i32
      %sign3A_61 = arith.extui %sign3A_60 : i1 to i32
      %sign3A_62 = arith.constant 0 : i32
      %sign3A_63 = arith.cmpi slt, %jit3A, %sign3A_62 : i32
      %sign3A_64 = arith.extui %sign3A_63 : i1 to i32
      %sign3A_65 = arith.subi %sign3A_61, %sign3A_64 : i32
      %ne3A = arith.cmpi ne, %sign3A_58, %sign3A_65 : i32
      %rem3A = arith.remsi %scan3A_51, %jit3A : i32
      %ne3A_66 = arith.constant 0 : i32
      %ne3A_67 = arith.cmpi ne, %rem3A, %ne3A_66 : i32
      %and3A = arith.andi %ne3A, %ne3A_67 : i1
      %sub3A = arith.constant 1 : i32
      %sub3A_68 = arith.subi %div3A, %sub3A : i32
      %select_n3A = arith.select %and3A, %sub3A_68, %div3A : i32
      %jit3A_69 = arith.constant 1 : i32
      %eq3A = arith.constant 0 : i32
      %eq3A_70 = arith.cmpi eq, %jit3A_69, %eq3A : i32
      %jit3A_71 = arith.constant 1 : i32
      %select_n3A_72 = arith.select %eq3A_70, %jit3A_71, %jit3A_69 : i32
      %rem3A_73 = arith.remsi %scan3A_51, %select_n3A_72 : i32
      %ne3A_74 = arith.constant 0 : i32
      %ne3A_75 = arith.cmpi ne, %rem3A_73, %ne3A_74 : i32
      %lt3A = arith.constant 0 : i32
      %lt3A_76 = arith.cmpi slt, %rem3A_73, %lt3A : i32
      %lt3A_77 = arith.constant 0 : i32
      %lt3A_78 = arith.cmpi slt, %select_n3A_72, %lt3A_77 : i32
      %ne3A_79 = arith.xori %lt3A_76, %lt3A_78 : i1
      %and3A_80 = arith.andi %ne3A_79, %ne3A_75 : i1
      %add3A_81 = arith.addi %rem3A_73, %select_n3A_72 : i32
      %select_n3A_82 = arith.select %and3A_80, %add3A_81, %rem3A_73 : i32
      %mul3A_83 = arith.constant 16 : i32
      %mul3A_84 = arith.muli %select_n3A_82, %mul3A_83 : i32
      %swap3A = arith.index_cast %select_n3A : i32 to index
      %swap3A_85 = arith.index_cast %mul3A_84 : i32 to index
      %swap3A_86 = tpu.vector_load %arg5[%swap3A, %swap3A_85] {strides = array<i32>} : memref<128x16xf32, #tpu.memory_space<vmem>>, vector<1x16xf32>,
      %swap3A_87 = vector.shape_cast %swap3A_86 : vector<1x16xf32> to vector<16xf32>
      %swap3A_88 = vector.shape_cast %broadcast_in_dim3A_1 : vector<16xf32> to vector<1x16xf32>
      tpu.vector_store %arg5[%swap3A, %swap3A_85], %swap3A_88 {strides = array<i32>} : memref<128x16xf32, #tpu.memory_space<vmem>>, vector<1x16xf32>,
      %scan3A_89 = arith.constant 0 : i32
      scf.yield %scan3A_89 : i32
    }
    %scan3A_7 = arith.constant 128 : i32
    %mul3A_8 = arith.constant 640 : i32
    %mul3A_9 = arith.muli %arg1, %mul3A_8 : i32
    %add3A_10 = arith.constant 0 : i32
    %add3A_11 = arith.addi %mul3A_9, %add3A_10 : i32
    "tpu.region"() ({
      %run_scoped3A = tpu.sem_alloc : memref<!tpu.dma_semaphore, #tpu.memory_space<semaphore_mem>>
      %dma_start3A = arith.constant 0 : i32
      %dma_start3A_51 = tpu.memref_slice %arg6[%add3A_11, %dma_start3A] : memref<10240x16xf32, #tpu.memory_space<vmem_shared>> -> memref<128x16xf32, #tpu.memory_space<vmem_shared>>
      %dma_start3A_52 = arith.constant 0 : i32
      %dma_start3A_53 = tpu.memref_slice %arg6[%add3A_11, %dma_start3A_52] : memref<10240x16xf32, #tpu.memory_space<vmem_shared>> -> memref<128x16xf32, #tpu.memory_space<vmem_shared>>
      tpu.enqueue_dma source(%arg5 : memref<128x16xf32, #tpu.memory_space<vmem>>) target(%dma_start3A_53 : memref<128x16xf32, #tpu.memory_space<vmem_shared>>) target_semaphore(%run_scoped3A : memref<!tpu.dma_semaphore, #tpu.memory_space<semaphore_mem>>)
      %dma_wait3A = arith.constant 0 : i32
      %dma_wait3A_54 = tpu.memref_slice %arg6[%add3A_11, %dma_wait3A] : memref<10240x16xf32, #tpu.memory_space<vmem_shared>> -> memref<128x16xf32, #tpu.memory_space<vmem_shared>>
      %dma_wait3A_55 = arith.constant 0 : i32
      %dma_wait3A_56 = tpu.memref_slice %arg6[%add3A_11, %dma_wait3A_55] : memref<10240x16xf32, #tpu.memory_space<vmem_shared>> -> memref<128x16xf32, #tpu.memory_space<vmem_shared>>
      tpu.wait_dma2 semaphore(%run_scoped3A : memref<!tpu.dma_semaphore, #tpu.memory_space<semaphore_mem>>) src(%arg5 : memref<128x16xf32, #tpu.memory_space<vmem>>) dst(%dma_wait3A_56 : memref<128x16xf32, #tpu.memory_space<vmem_shared>>)
      tpu.yield
    }) : () -> ()
    %mul3A_12 = arith.constant 640 : i32
    %mul3A_13 = arith.muli %arg1, %mul3A_12 : i32
    %add3A_14 = arith.constant 128 : i32
    %add3A_15 = arith.addi %mul3A_13, %add3A_14 : i32
    "tpu.region"() ({
      %run_scoped3A = tpu.sem_alloc : memref<!tpu.dma_semaphore, #tpu.memory_space<semaphore_mem>>
      %dma_start3A = arith.constant 0 : i32
      %dma_start3A_51 = tpu.memref_slice %arg6[%add3A_15, %dma_start3A] : memref<10240x16xf32, #tpu.memory_space<vmem_shared>> -> memref<128x16xf32, #tpu.memory_space<vmem_shared>>
      %dma_start3A_52 = arith.constant 0 : i32
      %dma_start3A_53 = tpu.memref_slice %arg6[%add3A_15, %dma_start3A_52] : memref<10240x16xf32, #tpu.memory_space<vmem_shared>> -> memref<128x16xf32, #tpu.memory_space<vmem_shared>>
      tpu.enqueue_dma source(%arg5 : memref<128x16xf32, #tpu.memory_space<vmem>>) target(%dma_start3A_53 : memref<128x16xf32, #tpu.memory_space<vmem_shared>>) target_semaphore(%run_scoped3A : memref<!tpu.dma_semaphore, #tpu.memory_space<semaphore_mem>>)
      %dma_wait3A = arith.constant 0 : i32
      %dma_wait3A_54 = tpu.memref_slice %arg6[%add3A_15, %dma_wait3A] : memref<10240x16xf32, #tpu.memory_space<vmem_shared>> -> memref<128x16xf32, #tpu.memory_space<vmem_shared>>
      %dma_wait3A_55 = arith.constant 0 : i32
      %dma_wait3A_56 = tpu.memref_slice %arg6[%add3A_15, %dma_wait3A_55] : memref<10240x16xf32, #tpu.memory_space<vmem_shared>> -> memref<128x16xf32, #tpu.memory_space<vmem_shared>>
      tpu.wait_dma2 semaphore(%run_scoped3A : memref<!tpu.dma_semaphore, #tpu.memory_space<semaphore_mem>>) src(%arg5 : memref<128x16xf32, #tpu.memory_space<vmem>>) dst(%dma_wait3A_56 : memref<128x16xf32, #tpu.memory_space<vmem_shared>>)
      tpu.yield
    }) : () -> ()
    %mul3A_16 = arith.constant 640 : i32
    %mul3A_17 = arith.muli %arg1, %mul3A_16 : i32
    %add3A_18 = arith.constant 256 : i32
    %add3A_19 = arith.addi %mul3A_17, %add3A_18 : i32
    "tpu.region"() ({
      %run_scoped3A = tpu.sem_alloc : memref<!tpu.dma_semaphore, #tpu.memory_space<semaphore_mem>>
      %dma_start3A = arith.constant 0 : i32
      %dma_start3A_51 = tpu.memref_slice %arg6[%add3A_19, %dma_start3A] : memref<10240x16xf32, #tpu.memory_space<vmem_shared>> -> memref<128x16xf32, #tpu.memory_space<vmem_shared>>
      %dma_start3A_52 = arith.constant 0 : i32
      %dma_start3A_53 = tpu.memref_slice %arg6[%add3A_19, %dma_start3A_52] : memref<10240x16xf32, #tpu.memory_space<vmem_shared>> -> memref<128x16xf32, #tpu.memory_space<vmem_shared>>
      tpu.enqueue_dma source(%arg5 : memref<128x16xf32, #tpu.memory_space<vmem>>) target(%dma_start3A_53 : memref<128x16xf32, #tpu.memory_space<vmem_shared>>) target_semaphore(%run_scoped3A : memref<!tpu.dma_semaphore, #tpu.memory_space<semaphore_mem>>)
      %dma_wait3A = arith.constant 0 : i32
      %dma_wait3A_54 = tpu.memref_slice %arg6[%add3A_19, %dma_wait3A] : memref<10240x16xf32, #tpu.memory_space<vmem_shared>> -> memref<128x16xf32, #tpu.memory_space<vmem_shared>>
      %dma_wait3A_55 = arith.constant 0 : i32
      %dma_wait3A_56 = tpu.memref_slice %arg6[%add3A_19, %dma_wait3A_55] : memref<10240x16xf32, #tpu.memory_space<vmem_shared>> -> memref<128x16xf32, #tpu.memory_space<vmem_shared>>
      tpu.wait_dma2 semaphore(%run_scoped3A : memref<!tpu.dma_semaphore, #tpu.memory_space<semaphore_mem>>) src(%arg5 : memref<128x16xf32, #tpu.memory_space<vmem>>) dst(%dma_wait3A_56 : memref<128x16xf32, #tpu.memory_space<vmem_shared>>)
      tpu.yield
    }) : () -> ()
    %mul3A_20 = arith.constant 640 : i32
    %mul3A_21 = arith.muli %arg1, %mul3A_20 : i32
    %add3A_22 = arith.constant 384 : i32
    %add3A_23 = arith.addi %mul3A_21, %add3A_22 : i32
    "tpu.region"() ({
      %run_scoped3A = tpu.sem_alloc : memref<!tpu.dma_semaphore, #tpu.memory_space<semaphore_mem>>
      %dma_start3A = arith.constant 0 : i32
      %dma_start3A_51 = tpu.memref_slice %arg6[%add3A_23, %dma_start3A] : memref<10240x16xf32, #tpu.memory_space<vmem_shared>> -> memref<128x16xf32, #tpu.memory_space<vmem_shared>>
      %dma_start3A_52 = arith.constant 0 : i32
      %dma_start3A_53 = tpu.memref_slice %arg6[%add3A_23, %dma_start3A_52] : memref<10240x16xf32, #tpu.memory_space<vmem_shared>> -> memref<128x16xf32, #tpu.memory_space<vmem_shared>>
      tpu.enqueue_dma source(%arg5 : memref<128x16xf32, #tpu.memory_space<vmem>>) target(%dma_start3A_53 : memref<128x16xf32, #tpu.memory_space<vmem_shared>>) target_semaphore(%run_scoped3A : memref<!tpu.dma_semaphore, #tpu.memory_space<semaphore_mem>>)
      %dma_wait3A = arith.constant 0 : i32
      %dma_wait3A_54 = tpu.memref_slice %arg6[%add3A_23, %dma_wait3A] : memref<10240x16xf32, #tpu.memory_space<vmem_shared>> -> memref<128x16xf32, #tpu.memory_space<vmem_shared>>
      %dma_wait3A_55 = arith.constant 0 : i32
      %dma_wait3A_56 = tpu.memref_slice %arg6[%add3A_23, %dma_wait3A_55] : memref<10240x16xf32, #tpu.memory_space<vmem_shared>> -> memref<128x16xf32, #tpu.memory_space<vmem_shared>>
      tpu.wait_dma2 semaphore(%run_scoped3A : memref<!tpu.dma_semaphore, #tpu.memory_space<semaphore_mem>>) src(%arg5 : memref<128x16xf32, #tpu.memory_space<vmem>>) dst(%dma_wait3A_56 : memref<128x16xf32, #tpu.memory_space<vmem_shared>>)
      tpu.yield
    }) : () -> ()
    %mul3A_24 = arith.constant 640 : i32
    %mul3A_25 = arith.muli %arg1, %mul3A_24 : i32
    %add3A_26 = arith.constant 512 : i32
    %add3A_27 = arith.addi %mul3A_25, %add3A_26 : i32
    "tpu.region"() ({
      %run_scoped3A = tpu.sem_alloc : memref<!tpu.dma_semaphore, #tpu.memory_space<semaphore_mem>>
      %dma_start3A = arith.constant 0 : i32
      %dma_start3A_51 = tpu.memref_slice %arg6[%add3A_27, %dma_start3A] : memref<10240x16xf32, #tpu.memory_space<vmem_shared>> -> memref<128x16xf32, #tpu.memory_space<vmem_shared>>
      %dma_start3A_52 = arith.constant 0 : i32
      %dma_start3A_53 = tpu.memref_slice %arg6[%add3A_27, %dma_start3A_52] : memref<10240x16xf32, #tpu.memory_space<vmem_shared>> -> memref<128x16xf32, #tpu.memory_space<vmem_shared>>
      tpu.enqueue_dma source(%arg5 : memref<128x16xf32, #tpu.memory_space<vmem>>) target(%dma_start3A_53 : memref<128x16xf32, #tpu.memory_space<vmem_shared>>) target_semaphore(%run_scoped3A : memref<!tpu.dma_semaphore, #tpu.memory_space<semaphore_mem>>)
      %dma_wait3A = arith.constant 0 : i32
      %dma_wait3A_54 = tpu.memref_slice %arg6[%add3A_27, %dma_wait3A] : memref<10240x16xf32, #tpu.memory_space<vmem_shared>> -> memref<128x16xf32, #tpu.memory_space<vmem_shared>>
      %dma_wait3A_55 = arith.constant 0 : i32
      %dma_wait3A_56 = tpu.memref_slice %arg6[%add3A_27, %dma_wait3A_55] : memref<10240x16xf32, #tpu.memory_space<vmem_shared>> -> memref<128x16xf32, #tpu.memory_space<vmem_shared>>
      tpu.wait_dma2 semaphore(%run_scoped3A : memref<!tpu.dma_semaphore, #tpu.memory_space<semaphore_mem>>) src(%arg5 : memref<128x16xf32, #tpu.memory_space<vmem>>) dst(%dma_wait3A_56 : memref<128x16xf32, #tpu.memory_space<vmem_shared>>)
      tpu.yield
    }) : () -> ()
    %mul3A_28 = arith.constant 80 : i32
    %mul3A_29 = arith.muli %add3A, %mul3A_28 : i32
    "tpu.region"() ({
      %run_scoped3A = tpu.sem_alloc : memref<!tpu.dma_semaphore, #tpu.memory_space<semaphore_mem>>
      %dma_start3A = arith.constant 0 : i32
      %dma_start3A_51 = tpu.memref_slice %arg2[%mul3A_29, %dma_start3A] : memref<2560x128xi32, #tpu.memory_space<hbm>> -> memref<80x128xi32, #tpu.memory_space<hbm>>
      %dma_start3A_52 = arith.constant 0 : i32
      %dma_start3A_53 = tpu.memref_slice %arg2[%mul3A_29, %dma_start3A_52] : memref<2560x128xi32, #tpu.memory_space<hbm>> -> memref<80x128xi32, #tpu.memory_space<hbm>>
      tpu.enqueue_dma source(%dma_start3A_53 : memref<80x128xi32, #tpu.memory_space<hbm>>) target(%arg4 : memref<80x128xi32, #tpu.memory_space<vmem>>) target_semaphore(%run_scoped3A : memref<!tpu.dma_semaphore, #tpu.memory_space<semaphore_mem>>)
      %dma_wait3A = arith.constant 0 : i32
      %dma_wait3A_54 = tpu.memref_slice %arg2[%mul3A_29, %dma_wait3A] : memref<2560x128xi32, #tpu.memory_space<hbm>> -> memref<80x128xi32, #tpu.memory_space<hbm>>
      %dma_wait3A_55 = arith.constant 0 : i32
      %dma_wait3A_56 = tpu.memref_slice %arg2[%mul3A_29, %dma_wait3A_55] : memref<2560x128xi32, #tpu.memory_space<hbm>> -> memref<80x128xi32, #tpu.memory_space<hbm>>
      tpu.wait_dma2 semaphore(%run_scoped3A : memref<!tpu.dma_semaphore, #tpu.memory_space<semaphore_mem>>) src(%dma_wait3A_56 : memref<80x128xi32, #tpu.memory_space<hbm>>) dst(%arg4 : memref<80x128xi32, #tpu.memory_space<vmem>>)
      tpu.yield
    }) : () -> ()
    %broadcast_in_dim3A_30 = arith.constant 1.000000e+00 : f32
    %broadcast_in_dim3A_31 = vector.broadcast %broadcast_in_dim3A_30 : f32 to vector<16xf32>
    %scan3A_32 = arith.constant 0 : i32
    %scan3A_33 = arith.constant 0 : i32
    %scan3A_34 = arith.constant 128 : i32
    %scan3A_35 = arith.addi %scan3A_33, %scan3A_34 : i32
    %scan3A_36 = arith.constant 1 : i32
    %scan3A_37 = scf.for %scan3A_51 = %scan3A_33 to %scan3A_35 step %scan3A_36 iter_args(%scan3A_52 = %scan3A_32) -> (i32)  : i32 {
      %jit3A = arith.constant 1 : i32
      %div3A = arith.divsi %scan3A_51, %jit3A : i32
      %sign3A = arith.constant 0 : i32
      %sign3A_53 = arith.cmpi sgt, %scan3A_51, %sign3A : i32
      %sign3A_54 = arith.extui %sign3A_53 : i1 to i32
      %sign3A_55 = arith.constant 0 : i32
      %sign3A_56 = arith.cmpi slt, %scan3A_51, %sign3A_55 : i32
      %sign3A_57 = arith.extui %sign3A_56 : i1 to i32
      %sign3A_58 = arith.subi %sign3A_54, %sign3A_57 : i32
      %sign3A_59 = arith.constant 0 : i32
      %sign3A_60 = arith.cmpi sgt, %jit3A, %sign3A_59 : i32
      %sign3A_61 = arith.extui %sign3A_60 : i1 to i32
      %sign3A_62 = arith.constant 0 : i32
      %sign3A_63 = arith.cmpi slt, %jit3A, %sign3A_62 : i32
      %sign3A_64 = arith.extui %sign3A_63 : i1 to i32
      %sign3A_65 = arith.subi %sign3A_61, %sign3A_64 : i32
      %ne3A = arith.cmpi ne, %sign3A_58, %sign3A_65 : i32
      %rem3A = arith.remsi %scan3A_51, %jit3A : i32
      %ne3A_66 = arith.constant 0 : i32
      %ne3A_67 = arith.cmpi ne, %rem3A, %ne3A_66 : i32
      %and3A = arith.andi %ne3A, %ne3A_67 : i1
      %sub3A = arith.constant 1 : i32
      %sub3A_68 = arith.subi %div3A, %sub3A : i32
      %select_n3A = arith.select %and3A, %sub3A_68, %div3A : i32
      %jit3A_69 = arith.constant 1 : i32
      %eq3A = arith.constant 0 : i32
      %eq3A_70 = arith.cmpi eq, %jit3A_69, %eq3A : i32
      %jit3A_71 = arith.constant 1 : i32
      %select_n3A_72 = arith.select %eq3A_70, %jit3A_71, %jit3A_69 : i32
      %rem3A_73 = arith.remsi %scan3A_51, %select_n3A_72 : i32
      %ne3A_74 = arith.constant 0 : i32
      %ne3A_75 = arith.cmpi ne, %rem3A_73, %ne3A_74 : i32
      %lt3A = arith.constant 0 : i32
      %lt3A_76 = arith.cmpi slt, %rem3A_73, %lt3A : i32
      %lt3A_77 = arith.constant 0 : i32
      %lt3A_78 = arith.cmpi slt, %select_n3A_72, %lt3A_77 : i32
      %ne3A_79 = arith.xori %lt3A_76, %lt3A_78 : i1
      %and3A_80 = arith.andi %ne3A_79, %ne3A_75 : i1
      %add3A_81 = arith.addi %rem3A_73, %select_n3A_72 : i32
      %select_n3A_82 = arith.select %and3A_80, %add3A_81, %rem3A_73 : i32
      %mul3A_83 = arith.constant 16 : i32
      %mul3A_84 = arith.muli %select_n3A_82, %mul3A_83 : i32
      %swap3A = arith.index_cast %select_n3A : i32 to index
      %swap3A_85 = arith.index_cast %mul3A_84 : i32 to index
      %swap3A_86 = tpu.vector_load %arg5[%swap3A, %swap3A_85] {strides = array<i32>} : memref<128x16xf32, #tpu.memory_space<vmem>>, vector<1x16xf32>,
      %swap3A_87 = vector.shape_cast %swap3A_86 : vector<1x16xf32> to vector<16xf32>
      %swap3A_88 = vector.shape_cast %broadcast_in_dim3A_31 : vector<16xf32> to vector<1x16xf32>
      tpu.vector_store %arg5[%swap3A, %swap3A_85], %swap3A_88 {strides = array<i32>} : memref<128x16xf32, #tpu.memory_space<vmem>>, vector<1x16xf32>,
      %scan3A_89 = arith.constant 0 : i32
      scf.yield %scan3A_89 : i32
    }
    %scan3A_38 = arith.constant 128 : i32
    %barrier3A = arith.constant 0 : index
    tpu.barrier barrier_id(%barrier3A)
    %scan3A_39 = arith.constant 0 : i32
    %scan3A_40 = arith.constant 0 : i32
    %scan3A_41 = arith.constant 20 : i32
    %scan3A_42 = arith.addi %scan3A_40, %scan3A_41 : i32
    %scan3A_43 = arith.constant 1 : i32
    %scan3A_44 = scf.for %scan3A_51 = %scan3A_40 to %scan3A_42 step %scan3A_43 iter_args(%scan3A_52 = %scan3A_39) -> (i32)  : i32 {
      %mul3A_53 = arith.constant 4 : i32
      %mul3A_54 = arith.muli %scan3A_51, %mul3A_53 : i32
      %add3A_55 = arith.constant 0 : i32
      %add3A_56 = arith.addi %mul3A_54, %add3A_55 : i32
      %dma_start3A = arith.constant 0 : i32
      %dma_start3A_57 = tpu.memref_slice %arg4[%add3A_56, %dma_start3A] : memref<80x128xi32, #tpu.memory_space<vmem>> -> memref<1x128xi32, #tpu.memory_space<vmem>>
      %dma_start3A_58 = tpu.memref_squeeze %dma_start3A_57 : memref<1x128xi32, #tpu.memory_space<vmem>> -> memref<128xi32, #tpu.memory_space<vmem>>
      %dma_start3A_59 = arith.constant 0 : i32
      %dma_start3A_60 = arith.constant 0 : i32
      %dma_start3A_61 = tpu.memref_slice %arg6[%dma_start3A_59, %dma_start3A_60] : memref<10240x16xf32, #tpu.memory_space<vmem_shared>> -> memref<10240x16xf32, #tpu.memory_space<vmem_shared>>
      tpu.enqueue_indirect_dma source(%arg5 : memref<128x16xf32, #tpu.memory_space<vmem>>) target(%dma_start3A_61 : memref<10240x16xf32, #tpu.memory_space<vmem_shared>>) offsets(%dma_start3A_58 : memref<128xi32, #tpu.memory_space<vmem>>) semaphore(%arg7 : memref<!tpu.dma_semaphore, #tpu.memory_space<semaphore_mem>>) {add = true}
      %mul3A_62 = arith.constant 4 : i32
      %mul3A_63 = arith.muli %scan3A_51, %mul3A_62 : i32
      %add3A_64 = arith.constant 1 : i32
      %add3A_65 = arith.addi %mul3A_63, %add3A_64 : i32
      %dma_start3A_66 = arith.constant 0 : i32
      %dma_start3A_67 = tpu.memref_slice %arg4[%add3A_65, %dma_start3A_66] : memref<80x128xi32, #tpu.memory_space<vmem>> -> memref<1x128xi32, #tpu.memory_space<vmem>>
      %dma_start3A_68 = tpu.memref_squeeze %dma_start3A_67 : memref<1x128xi32, #tpu.memory_space<vmem>> -> memref<128xi32, #tpu.memory_space<vmem>>
      %dma_start3A_69 = arith.constant 0 : i32
      %dma_start3A_70 = arith.constant 0 : i32
      %dma_start3A_71 = tpu.memref_slice %arg6[%dma_start3A_69, %dma_start3A_70] : memref<10240x16xf32, #tpu.memory_space<vmem_shared>> -> memref<10240x16xf32, #tpu.memory_space<vmem_shared>>
      tpu.enqueue_indirect_dma source(%arg5 : memref<128x16xf32, #tpu.memory_space<vmem>>) target(%dma_start3A_71 : memref<10240x16xf32, #tpu.memory_space<vmem_shared>>) offsets(%dma_start3A_68 : memref<128xi32, #tpu.memory_space<vmem>>) semaphore(%arg7 : memref<!tpu.dma_semaphore, #tpu.memory_space<semaphore_mem>>) {add = true}
      %mul3A_72 = arith.constant 4 : i32
      %mul3A_73 = arith.muli %scan3A_51, %mul3A_72 : i32
      %add3A_74 = arith.constant 2 : i32
      %add3A_75 = arith.addi %mul3A_73, %add3A_74 : i32
      %dma_start3A_76 = arith.constant 0 : i32
      %dma_start3A_77 = tpu.memref_slice %arg4[%add3A_75, %dma_start3A_76] : memref<80x128xi32, #tpu.memory_space<vmem>> -> memref<1x128xi32, #tpu.memory_space<vmem>>
      %dma_start3A_78 = tpu.memref_squeeze %dma_start3A_77 : memref<1x128xi32, #tpu.memory_space<vmem>> -> memref<128xi32, #tpu.memory_space<vmem>>
      %dma_start3A_79 = arith.constant 0 : i32
      %dma_start3A_80 = arith.constant 0 : i32
      %dma_start3A_81 = tpu.memref_slice %arg6[%dma_start3A_79, %dma_start3A_80] : memref<10240x16xf32, #tpu.memory_space<vmem_shared>> -> memref<10240x16xf32, #tpu.memory_space<vmem_shared>>
      tpu.enqueue_indirect_dma source(%arg5 : memref<128x16xf32, #tpu.memory_space<vmem>>) target(%dma_start3A_81 : memref<10240x16xf32, #tpu.memory_space<vmem_shared>>) offsets(%dma_start3A_78 : memref<128xi32, #tpu.memory_space<vmem>>) semaphore(%arg7 : memref<!tpu.dma_semaphore, #tpu.memory_space<semaphore_mem>>) {add = true}
      %mul3A_82 = arith.constant 4 : i32
      %mul3A_83 = arith.muli %scan3A_51, %mul3A_82 : i32
      %add3A_84 = arith.constant 3 : i32
      %add3A_85 = arith.addi %mul3A_83, %add3A_84 : i32
      %dma_start3A_86 = arith.constant 0 : i32
      %dma_start3A_87 = tpu.memref_slice %arg4[%add3A_85, %dma_start3A_86] : memref<80x128xi32, #tpu.memory_space<vmem>> -> memref<1x128xi32, #tpu.memory_space<vmem>>
      %dma_start3A_88 = tpu.memref_squeeze %dma_start3A_87 : memref<1x128xi32, #tpu.memory_space<vmem>> -> memref<128xi32, #tpu.memory_space<vmem>>
      %dma_start3A_89 = arith.constant 0 : i32
      %dma_start3A_90 = arith.constant 0 : i32
      %dma_start3A_91 = tpu.memref_slice %arg6[%dma_start3A_89, %dma_start3A_90] : memref<10240x16xf32, #tpu.memory_space<vmem_shared>> -> memref<10240x16xf32, #tpu.memory_space<vmem_shared>>
      tpu.enqueue_indirect_dma source(%arg5 : memref<128x16xf32, #tpu.memory_space<vmem>>) target(%dma_start3A_91 : memref<10240x16xf32, #tpu.memory_space<vmem_shared>>) offsets(%dma_start3A_88 : memref<128xi32, #tpu.memory_space<vmem>>) semaphore(%arg7 : memref<!tpu.dma_semaphore, #tpu.memory_space<semaphore_mem>>) {add = true}
      %dma_wait3A = arith.constant 0 : i32
      %dma_wait3A_92 = tpu.memref_slice %arg4[%add3A_56, %dma_wait3A] : memref<80x128xi32, #tpu.memory_space<vmem>> -> memref<1x128xi32, #tpu.memory_space<vmem>>
      %dma_wait3A_93 = tpu.memref_squeeze %dma_wait3A_92 : memref<1x128xi32, #tpu.memory_space<vmem>> -> memref<128xi32, #tpu.memory_space<vmem>>
      %dma_wait3A_94 = arith.constant 0 : i32
      %dma_wait3A_95 = arith.constant 0 : i32
      %dma_wait3A_96 = tpu.memref_slice %arg6[%dma_wait3A_94, %dma_wait3A_95] : memref<10240x16xf32, #tpu.memory_space<vmem_shared>> -> memref<10240x16xf32, #tpu.memory_space<vmem_shared>>
      tpu.wait_indirect_dma semaphore(%arg7 : memref<!tpu.dma_semaphore, #tpu.memory_space<semaphore_mem>>) src(%arg5 : memref<128x16xf32, #tpu.memory_space<vmem>>) dst(%dma_wait3A_96 : memref<10240x16xf32, #tpu.memory_space<vmem_shared>>)
      %dma_wait3A_97 = arith.constant 0 : i32
      %dma_wait3A_98 = tpu.memref_slice %arg4[%add3A_65, %dma_wait3A_97] : memref<80x128xi32, #tpu.memory_space<vmem>> -> memref<1x128xi32, #tpu.memory_space<vmem>>
      %dma_wait3A_99 = tpu.memref_squeeze %dma_wait3A_98 : memref<1x128xi32, #tpu.memory_space<vmem>> -> memref<128xi32, #tpu.memory_space<vmem>>
      %dma_wait3A_100 = arith.constant 0 : i32
      %dma_wait3A_101 = arith.constant 0 : i32
      %dma_wait3A_102 = tpu.memref_slice %arg6[%dma_wait3A_100, %dma_wait3A_101] : memref<10240x16xf32, #tpu.memory_space<vmem_shared>> -> memref<10240x16xf32, #tpu.memory_space<vmem_shared>>
      tpu.wait_indirect_dma semaphore(%arg7 : memref<!tpu.dma_semaphore, #tpu.memory_space<semaphore_mem>>) src(%arg5 : memref<128x16xf32, #tpu.memory_space<vmem>>) dst(%dma_wait3A_102 : memref<10240x16xf32, #tpu.memory_space<vmem_shared>>)
      %dma_wait3A_103 = arith.constant 0 : i32
      %dma_wait3A_104 = tpu.memref_slice %arg4[%add3A_75, %dma_wait3A_103] : memref<80x128xi32, #tpu.memory_space<vmem>> -> memref<1x128xi32, #tpu.memory_space<vmem>>
      %dma_wait3A_105 = tpu.memref_squeeze %dma_wait3A_104 : memref<1x128xi32, #tpu.memory_space<vmem>> -> memref<128xi32, #tpu.memory_space<vmem>>
      %dma_wait3A_106 = arith.constant 0 : i32
      %dma_wait3A_107 = arith.constant 0 : i32
      %dma_wait3A_108 = tpu.memref_slice %arg6[%dma_wait3A_106, %dma_wait3A_107] : memref<10240x16xf32, #tpu.memory_space<vmem_shared>> -> memref<10240x16xf32, #tpu.memory_space<vmem_shared>>
      tpu.wait_indirect_dma semaphore(%arg7 : memref<!tpu.dma_semaphore, #tpu.memory_space<semaphore_mem>>) src(%arg5 : memref<128x16xf32, #tpu.memory_space<vmem>>) dst(%dma_wait3A_108 : memref<10240x16xf32, #tpu.memory_space<vmem_shared>>)
      %dma_wait3A_109 = arith.constant 0 : i32
      %dma_wait3A_110 = tpu.memref_slice %arg4[%add3A_85, %dma_wait3A_109] : memref<80x128xi32, #tpu.memory_space<vmem>> -> memref<1x128xi32, #tpu.memory_space<vmem>>
      %dma_wait3A_111 = tpu.memref_squeeze %dma_wait3A_110 : memref<1x128xi32, #tpu.memory_space<vmem>> -> memref<128xi32, #tpu.memory_space<vmem>>
      %dma_wait3A_112 = arith.constant 0 : i32
      %dma_wait3A_113 = arith.constant 0 : i32
      %dma_wait3A_114 = tpu.memref_slice %arg6[%dma_wait3A_112, %dma_wait3A_113] : memref<10240x16xf32, #tpu.memory_space<vmem_shared>> -> memref<10240x16xf32, #tpu.memory_space<vmem_shared>>
      tpu.wait_indirect_dma semaphore(%arg7 : memref<!tpu.dma_semaphore, #tpu.memory_space<semaphore_mem>>) src(%arg5 : memref<128x16xf32, #tpu.memory_space<vmem>>) dst(%dma_wait3A_114 : memref<10240x16xf32, #tpu.memory_space<vmem_shared>>)
      %scan3A_115 = arith.constant 0 : i32
      scf.yield %scan3A_115 : i32
    }
    %scan3A_45 = arith.constant 20 : i32
    %barrier3A_46 = arith.constant 0 : index
    tpu.barrier barrier_id(%barrier3A_46)
    %mul3A_47 = arith.constant 640 : i32
    %mul3A_48 = arith.muli %arg1, %mul3A_47 : i32
    %mul3A_49 = arith.constant 640 : i32
    %mul3A_50 = arith.muli %arg1, %mul3A_49 : i32
    "tpu.region"() ({
      %run_scoped3A = tpu.sem_alloc : memref<!tpu.dma_semaphore, #tpu.memory_space<semaphore_mem>>
      %dma_start3A = arith.constant 0 : i32
      %dma_start3A_51 = tpu.memref_slice %arg3[%arg0, %mul3A_50, %dma_start3A] : memref<2x10240x16xf32, #tpu.memory_space<hbm>> -> memref<1x640x16xf32, #tpu.memory_space<hbm>>
      %dma_start3A_52 = tpu.memref_squeeze %dma_start3A_51 : memref<1x640x16xf32, #tpu.memory_space<hbm>> -> memref<640x16xf32, #tpu.memory_space<hbm>>
      %dma_start3A_53 = arith.constant 0 : i32
      %dma_start3A_54 = tpu.memref_slice %arg6[%mul3A_48, %dma_start3A_53] : memref<10240x16xf32, #tpu.memory_space<vmem_shared>> -> memref<640x16xf32, #tpu.memory_space<vmem_shared>>
      tpu.enqueue_dma source(%dma_start3A_54 : memref<640x16xf32, #tpu.memory_space<vmem_shared>>) target(%dma_start3A_52 : memref<640x16xf32, #tpu.memory_space<hbm>>) target_semaphore(%run_scoped3A : memref<!tpu.dma_semaphore, #tpu.memory_space<semaphore_mem>>)
      %dma_wait3A = arith.constant 0 : i32
      %dma_wait3A_55 = tpu.memref_slice %arg3[%arg0, %mul3A_50, %dma_wait3A] : memref<2x10240x16xf32, #tpu.memory_space<hbm>> -> memref<1x640x16xf32, #tpu.memory_space<hbm>>
      %dma_wait3A_56 = tpu.memref_squeeze %dma_wait3A_55 : memref<1x640x16xf32, #tpu.memory_space<hbm>> -> memref<640x16xf32, #tpu.memory_space<hbm>>
      %dma_wait3A_57 = arith.constant 0 : i32
      %dma_wait3A_58 = tpu.memref_slice %arg6[%mul3A_48, %dma_wait3A_57] : memref<10240x16xf32, #tpu.memory_space<vmem_shared>> -> memref<640x16xf32, #tpu.memory_space<vmem_shared>>
      tpu.wait_dma2 semaphore(%run_scoped3A : memref<!tpu.dma_semaphore, #tpu.memory_space<semaphore_mem>>) src(%dma_wait3A_58 : memref<640x16xf32, #tpu.memory_space<vmem_shared>>) dst(%dma_wait3A_56 : memref<640x16xf32, #tpu.memory_space<hbm>>)
      tpu.yield
    }) : () -> ()
    return
  }
}

#map = affine_map<(d0, d1) -> (0, 0)>
#map1 = affine_map<(d0, d1) -> (0, 0, 0)>
module attributes {stable_mosaic.version = 14 : i64} {
  func.func @agg_kernel(%arg0: i32, %arg1: i32, %arg2: memref<10240x64xf32, #tpu.memory_space<hbm>>, %arg3: memref<2560x2x128xi32, #tpu.memory_space<hbm>>, %arg4: memref<2x10240x64xf32, #tpu.memory_space<hbm>>, %arg5: memref<8x2x128xi32, #tpu.memory_space<vmem>>, %arg6: memref<4x128x64xf32, #tpu.memory_space<vmem>>, %arg7: memref<10240x64xf32, #tpu.memory_space<vmem_shared>>, %arg8: memref<10240x64xf32, #tpu.memory_space<vmem_shared>>, %arg9: memref<!tpu.dma_semaphore, #tpu.memory_space<semaphore_mem>>, %arg10: memref<!tpu.dma_semaphore, #tpu.memory_space<semaphore_mem>>) attributes {dimension_semantics = [#tpu.dimension_semantics<core_parallel>, #tpu.dimension_semantics<subcore_parallel>], iteration_bounds = array<i64: 2, 16>, scalar_prefetch = 0 : i64, scratch_operands = 6 : i64, tpu.core_type = #tpu.core_type<sc_vector_subcore>, window_params = [{transform_indices = #map}, {transform_indices = #map1}, {transform_indices = #map1}]} {
    %mul3A = arith.constant 2 : i32
    %mul3A_0 = arith.muli %arg1, %mul3A : i32
    %add3A = arith.addi %mul3A_0, %arg0 : i32
    %mul3A_1 = arith.constant 640 : i32
    %mul3A_2 = arith.muli %arg1, %mul3A_1 : i32
    %mul3A_3 = arith.constant 640 : i32
    %mul3A_4 = arith.muli %arg1, %mul3A_3 : i32
    "tpu.region"() ({
      %run_scoped3A_49 = tpu.sem_alloc : memref<!tpu.dma_semaphore, #tpu.memory_space<semaphore_mem>>
      %dma_start3A = arith.constant 0 : i32
      %dma_start3A_50 = tpu.memref_slice %arg8[%mul3A_4, %dma_start3A] : memref<10240x64xf32, #tpu.memory_space<vmem_shared>> -> memref<640x64xf32, #tpu.memory_space<vmem_shared>>
      %dma_start3A_51 = arith.constant 0 : i32
      %dma_start3A_52 = tpu.memref_slice %arg2[%mul3A_2, %dma_start3A_51] : memref<10240x64xf32, #tpu.memory_space<hbm>> -> memref<640x64xf32, #tpu.memory_space<hbm>>
      tpu.enqueue_dma source(%dma_start3A_52 : memref<640x64xf32, #tpu.memory_space<hbm>>) target(%dma_start3A_50 : memref<640x64xf32, #tpu.memory_space<vmem_shared>>) target_semaphore(%run_scoped3A_49 : memref<!tpu.dma_semaphore, #tpu.memory_space<semaphore_mem>>)
      %dma_wait3A = arith.constant 0 : i32
      %dma_wait3A_53 = tpu.memref_slice %arg8[%mul3A_4, %dma_wait3A] : memref<10240x64xf32, #tpu.memory_space<vmem_shared>> -> memref<640x64xf32, #tpu.memory_space<vmem_shared>>
      %dma_wait3A_54 = arith.constant 0 : i32
      %dma_wait3A_55 = tpu.memref_slice %arg2[%mul3A_2, %dma_wait3A_54] : memref<10240x64xf32, #tpu.memory_space<hbm>> -> memref<640x64xf32, #tpu.memory_space<hbm>>
      tpu.wait_dma2 semaphore(%run_scoped3A_49 : memref<!tpu.dma_semaphore, #tpu.memory_space<semaphore_mem>>) src(%dma_wait3A_55 : memref<640x64xf32, #tpu.memory_space<hbm>>) dst(%dma_wait3A_53 : memref<640x64xf32, #tpu.memory_space<vmem_shared>>)
      tpu.yield
    }) : () -> ()
    %broadcast_in_dim3A = arith.constant 0.000000e+00 : f32
    %broadcast_in_dim3A_5 = vector.broadcast %broadcast_in_dim3A : f32 to vector<16xf32>
    %scan3A = arith.constant 0 : i32
    %scan3A_6 = arith.constant 0 : i32
    %scan3A_7 = arith.constant 0 : i32
    %scan3A_8 = arith.constant 512 : i32
    %scan3A_9 = arith.addi %scan3A_7, %scan3A_8 : i32
    %scan3A_10 = arith.constant 1 : i32
    %scan3A_11 = scf.for %scan3A_49 = %scan3A_7 to %scan3A_9 step %scan3A_10 iter_args(%scan3A_50 = %scan3A_6) -> (i32)  : i32 {
      %jit3A = arith.constant 4 : i32
      %div3A = arith.divsi %scan3A_49, %jit3A : i32
      %sign3A = arith.constant 0 : i32
      %sign3A_51 = arith.cmpi sgt, %scan3A_49, %sign3A : i32
      %sign3A_52 = arith.extui %sign3A_51 : i1 to i32
      %sign3A_53 = arith.constant 0 : i32
      %sign3A_54 = arith.cmpi slt, %scan3A_49, %sign3A_53 : i32
      %sign3A_55 = arith.extui %sign3A_54 : i1 to i32
      %sign3A_56 = arith.subi %sign3A_52, %sign3A_55 : i32
      %sign3A_57 = arith.constant 0 : i32
      %sign3A_58 = arith.cmpi sgt, %jit3A, %sign3A_57 : i32
      %sign3A_59 = arith.extui %sign3A_58 : i1 to i32
      %sign3A_60 = arith.constant 0 : i32
      %sign3A_61 = arith.cmpi slt, %jit3A, %sign3A_60 : i32
      %sign3A_62 = arith.extui %sign3A_61 : i1 to i32
      %sign3A_63 = arith.subi %sign3A_59, %sign3A_62 : i32
      %ne3A = arith.cmpi ne, %sign3A_56, %sign3A_63 : i32
      %rem3A = arith.remsi %scan3A_49, %jit3A : i32
      %ne3A_64 = arith.constant 0 : i32
      %ne3A_65 = arith.cmpi ne, %rem3A, %ne3A_64 : i32
      %and3A = arith.andi %ne3A, %ne3A_65 : i1
      %sub3A = arith.constant 1 : i32
      %sub3A_66 = arith.subi %div3A, %sub3A : i32
      %select_n3A = arith.select %and3A, %sub3A_66, %div3A : i32
      %jit3A_67 = arith.constant 4 : i32
      %eq3A = arith.constant 0 : i32
      %eq3A_68 = arith.cmpi eq, %jit3A_67, %eq3A : i32
      %jit3A_69 = arith.constant 1 : i32
      %select_n3A_70 = arith.select %eq3A_68, %jit3A_69, %jit3A_67 : i32
      %rem3A_71 = arith.remsi %scan3A_49, %select_n3A_70 : i32
      %ne3A_72 = arith.constant 0 : i32
      %ne3A_73 = arith.cmpi ne, %rem3A_71, %ne3A_72 : i32
      %lt3A = arith.constant 0 : i32
      %lt3A_74 = arith.cmpi slt, %rem3A_71, %lt3A : i32
      %lt3A_75 = arith.constant 0 : i32
      %lt3A_76 = arith.cmpi slt, %select_n3A_70, %lt3A_75 : i32
      %ne3A_77 = arith.xori %lt3A_74, %lt3A_76 : i1
      %and3A_78 = arith.andi %ne3A_77, %ne3A_73 : i1
      %add3A_79 = arith.addi %rem3A_71, %select_n3A_70 : i32
      %select_n3A_80 = arith.select %and3A_78, %add3A_79, %rem3A_71 : i32
      %mul3A_81 = arith.constant 16 : i32
      %mul3A_82 = arith.muli %select_n3A_80, %mul3A_81 : i32
      %swap3A = arith.constant 0 : i32
      %swap3A_83 = arith.constant 0 : i32
      %swap3A_84 = tpu.memref_slice %arg6[%scan3A, %swap3A, %swap3A_83] : memref<4x128x64xf32, #tpu.memory_space<vmem>> -> memref<1x128x64xf32, #tpu.memory_space<vmem>>
      %swap3A_85 = tpu.memref_squeeze %swap3A_84 : memref<1x128x64xf32, #tpu.memory_space<vmem>> -> memref<128x64xf32, #tpu.memory_space<vmem>>
      %swap3A_86 = arith.index_cast %select_n3A : i32 to index
      %swap3A_87 = arith.index_cast %mul3A_82 : i32 to index
      %swap3A_88 = tpu.vector_load %swap3A_85[%swap3A_86, %swap3A_87] {strides = array<i32>} : memref<128x64xf32, #tpu.memory_space<vmem>>, vector<1x16xf32>,
      %swap3A_89 = vector.shape_cast %swap3A_88 : vector<1x16xf32> to vector<16xf32>
      %swap3A_90 = vector.shape_cast %broadcast_in_dim3A_5 : vector<16xf32> to vector<1x16xf32>
      tpu.vector_store %swap3A_85[%swap3A_86, %swap3A_87], %swap3A_90 {strides = array<i32>} : memref<128x64xf32, #tpu.memory_space<vmem>>, vector<1x16xf32>,
      %scan3A_91 = arith.constant 0 : i32
      scf.yield %scan3A_91 : i32
    }
    %scan3A_12 = arith.constant 512 : i32
    %mul3A_13 = arith.constant 640 : i32
    %mul3A_14 = arith.muli %arg1, %mul3A_13 : i32
    %add3A_15 = arith.constant 0 : i32
    %add3A_16 = arith.addi %mul3A_14, %add3A_15 : i32
    %run_scoped3A = arith.constant 0 : i32
    "tpu.region"() ({
      %run_scoped3A_49 = tpu.sem_alloc : memref<!tpu.dma_semaphore, #tpu.memory_space<semaphore_mem>>
      %dma_start3A = arith.constant 0 : i32
      %dma_start3A_50 = arith.constant 0 : i32
      %dma_start3A_51 = tpu.memref_slice %arg6[%run_scoped3A, %dma_start3A, %dma_start3A_50] : memref<4x128x64xf32, #tpu.memory_space<vmem>> -> memref<1x128x64xf32, #tpu.memory_space<vmem>>
      %dma_start3A_52 = tpu.memref_squeeze %dma_start3A_51 : memref<1x128x64xf32, #tpu.memory_space<vmem>> -> memref<128x64xf32, #tpu.memory_space<vmem>>
      %dma_start3A_53 = arith.constant 0 : i32
      %dma_start3A_54 = tpu.memref_slice %arg7[%add3A_16, %dma_start3A_53] : memref<10240x64xf32, #tpu.memory_space<vmem_shared>> -> memref<128x64xf32, #tpu.memory_space<vmem_shared>>
      %dma_start3A_55 = arith.constant 0 : i32
      %dma_start3A_56 = tpu.memref_slice %arg7[%add3A_16, %dma_start3A_55] : memref<10240x64xf32, #tpu.memory_space<vmem_shared>> -> memref<128x64xf32, #tpu.memory_space<vmem_shared>>
      %dma_start3A_57 = arith.constant 0 : i32
      %dma_start3A_58 = arith.constant 0 : i32
      %dma_start3A_59 = tpu.memref_slice %arg6[%run_scoped3A, %dma_start3A_57, %dma_start3A_58] : memref<4x128x64xf32, #tpu.memory_space<vmem>> -> memref<1x128x64xf32, #tpu.memory_space<vmem>>
      %dma_start3A_60 = tpu.memref_squeeze %dma_start3A_59 : memref<1x128x64xf32, #tpu.memory_space<vmem>> -> memref<128x64xf32, #tpu.memory_space<vmem>>
      tpu.enqueue_dma source(%dma_start3A_60 : memref<128x64xf32, #tpu.memory_space<vmem>>) target(%dma_start3A_56 : memref<128x64xf32, #tpu.memory_space<vmem_shared>>) target_semaphore(%run_scoped3A_49 : memref<!tpu.dma_semaphore, #tpu.memory_space<semaphore_mem>>)
      %dma_wait3A = arith.constant 0 : i32
      %dma_wait3A_61 = arith.constant 0 : i32
      %dma_wait3A_62 = tpu.memref_slice %arg6[%run_scoped3A, %dma_wait3A, %dma_wait3A_61] : memref<4x128x64xf32, #tpu.memory_space<vmem>> -> memref<1x128x64xf32, #tpu.memory_space<vmem>>
      %dma_wait3A_63 = tpu.memref_squeeze %dma_wait3A_62 : memref<1x128x64xf32, #tpu.memory_space<vmem>> -> memref<128x64xf32, #tpu.memory_space<vmem>>
      %dma_wait3A_64 = arith.constant 0 : i32
      %dma_wait3A_65 = tpu.memref_slice %arg7[%add3A_16, %dma_wait3A_64] : memref<10240x64xf32, #tpu.memory_space<vmem_shared>> -> memref<128x64xf32, #tpu.memory_space<vmem_shared>>
      %dma_wait3A_66 = arith.constant 0 : i32
      %dma_wait3A_67 = tpu.memref_slice %arg7[%add3A_16, %dma_wait3A_66] : memref<10240x64xf32, #tpu.memory_space<vmem_shared>> -> memref<128x64xf32, #tpu.memory_space<vmem_shared>>
      %dma_wait3A_68 = arith.constant 0 : i32
      %dma_wait3A_69 = arith.constant 0 : i32
      %dma_wait3A_70 = tpu.memref_slice %arg6[%run_scoped3A, %dma_wait3A_68, %dma_wait3A_69] : memref<4x128x64xf32, #tpu.memory_space<vmem>> -> memref<1x128x64xf32, #tpu.memory_space<vmem>>
      %dma_wait3A_71 = tpu.memref_squeeze %dma_wait3A_70 : memref<1x128x64xf32, #tpu.memory_space<vmem>> -> memref<128x64xf32, #tpu.memory_space<vmem>>
      tpu.wait_dma2 semaphore(%run_scoped3A_49 : memref<!tpu.dma_semaphore, #tpu.memory_space<semaphore_mem>>) src(%dma_wait3A_71 : memref<128x64xf32, #tpu.memory_space<vmem>>) dst(%dma_wait3A_67 : memref<128x64xf32, #tpu.memory_space<vmem_shared>>)
      tpu.yield
    }) : () -> ()
    %mul3A_17 = arith.constant 640 : i32
    %mul3A_18 = arith.muli %arg1, %mul3A_17 : i32
    %add3A_19 = arith.constant 128 : i32
    %add3A_20 = arith.addi %mul3A_18, %add3A_19 : i32
    %run_scoped3A_21 = arith.constant 0 : i32
    "tpu.region"() ({
      %run_scoped3A_49 = tpu.sem_alloc : memref<!tpu.dma_semaphore, #tpu.memory_space<semaphore_mem>>
      %dma_start3A = arith.constant 0 : i32
      %dma_start3A_50 = arith.constant 0 : i32
      %dma_start3A_51 = tpu.memref_slice %arg6[%run_scoped3A_21, %dma_start3A, %dma_start3A_50] : memref<4x128x64xf32, #tpu.memory_space<vmem>> -> memref<1x128x64xf32, #tpu.memory_space<vmem>>
      %dma_start3A_52 = tpu.memref_squeeze %dma_start3A_51 : memref<1x128x64xf32, #tpu.memory_space<vmem>> -> memref<128x64xf32, #tpu.memory_space<vmem>>
      %dma_start3A_53 = arith.constant 0 : i32
      %dma_start3A_54 = tpu.memref_slice %arg7[%add3A_20, %dma_start3A_53] : memref<10240x64xf32, #tpu.memory_space<vmem_shared>> -> memref<128x64xf32, #tpu.memory_space<vmem_shared>>
      %dma_start3A_55 = arith.constant 0 : i32
      %dma_start3A_56 = tpu.memref_slice %arg7[%add3A_20, %dma_start3A_55] : memref<10240x64xf32, #tpu.memory_space<vmem_shared>> -> memref<128x64xf32, #tpu.memory_space<vmem_shared>>
      %dma_start3A_57 = arith.constant 0 : i32
      %dma_start3A_58 = arith.constant 0 : i32
      %dma_start3A_59 = tpu.memref_slice %arg6[%run_scoped3A_21, %dma_start3A_57, %dma_start3A_58] : memref<4x128x64xf32, #tpu.memory_space<vmem>> -> memref<1x128x64xf32, #tpu.memory_space<vmem>>
      %dma_start3A_60 = tpu.memref_squeeze %dma_start3A_59 : memref<1x128x64xf32, #tpu.memory_space<vmem>> -> memref<128x64xf32, #tpu.memory_space<vmem>>
      tpu.enqueue_dma source(%dma_start3A_60 : memref<128x64xf32, #tpu.memory_space<vmem>>) target(%dma_start3A_56 : memref<128x64xf32, #tpu.memory_space<vmem_shared>>) target_semaphore(%run_scoped3A_49 : memref<!tpu.dma_semaphore, #tpu.memory_space<semaphore_mem>>)
      %dma_wait3A = arith.constant 0 : i32
      %dma_wait3A_61 = arith.constant 0 : i32
      %dma_wait3A_62 = tpu.memref_slice %arg6[%run_scoped3A_21, %dma_wait3A, %dma_wait3A_61] : memref<4x128x64xf32, #tpu.memory_space<vmem>> -> memref<1x128x64xf32, #tpu.memory_space<vmem>>
      %dma_wait3A_63 = tpu.memref_squeeze %dma_wait3A_62 : memref<1x128x64xf32, #tpu.memory_space<vmem>> -> memref<128x64xf32, #tpu.memory_space<vmem>>
      %dma_wait3A_64 = arith.constant 0 : i32
      %dma_wait3A_65 = tpu.memref_slice %arg7[%add3A_20, %dma_wait3A_64] : memref<10240x64xf32, #tpu.memory_space<vmem_shared>> -> memref<128x64xf32, #tpu.memory_space<vmem_shared>>
      %dma_wait3A_66 = arith.constant 0 : i32
      %dma_wait3A_67 = tpu.memref_slice %arg7[%add3A_20, %dma_wait3A_66] : memref<10240x64xf32, #tpu.memory_space<vmem_shared>> -> memref<128x64xf32, #tpu.memory_space<vmem_shared>>
      %dma_wait3A_68 = arith.constant 0 : i32
      %dma_wait3A_69 = arith.constant 0 : i32
      %dma_wait3A_70 = tpu.memref_slice %arg6[%run_scoped3A_21, %dma_wait3A_68, %dma_wait3A_69] : memref<4x128x64xf32, #tpu.memory_space<vmem>> -> memref<1x128x64xf32, #tpu.memory_space<vmem>>
      %dma_wait3A_71 = tpu.memref_squeeze %dma_wait3A_70 : memref<1x128x64xf32, #tpu.memory_space<vmem>> -> memref<128x64xf32, #tpu.memory_space<vmem>>
      tpu.wait_dma2 semaphore(%run_scoped3A_49 : memref<!tpu.dma_semaphore, #tpu.memory_space<semaphore_mem>>) src(%dma_wait3A_71 : memref<128x64xf32, #tpu.memory_space<vmem>>) dst(%dma_wait3A_67 : memref<128x64xf32, #tpu.memory_space<vmem_shared>>)
      tpu.yield
    }) : () -> ()
    %mul3A_22 = arith.constant 640 : i32
    %mul3A_23 = arith.muli %arg1, %mul3A_22 : i32
    %add3A_24 = arith.constant 256 : i32
    %add3A_25 = arith.addi %mul3A_23, %add3A_24 : i32
    %run_scoped3A_26 = arith.constant 0 : i32
    "tpu.region"() ({
      %run_scoped3A_49 = tpu.sem_alloc : memref<!tpu.dma_semaphore, #tpu.memory_space<semaphore_mem>>
      %dma_start3A = arith.constant 0 : i32
      %dma_start3A_50 = arith.constant 0 : i32
      %dma_start3A_51 = tpu.memref_slice %arg6[%run_scoped3A_26, %dma_start3A, %dma_start3A_50] : memref<4x128x64xf32, #tpu.memory_space<vmem>> -> memref<1x128x64xf32, #tpu.memory_space<vmem>>
      %dma_start3A_52 = tpu.memref_squeeze %dma_start3A_51 : memref<1x128x64xf32, #tpu.memory_space<vmem>> -> memref<128x64xf32, #tpu.memory_space<vmem>>
      %dma_start3A_53 = arith.constant 0 : i32
      %dma_start3A_54 = tpu.memref_slice %arg7[%add3A_25, %dma_start3A_53] : memref<10240x64xf32, #tpu.memory_space<vmem_shared>> -> memref<128x64xf32, #tpu.memory_space<vmem_shared>>
      %dma_start3A_55 = arith.constant 0 : i32
      %dma_start3A_56 = tpu.memref_slice %arg7[%add3A_25, %dma_start3A_55] : memref<10240x64xf32, #tpu.memory_space<vmem_shared>> -> memref<128x64xf32, #tpu.memory_space<vmem_shared>>
      %dma_start3A_57 = arith.constant 0 : i32
      %dma_start3A_58 = arith.constant 0 : i32
      %dma_start3A_59 = tpu.memref_slice %arg6[%run_scoped3A_26, %dma_start3A_57, %dma_start3A_58] : memref<4x128x64xf32, #tpu.memory_space<vmem>> -> memref<1x128x64xf32, #tpu.memory_space<vmem>>
      %dma_start3A_60 = tpu.memref_squeeze %dma_start3A_59 : memref<1x128x64xf32, #tpu.memory_space<vmem>> -> memref<128x64xf32, #tpu.memory_space<vmem>>
      tpu.enqueue_dma source(%dma_start3A_60 : memref<128x64xf32, #tpu.memory_space<vmem>>) target(%dma_start3A_56 : memref<128x64xf32, #tpu.memory_space<vmem_shared>>) target_semaphore(%run_scoped3A_49 : memref<!tpu.dma_semaphore, #tpu.memory_space<semaphore_mem>>)
      %dma_wait3A = arith.constant 0 : i32
      %dma_wait3A_61 = arith.constant 0 : i32
      %dma_wait3A_62 = tpu.memref_slice %arg6[%run_scoped3A_26, %dma_wait3A, %dma_wait3A_61] : memref<4x128x64xf32, #tpu.memory_space<vmem>> -> memref<1x128x64xf32, #tpu.memory_space<vmem>>
      %dma_wait3A_63 = tpu.memref_squeeze %dma_wait3A_62 : memref<1x128x64xf32, #tpu.memory_space<vmem>> -> memref<128x64xf32, #tpu.memory_space<vmem>>
      %dma_wait3A_64 = arith.constant 0 : i32
      %dma_wait3A_65 = tpu.memref_slice %arg7[%add3A_25, %dma_wait3A_64] : memref<10240x64xf32, #tpu.memory_space<vmem_shared>> -> memref<128x64xf32, #tpu.memory_space<vmem_shared>>
      %dma_wait3A_66 = arith.constant 0 : i32
      %dma_wait3A_67 = tpu.memref_slice %arg7[%add3A_25, %dma_wait3A_66] : memref<10240x64xf32, #tpu.memory_space<vmem_shared>> -> memref<128x64xf32, #tpu.memory_space<vmem_shared>>
      %dma_wait3A_68 = arith.constant 0 : i32
      %dma_wait3A_69 = arith.constant 0 : i32
      %dma_wait3A_70 = tpu.memref_slice %arg6[%run_scoped3A_26, %dma_wait3A_68, %dma_wait3A_69] : memref<4x128x64xf32, #tpu.memory_space<vmem>> -> memref<1x128x64xf32, #tpu.memory_space<vmem>>
      %dma_wait3A_71 = tpu.memref_squeeze %dma_wait3A_70 : memref<1x128x64xf32, #tpu.memory_space<vmem>> -> memref<128x64xf32, #tpu.memory_space<vmem>>
      tpu.wait_dma2 semaphore(%run_scoped3A_49 : memref<!tpu.dma_semaphore, #tpu.memory_space<semaphore_mem>>) src(%dma_wait3A_71 : memref<128x64xf32, #tpu.memory_space<vmem>>) dst(%dma_wait3A_67 : memref<128x64xf32, #tpu.memory_space<vmem_shared>>)
      tpu.yield
    }) : () -> ()
    %mul3A_27 = arith.constant 640 : i32
    %mul3A_28 = arith.muli %arg1, %mul3A_27 : i32
    %add3A_29 = arith.constant 384 : i32
    %add3A_30 = arith.addi %mul3A_28, %add3A_29 : i32
    %run_scoped3A_31 = arith.constant 0 : i32
    "tpu.region"() ({
      %run_scoped3A_49 = tpu.sem_alloc : memref<!tpu.dma_semaphore, #tpu.memory_space<semaphore_mem>>
      %dma_start3A = arith.constant 0 : i32
      %dma_start3A_50 = arith.constant 0 : i32
      %dma_start3A_51 = tpu.memref_slice %arg6[%run_scoped3A_31, %dma_start3A, %dma_start3A_50] : memref<4x128x64xf32, #tpu.memory_space<vmem>> -> memref<1x128x64xf32, #tpu.memory_space<vmem>>
      %dma_start3A_52 = tpu.memref_squeeze %dma_start3A_51 : memref<1x128x64xf32, #tpu.memory_space<vmem>> -> memref<128x64xf32, #tpu.memory_space<vmem>>
      %dma_start3A_53 = arith.constant 0 : i32
      %dma_start3A_54 = tpu.memref_slice %arg7[%add3A_30, %dma_start3A_53] : memref<10240x64xf32, #tpu.memory_space<vmem_shared>> -> memref<128x64xf32, #tpu.memory_space<vmem_shared>>
      %dma_start3A_55 = arith.constant 0 : i32
      %dma_start3A_56 = tpu.memref_slice %arg7[%add3A_30, %dma_start3A_55] : memref<10240x64xf32, #tpu.memory_space<vmem_shared>> -> memref<128x64xf32, #tpu.memory_space<vmem_shared>>
      %dma_start3A_57 = arith.constant 0 : i32
      %dma_start3A_58 = arith.constant 0 : i32
      %dma_start3A_59 = tpu.memref_slice %arg6[%run_scoped3A_31, %dma_start3A_57, %dma_start3A_58] : memref<4x128x64xf32, #tpu.memory_space<vmem>> -> memref<1x128x64xf32, #tpu.memory_space<vmem>>
      %dma_start3A_60 = tpu.memref_squeeze %dma_start3A_59 : memref<1x128x64xf32, #tpu.memory_space<vmem>> -> memref<128x64xf32, #tpu.memory_space<vmem>>
      tpu.enqueue_dma source(%dma_start3A_60 : memref<128x64xf32, #tpu.memory_space<vmem>>) target(%dma_start3A_56 : memref<128x64xf32, #tpu.memory_space<vmem_shared>>) target_semaphore(%run_scoped3A_49 : memref<!tpu.dma_semaphore, #tpu.memory_space<semaphore_mem>>)
      %dma_wait3A = arith.constant 0 : i32
      %dma_wait3A_61 = arith.constant 0 : i32
      %dma_wait3A_62 = tpu.memref_slice %arg6[%run_scoped3A_31, %dma_wait3A, %dma_wait3A_61] : memref<4x128x64xf32, #tpu.memory_space<vmem>> -> memref<1x128x64xf32, #tpu.memory_space<vmem>>
      %dma_wait3A_63 = tpu.memref_squeeze %dma_wait3A_62 : memref<1x128x64xf32, #tpu.memory_space<vmem>> -> memref<128x64xf32, #tpu.memory_space<vmem>>
      %dma_wait3A_64 = arith.constant 0 : i32
      %dma_wait3A_65 = tpu.memref_slice %arg7[%add3A_30, %dma_wait3A_64] : memref<10240x64xf32, #tpu.memory_space<vmem_shared>> -> memref<128x64xf32, #tpu.memory_space<vmem_shared>>
      %dma_wait3A_66 = arith.constant 0 : i32
      %dma_wait3A_67 = tpu.memref_slice %arg7[%add3A_30, %dma_wait3A_66] : memref<10240x64xf32, #tpu.memory_space<vmem_shared>> -> memref<128x64xf32, #tpu.memory_space<vmem_shared>>
      %dma_wait3A_68 = arith.constant 0 : i32
      %dma_wait3A_69 = arith.constant 0 : i32
      %dma_wait3A_70 = tpu.memref_slice %arg6[%run_scoped3A_31, %dma_wait3A_68, %dma_wait3A_69] : memref<4x128x64xf32, #tpu.memory_space<vmem>> -> memref<1x128x64xf32, #tpu.memory_space<vmem>>
      %dma_wait3A_71 = tpu.memref_squeeze %dma_wait3A_70 : memref<1x128x64xf32, #tpu.memory_space<vmem>> -> memref<128x64xf32, #tpu.memory_space<vmem>>
      tpu.wait_dma2 semaphore(%run_scoped3A_49 : memref<!tpu.dma_semaphore, #tpu.memory_space<semaphore_mem>>) src(%dma_wait3A_71 : memref<128x64xf32, #tpu.memory_space<vmem>>) dst(%dma_wait3A_67 : memref<128x64xf32, #tpu.memory_space<vmem_shared>>)
      tpu.yield
    }) : () -> ()
    %mul3A_32 = arith.constant 640 : i32
    %mul3A_33 = arith.muli %arg1, %mul3A_32 : i32
    %add3A_34 = arith.constant 512 : i32
    %add3A_35 = arith.addi %mul3A_33, %add3A_34 : i32
    %run_scoped3A_36 = arith.constant 0 : i32
    "tpu.region"() ({
      %run_scoped3A_49 = tpu.sem_alloc : memref<!tpu.dma_semaphore, #tpu.memory_space<semaphore_mem>>
      %dma_start3A = arith.constant 0 : i32
      %dma_start3A_50 = arith.constant 0 : i32
      %dma_start3A_51 = tpu.memref_slice %arg6[%run_scoped3A_36, %dma_start3A, %dma_start3A_50] : memref<4x128x64xf32, #tpu.memory_space<vmem>> -> memref<1x128x64xf32, #tpu.memory_space<vmem>>
      %dma_start3A_52 = tpu.memref_squeeze %dma_start3A_51 : memref<1x128x64xf32, #tpu.memory_space<vmem>> -> memref<128x64xf32, #tpu.memory_space<vmem>>
      %dma_start3A_53 = arith.constant 0 : i32
      %dma_start3A_54 = tpu.memref_slice %arg7[%add3A_35, %dma_start3A_53] : memref<10240x64xf32, #tpu.memory_space<vmem_shared>> -> memref<128x64xf32, #tpu.memory_space<vmem_shared>>
      %dma_start3A_55 = arith.constant 0 : i32
      %dma_start3A_56 = tpu.memref_slice %arg7[%add3A_35, %dma_start3A_55] : memref<10240x64xf32, #tpu.memory_space<vmem_shared>> -> memref<128x64xf32, #tpu.memory_space<vmem_shared>>
      %dma_start3A_57 = arith.constant 0 : i32
      %dma_start3A_58 = arith.constant 0 : i32
      %dma_start3A_59 = tpu.memref_slice %arg6[%run_scoped3A_36, %dma_start3A_57, %dma_start3A_58] : memref<4x128x64xf32, #tpu.memory_space<vmem>> -> memref<1x128x64xf32, #tpu.memory_space<vmem>>
      %dma_start3A_60 = tpu.memref_squeeze %dma_start3A_59 : memref<1x128x64xf32, #tpu.memory_space<vmem>> -> memref<128x64xf32, #tpu.memory_space<vmem>>
      tpu.enqueue_dma source(%dma_start3A_60 : memref<128x64xf32, #tpu.memory_space<vmem>>) target(%dma_start3A_56 : memref<128x64xf32, #tpu.memory_space<vmem_shared>>) target_semaphore(%run_scoped3A_49 : memref<!tpu.dma_semaphore, #tpu.memory_space<semaphore_mem>>)
      %dma_wait3A = arith.constant 0 : i32
      %dma_wait3A_61 = arith.constant 0 : i32
      %dma_wait3A_62 = tpu.memref_slice %arg6[%run_scoped3A_36, %dma_wait3A, %dma_wait3A_61] : memref<4x128x64xf32, #tpu.memory_space<vmem>> -> memref<1x128x64xf32, #tpu.memory_space<vmem>>
      %dma_wait3A_63 = tpu.memref_squeeze %dma_wait3A_62 : memref<1x128x64xf32, #tpu.memory_space<vmem>> -> memref<128x64xf32, #tpu.memory_space<vmem>>
      %dma_wait3A_64 = arith.constant 0 : i32
      %dma_wait3A_65 = tpu.memref_slice %arg7[%add3A_35, %dma_wait3A_64] : memref<10240x64xf32, #tpu.memory_space<vmem_shared>> -> memref<128x64xf32, #tpu.memory_space<vmem_shared>>
      %dma_wait3A_66 = arith.constant 0 : i32
      %dma_wait3A_67 = tpu.memref_slice %arg7[%add3A_35, %dma_wait3A_66] : memref<10240x64xf32, #tpu.memory_space<vmem_shared>> -> memref<128x64xf32, #tpu.memory_space<vmem_shared>>
      %dma_wait3A_68 = arith.constant 0 : i32
      %dma_wait3A_69 = arith.constant 0 : i32
      %dma_wait3A_70 = tpu.memref_slice %arg6[%run_scoped3A_36, %dma_wait3A_68, %dma_wait3A_69] : memref<4x128x64xf32, #tpu.memory_space<vmem>> -> memref<1x128x64xf32, #tpu.memory_space<vmem>>
      %dma_wait3A_71 = tpu.memref_squeeze %dma_wait3A_70 : memref<1x128x64xf32, #tpu.memory_space<vmem>> -> memref<128x64xf32, #tpu.memory_space<vmem>>
      tpu.wait_dma2 semaphore(%run_scoped3A_49 : memref<!tpu.dma_semaphore, #tpu.memory_space<semaphore_mem>>) src(%dma_wait3A_71 : memref<128x64xf32, #tpu.memory_space<vmem>>) dst(%dma_wait3A_67 : memref<128x64xf32, #tpu.memory_space<vmem_shared>>)
      tpu.yield
    }) : () -> ()
    %barrier3A = arith.constant 0 : index
    tpu.barrier barrier_id(%barrier3A)
    %scan3A_37 = arith.constant 0 : i32
    %scan3A_38 = arith.constant 0 : i32
    %scan3A_39 = arith.constant 10 : i32
    %scan3A_40 = arith.addi %scan3A_38, %scan3A_39 : i32
    %scan3A_41 = arith.constant 1 : i32
    %scan3A_42 = scf.for %scan3A_49 = %scan3A_38 to %scan3A_40 step %scan3A_41 iter_args(%scan3A_50 = %scan3A_37) -> (i32)  : i32 {
      %mul3A_51 = arith.constant 80 : i32
      %mul3A_52 = arith.muli %add3A, %mul3A_51 : i32
      %mul3A_53 = arith.constant 8 : i32
      %mul3A_54 = arith.muli %scan3A_49, %mul3A_53 : i32
      %add3A_55 = arith.addi %mul3A_52, %mul3A_54 : i32
      "tpu.region"() ({
        %run_scoped3A_471 = tpu.sem_alloc : memref<!tpu.dma_semaphore, #tpu.memory_space<semaphore_mem>>
        %dma_start3A_472 = arith.constant 0 : i32
        %dma_start3A_473 = arith.constant 0 : i32
        %dma_start3A_474 = tpu.memref_slice %arg3[%add3A_55, %dma_start3A_472, %dma_start3A_473] : memref<2560x2x128xi32, #tpu.memory_space<hbm>> -> memref<8x2x128xi32, #tpu.memory_space<hbm>>
        %dma_start3A_475 = arith.constant 0 : i32
        %dma_start3A_476 = arith.constant 0 : i32
        %dma_start3A_477 = tpu.memref_slice %arg3[%add3A_55, %dma_start3A_475, %dma_start3A_476] : memref<2560x2x128xi32, #tpu.memory_space<hbm>> -> memref<8x2x128xi32, #tpu.memory_space<hbm>>
        tpu.enqueue_dma source(%dma_start3A_477 : memref<8x2x128xi32, #tpu.memory_space<hbm>>) target(%arg5 : memref<8x2x128xi32, #tpu.memory_space<vmem>>) target_semaphore(%run_scoped3A_471 : memref<!tpu.dma_semaphore, #tpu.memory_space<semaphore_mem>>)
        %dma_wait3A_478 = arith.constant 0 : i32
        %dma_wait3A_479 = arith.constant 0 : i32
        %dma_wait3A_480 = tpu.memref_slice %arg3[%add3A_55, %dma_wait3A_478, %dma_wait3A_479] : memref<2560x2x128xi32, #tpu.memory_space<hbm>> -> memref<8x2x128xi32, #tpu.memory_space<hbm>>
        %dma_wait3A_481 = arith.constant 0 : i32
        %dma_wait3A_482 = arith.constant 0 : i32
        %dma_wait3A_483 = tpu.memref_slice %arg3[%add3A_55, %dma_wait3A_481, %dma_wait3A_482] : memref<2560x2x128xi32, #tpu.memory_space<hbm>> -> memref<8x2x128xi32, #tpu.memory_space<hbm>>
        tpu.wait_dma2 semaphore(%run_scoped3A_471 : memref<!tpu.dma_semaphore, #tpu.memory_space<semaphore_mem>>) src(%dma_wait3A_483 : memref<8x2x128xi32, #tpu.memory_space<hbm>>) dst(%arg5 : memref<8x2x128xi32, #tpu.memory_space<vmem>>)
        tpu.yield
      }) : () -> ()
      %dma_start3A = arith.constant 0 : i32
      %dma_start3A_56 = arith.constant 0 : i32
      %dma_start3A_57 = arith.constant 0 : i32
      %dma_start3A_58 = arith.constant 0 : i32
      %dma_start3A_59 = arith.constant 0 : i32
      %dma_start3A_60 = tpu.memref_slice %arg6[%dma_start3A_57, %dma_start3A_58, %dma_start3A_59] : memref<4x128x64xf32, #tpu.memory_space<vmem>> -> memref<1x128x64xf32, #tpu.memory_space<vmem>>
      %dma_start3A_61 = tpu.memref_squeeze %dma_start3A_60 : memref<1x128x64xf32, #tpu.memory_space<vmem>> -> memref<128x64xf32, #tpu.memory_space<vmem>>
      %dma_start3A_62 = arith.constant 0 : i32
      %dma_start3A_63 = tpu.memref_slice %arg5[%dma_start3A, %dma_start3A_56, %dma_start3A_62] : memref<8x2x128xi32, #tpu.memory_space<vmem>> -> memref<1x1x128xi32, #tpu.memory_space<vmem>>
      %dma_start3A_64 = tpu.memref_squeeze %dma_start3A_63 : memref<1x1x128xi32, #tpu.memory_space<vmem>> -> memref<128xi32, #tpu.memory_space<vmem>>
      %dma_start3A_65 = arith.constant 0 : i32
      %dma_start3A_66 = arith.constant 0 : i32
      %dma_start3A_67 = tpu.memref_slice %arg8[%dma_start3A_65, %dma_start3A_66] : memref<10240x64xf32, #tpu.memory_space<vmem_shared>> -> memref<10240x64xf32, #tpu.memory_space<vmem_shared>>
      tpu.enqueue_indirect_dma source(%dma_start3A_67 : memref<10240x64xf32, #tpu.memory_space<vmem_shared>>) target(%dma_start3A_61 : memref<128x64xf32, #tpu.memory_space<vmem>>) offsets(%dma_start3A_64 : memref<128xi32, #tpu.memory_space<vmem>>) semaphore(%arg9 : memref<!tpu.dma_semaphore, #tpu.memory_space<semaphore_mem>>)
      %dma_start3A_68 = arith.constant 1 : i32
      %dma_start3A_69 = arith.constant 0 : i32
      %dma_start3A_70 = arith.constant 1 : i32
      %dma_start3A_71 = arith.constant 0 : i32
      %dma_start3A_72 = arith.constant 0 : i32
      %dma_start3A_73 = tpu.memref_slice %arg6[%dma_start3A_70, %dma_start3A_71, %dma_start3A_72] : memref<4x128x64xf32, #tpu.memory_space<vmem>> -> memref<1x128x64xf32, #tpu.memory_space<vmem>>
      %dma_start3A_74 = tpu.memref_squeeze %dma_start3A_73 : memref<1x128x64xf32, #tpu.memory_space<vmem>> -> memref<128x64xf32, #tpu.memory_space<vmem>>
      %dma_start3A_75 = arith.constant 0 : i32
      %dma_start3A_76 = tpu.memref_slice %arg5[%dma_start3A_68, %dma_start3A_69, %dma_start3A_75] : memref<8x2x128xi32, #tpu.memory_space<vmem>> -> memref<1x1x128xi32, #tpu.memory_space<vmem>>
      %dma_start3A_77 = tpu.memref_squeeze %dma_start3A_76 : memref<1x1x128xi32, #tpu.memory_space<vmem>> -> memref<128xi32, #tpu.memory_space<vmem>>
      %dma_start3A_78 = arith.constant 0 : i32
      %dma_start3A_79 = arith.constant 0 : i32
      %dma_start3A_80 = tpu.memref_slice %arg8[%dma_start3A_78, %dma_start3A_79] : memref<10240x64xf32, #tpu.memory_space<vmem_shared>> -> memref<10240x64xf32, #tpu.memory_space<vmem_shared>>
      tpu.enqueue_indirect_dma source(%dma_start3A_80 : memref<10240x64xf32, #tpu.memory_space<vmem_shared>>) target(%dma_start3A_74 : memref<128x64xf32, #tpu.memory_space<vmem>>) offsets(%dma_start3A_77 : memref<128xi32, #tpu.memory_space<vmem>>) semaphore(%arg9 : memref<!tpu.dma_semaphore, #tpu.memory_space<semaphore_mem>>)
      %dma_wait3A = arith.constant 0 : i32
      %dma_wait3A_81 = arith.constant 0 : i32
      %dma_wait3A_82 = arith.constant 0 : i32
      %dma_wait3A_83 = arith.constant 0 : i32
      %dma_wait3A_84 = arith.constant 0 : i32
      %dma_wait3A_85 = tpu.memref_slice %arg6[%dma_wait3A_82, %dma_wait3A_83, %dma_wait3A_84] : memref<4x128x64xf32, #tpu.memory_space<vmem>> -> memref<1x128x64xf32, #tpu.memory_space<vmem>>
      %dma_wait3A_86 = tpu.memref_squeeze %dma_wait3A_85 : memref<1x128x64xf32, #tpu.memory_space<vmem>> -> memref<128x64xf32, #tpu.memory_space<vmem>>
      %dma_wait3A_87 = arith.constant 0 : i32
      %dma_wait3A_88 = tpu.memref_slice %arg5[%dma_wait3A, %dma_wait3A_81, %dma_wait3A_87] : memref<8x2x128xi32, #tpu.memory_space<vmem>> -> memref<1x1x128xi32, #tpu.memory_space<vmem>>
      %dma_wait3A_89 = tpu.memref_squeeze %dma_wait3A_88 : memref<1x1x128xi32, #tpu.memory_space<vmem>> -> memref<128xi32, #tpu.memory_space<vmem>>
      %dma_wait3A_90 = arith.constant 0 : i32
      %dma_wait3A_91 = arith.constant 0 : i32
      %dma_wait3A_92 = tpu.memref_slice %arg8[%dma_wait3A_90, %dma_wait3A_91] : memref<10240x64xf32, #tpu.memory_space<vmem_shared>> -> memref<10240x64xf32, #tpu.memory_space<vmem_shared>>
      tpu.wait_indirect_dma semaphore(%arg9 : memref<!tpu.dma_semaphore, #tpu.memory_space<semaphore_mem>>) src(%dma_wait3A_92 : memref<10240x64xf32, #tpu.memory_space<vmem_shared>>) dst(%dma_wait3A_86 : memref<128x64xf32, #tpu.memory_space<vmem>>)
      %dma_start3A_93 = arith.constant 0 : i32
      %dma_start3A_94 = arith.constant 0 : i32
      %dma_start3A_95 = arith.constant 1 : i32
      %dma_start3A_96 = arith.constant 0 : i32
      %dma_start3A_97 = arith.constant 0 : i32
      %dma_start3A_98 = tpu.memref_slice %arg6[%dma_start3A_93, %dma_start3A_96, %dma_start3A_97] : memref<4x128x64xf32, #tpu.memory_space<vmem>> -> memref<1x128x64xf32, #tpu.memory_space<vmem>>
      %dma_start3A_99 = tpu.memref_squeeze %dma_start3A_98 : memref<1x128x64xf32, #tpu.memory_space<vmem>> -> memref<128x64xf32, #tpu.memory_space<vmem>>
      %dma_start3A_100 = arith.constant 0 : i32
      %dma_start3A_101 = tpu.memref_slice %arg5[%dma_start3A_94, %dma_start3A_95, %dma_start3A_100] : memref<8x2x128xi32, #tpu.memory_space<vmem>> -> memref<1x1x128xi32, #tpu.memory_space<vmem>>
      %dma_start3A_102 = tpu.memref_squeeze %dma_start3A_101 : memref<1x1x128xi32, #tpu.memory_space<vmem>> -> memref<128xi32, #tpu.memory_space<vmem>>
      %dma_start3A_103 = arith.constant 0 : i32
      %dma_start3A_104 = arith.constant 0 : i32
      %dma_start3A_105 = tpu.memref_slice %arg7[%dma_start3A_103, %dma_start3A_104] : memref<10240x64xf32, #tpu.memory_space<vmem_shared>> -> memref<10240x64xf32, #tpu.memory_space<vmem_shared>>
      tpu.enqueue_indirect_dma source(%dma_start3A_99 : memref<128x64xf32, #tpu.memory_space<vmem>>) target(%dma_start3A_105 : memref<10240x64xf32, #tpu.memory_space<vmem_shared>>) offsets(%dma_start3A_102 : memref<128xi32, #tpu.memory_space<vmem>>) semaphore(%arg10 : memref<!tpu.dma_semaphore, #tpu.memory_space<semaphore_mem>>) {add = true}
      %dma_wait3A_106 = arith.constant 1 : i32
      %dma_wait3A_107 = arith.constant 0 : i32
      %dma_wait3A_108 = arith.constant 1 : i32
      %dma_wait3A_109 = arith.constant 0 : i32
      %dma_wait3A_110 = arith.constant 0 : i32
      %dma_wait3A_111 = tpu.memref_slice %arg6[%dma_wait3A_108, %dma_wait3A_109, %dma_wait3A_110] : memref<4x128x64xf32, #tpu.memory_space<vmem>> -> memref<1x128x64xf32, #tpu.memory_space<vmem>>
      %dma_wait3A_112 = tpu.memref_squeeze %dma_wait3A_111 : memref<1x128x64xf32, #tpu.memory_space<vmem>> -> memref<128x64xf32, #tpu.memory_space<vmem>>
      %dma_wait3A_113 = arith.constant 0 : i32
      %dma_wait3A_114 = tpu.memref_slice %arg5[%dma_wait3A_106, %dma_wait3A_107, %dma_wait3A_113] : memref<8x2x128xi32, #tpu.memory_space<vmem>> -> memref<1x1x128xi32, #tpu.memory_space<vmem>>
      %dma_wait3A_115 = tpu.memref_squeeze %dma_wait3A_114 : memref<1x1x128xi32, #tpu.memory_space<vmem>> -> memref<128xi32, #tpu.memory_space<vmem>>
      %dma_wait3A_116 = arith.constant 0 : i32
      %dma_wait3A_117 = arith.constant 0 : i32
      %dma_wait3A_118 = tpu.memref_slice %arg8[%dma_wait3A_116, %dma_wait3A_117] : memref<10240x64xf32, #tpu.memory_space<vmem_shared>> -> memref<10240x64xf32, #tpu.memory_space<vmem_shared>>
      tpu.wait_indirect_dma semaphore(%arg9 : memref<!tpu.dma_semaphore, #tpu.memory_space<semaphore_mem>>) src(%dma_wait3A_118 : memref<10240x64xf32, #tpu.memory_space<vmem_shared>>) dst(%dma_wait3A_112 : memref<128x64xf32, #tpu.memory_space<vmem>>)
      %dma_start3A_119 = arith.constant 1 : i32
      %dma_start3A_120 = arith.constant 1 : i32
      %dma_start3A_121 = arith.constant 1 : i32
      %dma_start3A_122 = arith.constant 0 : i32
      %dma_start3A_123 = arith.constant 0 : i32
      %dma_start3A_124 = tpu.memref_slice %arg6[%dma_start3A_119, %dma_start3A_122, %dma_start3A_123] : memref<4x128x64xf32, #tpu.memory_space<vmem>> -> memref<1x128x64xf32, #tpu.memory_space<vmem>>
      %dma_start3A_125 = tpu.memref_squeeze %dma_start3A_124 : memref<1x128x64xf32, #tpu.memory_space<vmem>> -> memref<128x64xf32, #tpu.memory_space<vmem>>
      %dma_start3A_126 = arith.constant 0 : i32
      %dma_start3A_127 = tpu.memref_slice %arg5[%dma_start3A_120, %dma_start3A_121, %dma_start3A_126] : memref<8x2x128xi32, #tpu.memory_space<vmem>> -> memref<1x1x128xi32, #tpu.memory_space<vmem>>
      %dma_start3A_128 = tpu.memref_squeeze %dma_start3A_127 : memref<1x1x128xi32, #tpu.memory_space<vmem>> -> memref<128xi32, #tpu.memory_space<vmem>>
      %dma_start3A_129 = arith.constant 0 : i32
      %dma_start3A_130 = arith.constant 0 : i32
      %dma_start3A_131 = tpu.memref_slice %arg7[%dma_start3A_129, %dma_start3A_130] : memref<10240x64xf32, #tpu.memory_space<vmem_shared>> -> memref<10240x64xf32, #tpu.memory_space<vmem_shared>>
      tpu.enqueue_indirect_dma source(%dma_start3A_125 : memref<128x64xf32, #tpu.memory_space<vmem>>) target(%dma_start3A_131 : memref<10240x64xf32, #tpu.memory_space<vmem_shared>>) offsets(%dma_start3A_128 : memref<128xi32, #tpu.memory_space<vmem>>) semaphore(%arg10 : memref<!tpu.dma_semaphore, #tpu.memory_space<semaphore_mem>>) {add = true}
      %dma_start3A_132 = arith.constant 2 : i32
      %dma_start3A_133 = arith.constant 0 : i32
      %dma_start3A_134 = arith.constant 2 : i32
      %dma_start3A_135 = arith.constant 0 : i32
      %dma_start3A_136 = arith.constant 0 : i32
      %dma_start3A_137 = tpu.memref_slice %arg6[%dma_start3A_134, %dma_start3A_135, %dma_start3A_136] : memref<4x128x64xf32, #tpu.memory_space<vmem>> -> memref<1x128x64xf32, #tpu.memory_space<vmem>>
      %dma_start3A_138 = tpu.memref_squeeze %dma_start3A_137 : memref<1x128x64xf32, #tpu.memory_space<vmem>> -> memref<128x64xf32, #tpu.memory_space<vmem>>
      %dma_start3A_139 = arith.constant 0 : i32
      %dma_start3A_140 = tpu.memref_slice %arg5[%dma_start3A_132, %dma_start3A_133, %dma_start3A_139] : memref<8x2x128xi32, #tpu.memory_space<vmem>> -> memref<1x1x128xi32, #tpu.memory_space<vmem>>
      %dma_start3A_141 = tpu.memref_squeeze %dma_start3A_140 : memref<1x1x128xi32, #tpu.memory_space<vmem>> -> memref<128xi32, #tpu.memory_space<vmem>>
      %dma_start3A_142 = arith.constant 0 : i32
      %dma_start3A_143 = arith.constant 0 : i32
      %dma_start3A_144 = tpu.memref_slice %arg8[%dma_start3A_142, %dma_start3A_143] : memref<10240x64xf32, #tpu.memory_space<vmem_shared>> -> memref<10240x64xf32, #tpu.memory_space<vmem_shared>>
      tpu.enqueue_indirect_dma source(%dma_start3A_144 : memref<10240x64xf32, #tpu.memory_space<vmem_shared>>) target(%dma_start3A_138 : memref<128x64xf32, #tpu.memory_space<vmem>>) offsets(%dma_start3A_141 : memref<128xi32, #tpu.memory_space<vmem>>) semaphore(%arg9 : memref<!tpu.dma_semaphore, #tpu.memory_space<semaphore_mem>>)
      %dma_start3A_145 = arith.constant 3 : i32
      %dma_start3A_146 = arith.constant 0 : i32
      %dma_start3A_147 = arith.constant 3 : i32
      %dma_start3A_148 = arith.constant 0 : i32
      %dma_start3A_149 = arith.constant 0 : i32
      %dma_start3A_150 = tpu.memref_slice %arg6[%dma_start3A_147, %dma_start3A_148, %dma_start3A_149] : memref<4x128x64xf32, #tpu.memory_space<vmem>> -> memref<1x128x64xf32, #tpu.memory_space<vmem>>
      %dma_start3A_151 = tpu.memref_squeeze %dma_start3A_150 : memref<1x128x64xf32, #tpu.memory_space<vmem>> -> memref<128x64xf32, #tpu.memory_space<vmem>>
      %dma_start3A_152 = arith.constant 0 : i32
      %dma_start3A_153 = tpu.memref_slice %arg5[%dma_start3A_145, %dma_start3A_146, %dma_start3A_152] : memref<8x2x128xi32, #tpu.memory_space<vmem>> -> memref<1x1x128xi32, #tpu.memory_space<vmem>>
      %dma_start3A_154 = tpu.memref_squeeze %dma_start3A_153 : memref<1x1x128xi32, #tpu.memory_space<vmem>> -> memref<128xi32, #tpu.memory_space<vmem>>
      %dma_start3A_155 = arith.constant 0 : i32
      %dma_start3A_156 = arith.constant 0 : i32
      %dma_start3A_157 = tpu.memref_slice %arg8[%dma_start3A_155, %dma_start3A_156] : memref<10240x64xf32, #tpu.memory_space<vmem_shared>> -> memref<10240x64xf32, #tpu.memory_space<vmem_shared>>
      tpu.enqueue_indirect_dma source(%dma_start3A_157 : memref<10240x64xf32, #tpu.memory_space<vmem_shared>>) target(%dma_start3A_151 : memref<128x64xf32, #tpu.memory_space<vmem>>) offsets(%dma_start3A_154 : memref<128xi32, #tpu.memory_space<vmem>>) semaphore(%arg9 : memref<!tpu.dma_semaphore, #tpu.memory_space<semaphore_mem>>)
      %dma_wait3A_158 = arith.constant 2 : i32
      %dma_wait3A_159 = arith.constant 0 : i32
      %dma_wait3A_160 = arith.constant 2 : i32
      %dma_wait3A_161 = arith.constant 0 : i32
      %dma_wait3A_162 = arith.constant 0 : i32
      %dma_wait3A_163 = tpu.memref_slice %arg6[%dma_wait3A_160, %dma_wait3A_161, %dma_wait3A_162] : memref<4x128x64xf32, #tpu.memory_space<vmem>> -> memref<1x128x64xf32, #tpu.memory_space<vmem>>
      %dma_wait3A_164 = tpu.memref_squeeze %dma_wait3A_163 : memref<1x128x64xf32, #tpu.memory_space<vmem>> -> memref<128x64xf32, #tpu.memory_space<vmem>>
      %dma_wait3A_165 = arith.constant 0 : i32
      %dma_wait3A_166 = tpu.memref_slice %arg5[%dma_wait3A_158, %dma_wait3A_159, %dma_wait3A_165] : memref<8x2x128xi32, #tpu.memory_space<vmem>> -> memref<1x1x128xi32, #tpu.memory_space<vmem>>
      %dma_wait3A_167 = tpu.memref_squeeze %dma_wait3A_166 : memref<1x1x128xi32, #tpu.memory_space<vmem>> -> memref<128xi32, #tpu.memory_space<vmem>>
      %dma_wait3A_168 = arith.constant 0 : i32
      %dma_wait3A_169 = arith.constant 0 : i32
      %dma_wait3A_170 = tpu.memref_slice %arg8[%dma_wait3A_168, %dma_wait3A_169] : memref<10240x64xf32, #tpu.memory_space<vmem_shared>> -> memref<10240x64xf32, #tpu.memory_space<vmem_shared>>
      tpu.wait_indirect_dma semaphore(%arg9 : memref<!tpu.dma_semaphore, #tpu.memory_space<semaphore_mem>>) src(%dma_wait3A_170 : memref<10240x64xf32, #tpu.memory_space<vmem_shared>>) dst(%dma_wait3A_164 : memref<128x64xf32, #tpu.memory_space<vmem>>)
      %dma_start3A_171 = arith.constant 2 : i32
      %dma_start3A_172 = arith.constant 2 : i32
      %dma_start3A_173 = arith.constant 1 : i32
      %dma_start3A_174 = arith.constant 0 : i32
      %dma_start3A_175 = arith.constant 0 : i32
      %dma_start3A_176 = tpu.memref_slice %arg6[%dma_start3A_171, %dma_start3A_174, %dma_start3A_175] : memref<4x128x64xf32, #tpu.memory_space<vmem>> -> memref<1x128x64xf32, #tpu.memory_space<vmem>>
      %dma_start3A_177 = tpu.memref_squeeze %dma_start3A_176 : memref<1x128x64xf32, #tpu.memory_space<vmem>> -> memref<128x64xf32, #tpu.memory_space<vmem>>
      %dma_start3A_178 = arith.constant 0 : i32
      %dma_start3A_179 = tpu.memref_slice %arg5[%dma_start3A_172, %dma_start3A_173, %dma_start3A_178] : memref<8x2x128xi32, #tpu.memory_space<vmem>> -> memref<1x1x128xi32, #tpu.memory_space<vmem>>
      %dma_start3A_180 = tpu.memref_squeeze %dma_start3A_179 : memref<1x1x128xi32, #tpu.memory_space<vmem>> -> memref<128xi32, #tpu.memory_space<vmem>>
      %dma_start3A_181 = arith.constant 0 : i32
      %dma_start3A_182 = arith.constant 0 : i32
      %dma_start3A_183 = tpu.memref_slice %arg7[%dma_start3A_181, %dma_start3A_182] : memref<10240x64xf32, #tpu.memory_space<vmem_shared>> -> memref<10240x64xf32, #tpu.memory_space<vmem_shared>>
      tpu.enqueue_indirect_dma source(%dma_start3A_177 : memref<128x64xf32, #tpu.memory_space<vmem>>) target(%dma_start3A_183 : memref<10240x64xf32, #tpu.memory_space<vmem_shared>>) offsets(%dma_start3A_180 : memref<128xi32, #tpu.memory_space<vmem>>) semaphore(%arg10 : memref<!tpu.dma_semaphore, #tpu.memory_space<semaphore_mem>>) {add = true}
      %dma_wait3A_184 = arith.constant 3 : i32
      %dma_wait3A_185 = arith.constant 0 : i32
      %dma_wait3A_186 = arith.constant 3 : i32
      %dma_wait3A_187 = arith.constant 0 : i32
      %dma_wait3A_188 = arith.constant 0 : i32
      %dma_wait3A_189 = tpu.memref_slice %arg6[%dma_wait3A_186, %dma_wait3A_187, %dma_wait3A_188] : memref<4x128x64xf32, #tpu.memory_space<vmem>> -> memref<1x128x64xf32, #tpu.memory_space<vmem>>
      %dma_wait3A_190 = tpu.memref_squeeze %dma_wait3A_189 : memref<1x128x64xf32, #tpu.memory_space<vmem>> -> memref<128x64xf32, #tpu.memory_space<vmem>>
      %dma_wait3A_191 = arith.constant 0 : i32
      %dma_wait3A_192 = tpu.memref_slice %arg5[%dma_wait3A_184, %dma_wait3A_185, %dma_wait3A_191] : memref<8x2x128xi32, #tpu.memory_space<vmem>> -> memref<1x1x128xi32, #tpu.memory_space<vmem>>
      %dma_wait3A_193 = tpu.memref_squeeze %dma_wait3A_192 : memref<1x1x128xi32, #tpu.memory_space<vmem>> -> memref<128xi32, #tpu.memory_space<vmem>>
      %dma_wait3A_194 = arith.constant 0 : i32
      %dma_wait3A_195 = arith.constant 0 : i32
      %dma_wait3A_196 = tpu.memref_slice %arg8[%dma_wait3A_194, %dma_wait3A_195] : memref<10240x64xf32, #tpu.memory_space<vmem_shared>> -> memref<10240x64xf32, #tpu.memory_space<vmem_shared>>
      tpu.wait_indirect_dma semaphore(%arg9 : memref<!tpu.dma_semaphore, #tpu.memory_space<semaphore_mem>>) src(%dma_wait3A_196 : memref<10240x64xf32, #tpu.memory_space<vmem_shared>>) dst(%dma_wait3A_190 : memref<128x64xf32, #tpu.memory_space<vmem>>)
      %dma_start3A_197 = arith.constant 3 : i32
      %dma_start3A_198 = arith.constant 3 : i32
      %dma_start3A_199 = arith.constant 1 : i32
      %dma_start3A_200 = arith.constant 0 : i32
      %dma_start3A_201 = arith.constant 0 : i32
      %dma_start3A_202 = tpu.memref_slice %arg6[%dma_start3A_197, %dma_start3A_200, %dma_start3A_201] : memref<4x128x64xf32, #tpu.memory_space<vmem>> -> memref<1x128x64xf32, #tpu.memory_space<vmem>>
      %dma_start3A_203 = tpu.memref_squeeze %dma_start3A_202 : memref<1x128x64xf32, #tpu.memory_space<vmem>> -> memref<128x64xf32, #tpu.memory_space<vmem>>
      %dma_start3A_204 = arith.constant 0 : i32
      %dma_start3A_205 = tpu.memref_slice %arg5[%dma_start3A_198, %dma_start3A_199, %dma_start3A_204] : memref<8x2x128xi32, #tpu.memory_space<vmem>> -> memref<1x1x128xi32, #tpu.memory_space<vmem>>
      %dma_start3A_206 = tpu.memref_squeeze %dma_start3A_205 : memref<1x1x128xi32, #tpu.memory_space<vmem>> -> memref<128xi32, #tpu.memory_space<vmem>>
      %dma_start3A_207 = arith.constant 0 : i32
      %dma_start3A_208 = arith.constant 0 : i32
      %dma_start3A_209 = tpu.memref_slice %arg7[%dma_start3A_207, %dma_start3A_208] : memref<10240x64xf32, #tpu.memory_space<vmem_shared>> -> memref<10240x64xf32, #tpu.memory_space<vmem_shared>>
      tpu.enqueue_indirect_dma source(%dma_start3A_203 : memref<128x64xf32, #tpu.memory_space<vmem>>) target(%dma_start3A_209 : memref<10240x64xf32, #tpu.memory_space<vmem_shared>>) offsets(%dma_start3A_206 : memref<128xi32, #tpu.memory_space<vmem>>) semaphore(%arg10 : memref<!tpu.dma_semaphore, #tpu.memory_space<semaphore_mem>>) {add = true}
      %dma_wait3A_210 = arith.constant 0 : i32
      %dma_wait3A_211 = arith.constant 0 : i32
      %dma_wait3A_212 = arith.constant 1 : i32
      %dma_wait3A_213 = arith.constant 0 : i32
      %dma_wait3A_214 = arith.constant 0 : i32
      %dma_wait3A_215 = tpu.memref_slice %arg6[%dma_wait3A_210, %dma_wait3A_213, %dma_wait3A_214] : memref<4x128x64xf32, #tpu.memory_space<vmem>> -> memref<1x128x64xf32, #tpu.memory_space<vmem>>
      %dma_wait3A_216 = tpu.memref_squeeze %dma_wait3A_215 : memref<1x128x64xf32, #tpu.memory_space<vmem>> -> memref<128x64xf32, #tpu.memory_space<vmem>>
      %dma_wait3A_217 = arith.constant 0 : i32
      %dma_wait3A_218 = tpu.memref_slice %arg5[%dma_wait3A_211, %dma_wait3A_212, %dma_wait3A_217] : memref<8x2x128xi32, #tpu.memory_space<vmem>> -> memref<1x1x128xi32, #tpu.memory_space<vmem>>
      %dma_wait3A_219 = tpu.memref_squeeze %dma_wait3A_218 : memref<1x1x128xi32, #tpu.memory_space<vmem>> -> memref<128xi32, #tpu.memory_space<vmem>>
      %dma_wait3A_220 = arith.constant 0 : i32
      %dma_wait3A_221 = arith.constant 0 : i32
      %dma_wait3A_222 = tpu.memref_slice %arg7[%dma_wait3A_220, %dma_wait3A_221] : memref<10240x64xf32, #tpu.memory_space<vmem_shared>> -> memref<10240x64xf32, #tpu.memory_space<vmem_shared>>
      tpu.wait_indirect_dma semaphore(%arg10 : memref<!tpu.dma_semaphore, #tpu.memory_space<semaphore_mem>>) src(%dma_wait3A_216 : memref<128x64xf32, #tpu.memory_space<vmem>>) dst(%dma_wait3A_222 : memref<10240x64xf32, #tpu.memory_space<vmem_shared>>)
      %dma_wait3A_223 = arith.constant 1 : i32
      %dma_wait3A_224 = arith.constant 1 : i32
      %dma_wait3A_225 = arith.constant 1 : i32
      %dma_wait3A_226 = arith.constant 0 : i32
      %dma_wait3A_227 = arith.constant 0 : i32
      %dma_wait3A_228 = tpu.memref_slice %arg6[%dma_wait3A_223, %dma_wait3A_226, %dma_wait3A_227] : memref<4x128x64xf32, #tpu.memory_space<vmem>> -> memref<1x128x64xf32, #tpu.memory_space<vmem>>
      %dma_wait3A_229 = tpu.memref_squeeze %dma_wait3A_228 : memref<1x128x64xf32, #tpu.memory_space<vmem>> -> memref<128x64xf32, #tpu.memory_space<vmem>>
      %dma_wait3A_230 = arith.constant 0 : i32
      %dma_wait3A_231 = tpu.memref_slice %arg5[%dma_wait3A_224, %dma_wait3A_225, %dma_wait3A_230] : memref<8x2x128xi32, #tpu.memory_space<vmem>> -> memref<1x1x128xi32, #tpu.memory_space<vmem>>
      %dma_wait3A_232 = tpu.memref_squeeze %dma_wait3A_231 : memref<1x1x128xi32, #tpu.memory_space<vmem>> -> memref<128xi32, #tpu.memory_space<vmem>>
      %dma_wait3A_233 = arith.constant 0 : i32
      %dma_wait3A_234 = arith.constant 0 : i32
      %dma_wait3A_235 = tpu.memref_slice %arg7[%dma_wait3A_233, %dma_wait3A_234] : memref<10240x64xf32, #tpu.memory_space<vmem_shared>> -> memref<10240x64xf32, #tpu.memory_space<vmem_shared>>
      tpu.wait_indirect_dma semaphore(%arg10 : memref<!tpu.dma_semaphore, #tpu.memory_space<semaphore_mem>>) src(%dma_wait3A_229 : memref<128x64xf32, #tpu.memory_space<vmem>>) dst(%dma_wait3A_235 : memref<10240x64xf32, #tpu.memory_space<vmem_shared>>)
      %dma_start3A_236 = arith.constant 4 : i32
      %dma_start3A_237 = arith.constant 0 : i32
      %dma_start3A_238 = arith.constant 0 : i32
      %dma_start3A_239 = arith.constant 0 : i32
      %dma_start3A_240 = arith.constant 0 : i32
      %dma_start3A_241 = tpu.memref_slice %arg6[%dma_start3A_238, %dma_start3A_239, %dma_start3A_240] : memref<4x128x64xf32, #tpu.memory_space<vmem>> -> memref<1x128x64xf32, #tpu.memory_space<vmem>>
      %dma_start3A_242 = tpu.memref_squeeze %dma_start3A_241 : memref<1x128x64xf32, #tpu.memory_space<vmem>> -> memref<128x64xf32, #tpu.memory_space<vmem>>
      %dma_start3A_243 = arith.constant 0 : i32
      %dma_start3A_244 = tpu.memref_slice %arg5[%dma_start3A_236, %dma_start3A_237, %dma_start3A_243] : memref<8x2x128xi32, #tpu.memory_space<vmem>> -> memref<1x1x128xi32, #tpu.memory_space<vmem>>
      %dma_start3A_245 = tpu.memref_squeeze %dma_start3A_244 : memref<1x1x128xi32, #tpu.memory_space<vmem>> -> memref<128xi32, #tpu.memory_space<vmem>>
      %dma_start3A_246 = arith.constant 0 : i32
      %dma_start3A_247 = arith.constant 0 : i32
      %dma_start3A_248 = tpu.memref_slice %arg8[%dma_start3A_246, %dma_start3A_247] : memref<10240x64xf32, #tpu.memory_space<vmem_shared>> -> memref<10240x64xf32, #tpu.memory_space<vmem_shared>>
      tpu.enqueue_indirect_dma source(%dma_start3A_248 : memref<10240x64xf32, #tpu.memory_space<vmem_shared>>) target(%dma_start3A_242 : memref<128x64xf32, #tpu.memory_space<vmem>>) offsets(%dma_start3A_245 : memref<128xi32, #tpu.memory_space<vmem>>) semaphore(%arg9 : memref<!tpu.dma_semaphore, #tpu.memory_space<semaphore_mem>>)
      %dma_start3A_249 = arith.constant 5 : i32
      %dma_start3A_250 = arith.constant 0 : i32
      %dma_start3A_251 = arith.constant 1 : i32
      %dma_start3A_252 = arith.constant 0 : i32
      %dma_start3A_253 = arith.constant 0 : i32
      %dma_start3A_254 = tpu.memref_slice %arg6[%dma_start3A_251, %dma_start3A_252, %dma_start3A_253] : memref<4x128x64xf32, #tpu.memory_space<vmem>> -> memref<1x128x64xf32, #tpu.memory_space<vmem>>
      %dma_start3A_255 = tpu.memref_squeeze %dma_start3A_254 : memref<1x128x64xf32, #tpu.memory_space<vmem>> -> memref<128x64xf32, #tpu.memory_space<vmem>>
      %dma_start3A_256 = arith.constant 0 : i32
      %dma_start3A_257 = tpu.memref_slice %arg5[%dma_start3A_249, %dma_start3A_250, %dma_start3A_256] : memref<8x2x128xi32, #tpu.memory_space<vmem>> -> memref<1x1x128xi32, #tpu.memory_space<vmem>>
      %dma_start3A_258 = tpu.memref_squeeze %dma_start3A_257 : memref<1x1x128xi32, #tpu.memory_space<vmem>> -> memref<128xi32, #tpu.memory_space<vmem>>
      %dma_start3A_259 = arith.constant 0 : i32
      %dma_start3A_260 = arith.constant 0 : i32
      %dma_start3A_261 = tpu.memref_slice %arg8[%dma_start3A_259, %dma_start3A_260] : memref<10240x64xf32, #tpu.memory_space<vmem_shared>> -> memref<10240x64xf32, #tpu.memory_space<vmem_shared>>
      tpu.enqueue_indirect_dma source(%dma_start3A_261 : memref<10240x64xf32, #tpu.memory_space<vmem_shared>>) target(%dma_start3A_255 : memref<128x64xf32, #tpu.memory_space<vmem>>) offsets(%dma_start3A_258 : memref<128xi32, #tpu.memory_space<vmem>>) semaphore(%arg9 : memref<!tpu.dma_semaphore, #tpu.memory_space<semaphore_mem>>)
      %dma_wait3A_262 = arith.constant 4 : i32
      %dma_wait3A_263 = arith.constant 0 : i32
      %dma_wait3A_264 = arith.constant 0 : i32
      %dma_wait3A_265 = arith.constant 0 : i32
      %dma_wait3A_266 = arith.constant 0 : i32
      %dma_wait3A_267 = tpu.memref_slice %arg6[%dma_wait3A_264, %dma_wait3A_265, %dma_wait3A_266] : memref<4x128x64xf32, #tpu.memory_space<vmem>> -> memref<1x128x64xf32, #tpu.memory_space<vmem>>
      %dma_wait3A_268 = tpu.memref_squeeze %dma_wait3A_267 : memref<1x128x64xf32, #tpu.memory_space<vmem>> -> memref<128x64xf32, #tpu.memory_space<vmem>>
      %dma_wait3A_269 = arith.constant 0 : i32
      %dma_wait3A_270 = tpu.memref_slice %arg5[%dma_wait3A_262, %dma_wait3A_263, %dma_wait3A_269] : memref<8x2x128xi32, #tpu.memory_space<vmem>> -> memref<1x1x128xi32, #tpu.memory_space<vmem>>
      %dma_wait3A_271 = tpu.memref_squeeze %dma_wait3A_270 : memref<1x1x128xi32, #tpu.memory_space<vmem>> -> memref<128xi32, #tpu.memory_space<vmem>>
      %dma_wait3A_272 = arith.constant 0 : i32
      %dma_wait3A_273 = arith.constant 0 : i32
      %dma_wait3A_274 = tpu.memref_slice %arg8[%dma_wait3A_272, %dma_wait3A_273] : memref<10240x64xf32, #tpu.memory_space<vmem_shared>> -> memref<10240x64xf32, #tpu.memory_space<vmem_shared>>
      tpu.wait_indirect_dma semaphore(%arg9 : memref<!tpu.dma_semaphore, #tpu.memory_space<semaphore_mem>>) src(%dma_wait3A_274 : memref<10240x64xf32, #tpu.memory_space<vmem_shared>>) dst(%dma_wait3A_268 : memref<128x64xf32, #tpu.memory_space<vmem>>)
      %dma_start3A_275 = arith.constant 0 : i32
      %dma_start3A_276 = arith.constant 4 : i32
      %dma_start3A_277 = arith.constant 1 : i32
      %dma_start3A_278 = arith.constant 0 : i32
      %dma_start3A_279 = arith.constant 0 : i32
      %dma_start3A_280 = tpu.memref_slice %arg6[%dma_start3A_275, %dma_start3A_278, %dma_start3A_279] : memref<4x128x64xf32, #tpu.memory_space<vmem>> -> memref<1x128x64xf32, #tpu.memory_space<vmem>>
      %dma_start3A_281 = tpu.memref_squeeze %dma_start3A_280 : memref<1x128x64xf32, #tpu.memory_space<vmem>> -> memref<128x64xf32, #tpu.memory_space<vmem>>
      %dma_start3A_282 = arith.constant 0 : i32
      %dma_start3A_283 = tpu.memref_slice %arg5[%dma_start3A_276, %dma_start3A_277, %dma_start3A_282] : memref<8x2x128xi32, #tpu.memory_space<vmem>> -> memref<1x1x128xi32, #tpu.memory_space<vmem>>
      %dma_start3A_284 = tpu.memref_squeeze %dma_start3A_283 : memref<1x1x128xi32, #tpu.memory_space<vmem>> -> memref<128xi32, #tpu.memory_space<vmem>>
      %dma_start3A_285 = arith.constant 0 : i32
      %dma_start3A_286 = arith.constant 0 : i32
      %dma_start3A_287 = tpu.memref_slice %arg7[%dma_start3A_285, %dma_start3A_286] : memref<10240x64xf32, #tpu.memory_space<vmem_shared>> -> memref<10240x64xf32, #tpu.memory_space<vmem_shared>>
      tpu.enqueue_indirect_dma source(%dma_start3A_281 : memref<128x64xf32, #tpu.memory_space<vmem>>) target(%dma_start3A_287 : memref<10240x64xf32, #tpu.memory_space<vmem_shared>>) offsets(%dma_start3A_284 : memref<128xi32, #tpu.memory_space<vmem>>) semaphore(%arg10 : memref<!tpu.dma_semaphore, #tpu.memory_space<semaphore_mem>>) {add = true}
      %dma_wait3A_288 = arith.constant 5 : i32
      %dma_wait3A_289 = arith.constant 0 : i32
      %dma_wait3A_290 = arith.constant 1 : i32
      %dma_wait3A_291 = arith.constant 0 : i32
      %dma_wait3A_292 = arith.constant 0 : i32
      %dma_wait3A_293 = tpu.memref_slice %arg6[%dma_wait3A_290, %dma_wait3A_291, %dma_wait3A_292] : memref<4x128x64xf32, #tpu.memory_space<vmem>> -> memref<1x128x64xf32, #tpu.memory_space<vmem>>
      %dma_wait3A_294 = tpu.memref_squeeze %dma_wait3A_293 : memref<1x128x64xf32, #tpu.memory_space<vmem>> -> memref<128x64xf32, #tpu.memory_space<vmem>>
      %dma_wait3A_295 = arith.constant 0 : i32
      %dma_wait3A_296 = tpu.memref_slice %arg5[%dma_wait3A_288, %dma_wait3A_289, %dma_wait3A_295] : memref<8x2x128xi32, #tpu.memory_space<vmem>> -> memref<1x1x128xi32, #tpu.memory_space<vmem>>
      %dma_wait3A_297 = tpu.memref_squeeze %dma_wait3A_296 : memref<1x1x128xi32, #tpu.memory_space<vmem>> -> memref<128xi32, #tpu.memory_space<vmem>>
      %dma_wait3A_298 = arith.constant 0 : i32
      %dma_wait3A_299 = arith.constant 0 : i32
      %dma_wait3A_300 = tpu.memref_slice %arg8[%dma_wait3A_298, %dma_wait3A_299] : memref<10240x64xf32, #tpu.memory_space<vmem_shared>> -> memref<10240x64xf32, #tpu.memory_space<vmem_shared>>
      tpu.wait_indirect_dma semaphore(%arg9 : memref<!tpu.dma_semaphore, #tpu.memory_space<semaphore_mem>>) src(%dma_wait3A_300 : memref<10240x64xf32, #tpu.memory_space<vmem_shared>>) dst(%dma_wait3A_294 : memref<128x64xf32, #tpu.memory_space<vmem>>)
      %dma_start3A_301 = arith.constant 1 : i32
      %dma_start3A_302 = arith.constant 5 : i32
      %dma_start3A_303 = arith.constant 1 : i32
      %dma_start3A_304 = arith.constant 0 : i32
      %dma_start3A_305 = arith.constant 0 : i32
      %dma_start3A_306 = tpu.memref_slice %arg6[%dma_start3A_301, %dma_start3A_304, %dma_start3A_305] : memref<4x128x64xf32, #tpu.memory_space<vmem>> -> memref<1x128x64xf32, #tpu.memory_space<vmem>>
      %dma_start3A_307 = tpu.memref_squeeze %dma_start3A_306 : memref<1x128x64xf32, #tpu.memory_space<vmem>> -> memref<128x64xf32, #tpu.memory_space<vmem>>
      %dma_start3A_308 = arith.constant 0 : i32
      %dma_start3A_309 = tpu.memref_slice %arg5[%dma_start3A_302, %dma_start3A_303, %dma_start3A_308] : memref<8x2x128xi32, #tpu.memory_space<vmem>> -> memref<1x1x128xi32, #tpu.memory_space<vmem>>
      %dma_start3A_310 = tpu.memref_squeeze %dma_start3A_309 : memref<1x1x128xi32, #tpu.memory_space<vmem>> -> memref<128xi32, #tpu.memory_space<vmem>>
      %dma_start3A_311 = arith.constant 0 : i32
      %dma_start3A_312 = arith.constant 0 : i32
      %dma_start3A_313 = tpu.memref_slice %arg7[%dma_start3A_311, %dma_start3A_312] : memref<10240x64xf32, #tpu.memory_space<vmem_shared>> -> memref<10240x64xf32, #tpu.memory_space<vmem_shared>>
      tpu.enqueue_indirect_dma source(%dma_start3A_307 : memref<128x64xf32, #tpu.memory_space<vmem>>) target(%dma_start3A_313 : memref<10240x64xf32, #tpu.memory_space<vmem_shared>>) offsets(%dma_start3A_310 : memref<128xi32, #tpu.memory_space<vmem>>) semaphore(%arg10 : memref<!tpu.dma_semaphore, #tpu.memory_space<semaphore_mem>>) {add = true}
      %dma_wait3A_314 = arith.constant 2 : i32
      %dma_wait3A_315 = arith.constant 2 : i32
      %dma_wait3A_316 = arith.constant 1 : i32
      %dma_wait3A_317 = arith.constant 0 : i32
      %dma_wait3A_318 = arith.constant 0 : i32
      %dma_wait3A_319 = tpu.memref_slice %arg6[%dma_wait3A_314, %dma_wait3A_317, %dma_wait3A_318] : memref<4x128x64xf32, #tpu.memory_space<vmem>> -> memref<1x128x64xf32, #tpu.memory_space<vmem>>
      %dma_wait3A_320 = tpu.memref_squeeze %dma_wait3A_319 : memref<1x128x64xf32, #tpu.memory_space<vmem>> -> memref<128x64xf32, #tpu.memory_space<vmem>>
      %dma_wait3A_321 = arith.constant 0 : i32
      %dma_wait3A_322 = tpu.memref_slice %arg5[%dma_wait3A_315, %dma_wait3A_316, %dma_wait3A_321] : memref<8x2x128xi32, #tpu.memory_space<vmem>> -> memref<1x1x128xi32, #tpu.memory_space<vmem>>
      %dma_wait3A_323 = tpu.memref_squeeze %dma_wait3A_322 : memref<1x1x128xi32, #tpu.memory_space<vmem>> -> memref<128xi32, #tpu.memory_space<vmem>>
      %dma_wait3A_324 = arith.constant 0 : i32
      %dma_wait3A_325 = arith.constant 0 : i32
      %dma_wait3A_326 = tpu.memref_slice %arg7[%dma_wait3A_324, %dma_wait3A_325] : memref<10240x64xf32, #tpu.memory_space<vmem_shared>> -> memref<10240x64xf32, #tpu.memory_space<vmem_shared>>
      tpu.wait_indirect_dma semaphore(%arg10 : memref<!tpu.dma_semaphore, #tpu.memory_space<semaphore_mem>>) src(%dma_wait3A_320 : memref<128x64xf32, #tpu.memory_space<vmem>>) dst(%dma_wait3A_326 : memref<10240x64xf32, #tpu.memory_space<vmem_shared>>)
      %dma_wait3A_327 = arith.constant 3 : i32
      %dma_wait3A_328 = arith.constant 3 : i32
      %dma_wait3A_329 = arith.constant 1 : i32
      %dma_wait3A_330 = arith.constant 0 : i32
      %dma_wait3A_331 = arith.constant 0 : i32
      %dma_wait3A_332 = tpu.memref_slice %arg6[%dma_wait3A_327, %dma_wait3A_330, %dma_wait3A_331] : memref<4x128x64xf32, #tpu.memory_space<vmem>> -> memref<1x128x64xf32, #tpu.memory_space<vmem>>
      %dma_wait3A_333 = tpu.memref_squeeze %dma_wait3A_332 : memref<1x128x64xf32, #tpu.memory_space<vmem>> -> memref<128x64xf32, #tpu.memory_space<vmem>>
      %dma_wait3A_334 = arith.constant 0 : i32
      %dma_wait3A_335 = tpu.memref_slice %arg5[%dma_wait3A_328, %dma_wait3A_329, %dma_wait3A_334] : memref<8x2x128xi32, #tpu.memory_space<vmem>> -> memref<1x1x128xi32, #tpu.memory_space<vmem>>
      %dma_wait3A_336 = tpu.memref_squeeze %dma_wait3A_335 : memref<1x1x128xi32, #tpu.memory_space<vmem>> -> memref<128xi32, #tpu.memory_space<vmem>>
      %dma_wait3A_337 = arith.constant 0 : i32
      %dma_wait3A_338 = arith.constant 0 : i32
      %dma_wait3A_339 = tpu.memref_slice %arg7[%dma_wait3A_337, %dma_wait3A_338] : memref<10240x64xf32, #tpu.memory_space<vmem_shared>> -> memref<10240x64xf32, #tpu.memory_space<vmem_shared>>
      tpu.wait_indirect_dma semaphore(%arg10 : memref<!tpu.dma_semaphore, #tpu.memory_space<semaphore_mem>>) src(%dma_wait3A_333 : memref<128x64xf32, #tpu.memory_space<vmem>>) dst(%dma_wait3A_339 : memref<10240x64xf32, #tpu.memory_space<vmem_shared>>)
      %dma_start3A_340 = arith.constant 6 : i32
      %dma_start3A_341 = arith.constant 0 : i32
      %dma_start3A_342 = arith.constant 2 : i32
      %dma_start3A_343 = arith.constant 0 : i32
      %dma_start3A_344 = arith.constant 0 : i32
      %dma_start3A_345 = tpu.memref_slice %arg6[%dma_start3A_342, %dma_start3A_343, %dma_start3A_344] : memref<4x128x64xf32, #tpu.memory_space<vmem>> -> memref<1x128x64xf32, #tpu.memory_space<vmem>>
      %dma_start3A_346 = tpu.memref_squeeze %dma_start3A_345 : memref<1x128x64xf32, #tpu.memory_space<vmem>> -> memref<128x64xf32, #tpu.memory_space<vmem>>
      %dma_start3A_347 = arith.constant 0 : i32
      %dma_start3A_348 = tpu.memref_slice %arg5[%dma_start3A_340, %dma_start3A_341, %dma_start3A_347] : memref<8x2x128xi32, #tpu.memory_space<vmem>> -> memref<1x1x128xi32, #tpu.memory_space<vmem>>
      %dma_start3A_349 = tpu.memref_squeeze %dma_start3A_348 : memref<1x1x128xi32, #tpu.memory_space<vmem>> -> memref<128xi32, #tpu.memory_space<vmem>>
      %dma_start3A_350 = arith.constant 0 : i32
      %dma_start3A_351 = arith.constant 0 : i32
      %dma_start3A_352 = tpu.memref_slice %arg8[%dma_start3A_350, %dma_start3A_351] : memref<10240x64xf32, #tpu.memory_space<vmem_shared>> -> memref<10240x64xf32, #tpu.memory_space<vmem_shared>>
      tpu.enqueue_indirect_dma source(%dma_start3A_352 : memref<10240x64xf32, #tpu.memory_space<vmem_shared>>) target(%dma_start3A_346 : memref<128x64xf32, #tpu.memory_space<vmem>>) offsets(%dma_start3A_349 : memref<128xi32, #tpu.memory_space<vmem>>) semaphore(%arg9 : memref<!tpu.dma_semaphore, #tpu.memory_space<semaphore_mem>>)
      %dma_start3A_353 = arith.constant 7 : i32
      %dma_start3A_354 = arith.constant 0 : i32
      %dma_start3A_355 = arith.constant 3 : i32
      %dma_start3A_356 = arith.constant 0 : i32
      %dma_start3A_357 = arith.constant 0 : i32
      %dma_start3A_358 = tpu.memref_slice %arg6[%dma_start3A_355, %dma_start3A_356, %dma_start3A_357] : memref<4x128x64xf32, #tpu.memory_space<vmem>> -> memref<1x128x64xf32, #tpu.memory_space<vmem>>
      %dma_start3A_359 = tpu.memref_squeeze %dma_start3A_358 : memref<1x128x64xf32, #tpu.memory_space<vmem>> -> memref<128x64xf32, #tpu.memory_space<vmem>>
      %dma_start3A_360 = arith.constant 0 : i32
      %dma_start3A_361 = tpu.memref_slice %arg5[%dma_start3A_353, %dma_start3A_354, %dma_start3A_360] : memref<8x2x128xi32, #tpu.memory_space<vmem>> -> memref<1x1x128xi32, #tpu.memory_space<vmem>>
      %dma_start3A_362 = tpu.memref_squeeze %dma_start3A_361 : memref<1x1x128xi32, #tpu.memory_space<vmem>> -> memref<128xi32, #tpu.memory_space<vmem>>
      %dma_start3A_363 = arith.constant 0 : i32
      %dma_start3A_364 = arith.constant 0 : i32
      %dma_start3A_365 = tpu.memref_slice %arg8[%dma_start3A_363, %dma_start3A_364] : memref<10240x64xf32, #tpu.memory_space<vmem_shared>> -> memref<10240x64xf32, #tpu.memory_space<vmem_shared>>
      tpu.enqueue_indirect_dma source(%dma_start3A_365 : memref<10240x64xf32, #tpu.memory_space<vmem_shared>>) target(%dma_start3A_359 : memref<128x64xf32, #tpu.memory_space<vmem>>) offsets(%dma_start3A_362 : memref<128xi32, #tpu.memory_space<vmem>>) semaphore(%arg9 : memref<!tpu.dma_semaphore, #tpu.memory_space<semaphore_mem>>)
      %dma_wait3A_366 = arith.constant 6 : i32
      %dma_wait3A_367 = arith.constant 0 : i32
      %dma_wait3A_368 = arith.constant 2 : i32
      %dma_wait3A_369 = arith.constant 0 : i32
      %dma_wait3A_370 = arith.constant 0 : i32
      %dma_wait3A_371 = tpu.memref_slice %arg6[%dma_wait3A_368, %dma_wait3A_369, %dma_wait3A_370] : memref<4x128x64xf32, #tpu.memory_space<vmem>> -> memref<1x128x64xf32, #tpu.memory_space<vmem>>
      %dma_wait3A_372 = tpu.memref_squeeze %dma_wait3A_371 : memref<1x128x64xf32, #tpu.memory_space<vmem>> -> memref<128x64xf32, #tpu.memory_space<vmem>>
      %dma_wait3A_373 = arith.constant 0 : i32
      %dma_wait3A_374 = tpu.memref_slice %arg5[%dma_wait3A_366, %dma_wait3A_367, %dma_wait3A_373] : memref<8x2x128xi32, #tpu.memory_space<vmem>> -> memref<1x1x128xi32, #tpu.memory_space<vmem>>
      %dma_wait3A_375 = tpu.memref_squeeze %dma_wait3A_374 : memref<1x1x128xi32, #tpu.memory_space<vmem>> -> memref<128xi32, #tpu.memory_space<vmem>>
      %dma_wait3A_376 = arith.constant 0 : i32
      %dma_wait3A_377 = arith.constant 0 : i32
      %dma_wait3A_378 = tpu.memref_slice %arg8[%dma_wait3A_376, %dma_wait3A_377] : memref<10240x64xf32, #tpu.memory_space<vmem_shared>> -> memref<10240x64xf32, #tpu.memory_space<vmem_shared>>
      tpu.wait_indirect_dma semaphore(%arg9 : memref<!tpu.dma_semaphore, #tpu.memory_space<semaphore_mem>>) src(%dma_wait3A_378 : memref<10240x64xf32, #tpu.memory_space<vmem_shared>>) dst(%dma_wait3A_372 : memref<128x64xf32, #tpu.memory_space<vmem>>)
      %dma_start3A_379 = arith.constant 2 : i32
      %dma_start3A_380 = arith.constant 6 : i32
      %dma_start3A_381 = arith.constant 1 : i32
      %dma_start3A_382 = arith.constant 0 : i32
      %dma_start3A_383 = arith.constant 0 : i32
      %dma_start3A_384 = tpu.memref_slice %arg6[%dma_start3A_379, %dma_start3A_382, %dma_start3A_383] : memref<4x128x64xf32, #tpu.memory_space<vmem>> -> memref<1x128x64xf32, #tpu.memory_space<vmem>>
      %dma_start3A_385 = tpu.memref_squeeze %dma_start3A_384 : memref<1x128x64xf32, #tpu.memory_space<vmem>> -> memref<128x64xf32, #tpu.memory_space<vmem>>
      %dma_start3A_386 = arith.constant 0 : i32
      %dma_start3A_387 = tpu.memref_slice %arg5[%dma_start3A_380, %dma_start3A_381, %dma_start3A_386] : memref<8x2x128xi32, #tpu.memory_space<vmem>> -> memref<1x1x128xi32, #tpu.memory_space<vmem>>
      %dma_start3A_388 = tpu.memref_squeeze %dma_start3A_387 : memref<1x1x128xi32, #tpu.memory_space<vmem>> -> memref<128xi32, #tpu.memory_space<vmem>>
      %dma_start3A_389 = arith.constant 0 : i32
      %dma_start3A_390 = arith.constant 0 : i32
      %dma_start3A_391 = tpu.memref_slice %arg7[%dma_start3A_389, %dma_start3A_390] : memref<10240x64xf32, #tpu.memory_space<vmem_shared>> -> memref<10240x64xf32, #tpu.memory_space<vmem_shared>>
      tpu.enqueue_indirect_dma source(%dma_start3A_385 : memref<128x64xf32, #tpu.memory_space<vmem>>) target(%dma_start3A_391 : memref<10240x64xf32, #tpu.memory_space<vmem_shared>>) offsets(%dma_start3A_388 : memref<128xi32, #tpu.memory_space<vmem>>) semaphore(%arg10 : memref<!tpu.dma_semaphore, #tpu.memory_space<semaphore_mem>>) {add = true}
      %dma_wait3A_392 = arith.constant 7 : i32
      %dma_wait3A_393 = arith.constant 0 : i32
      %dma_wait3A_394 = arith.constant 3 : i32
      %dma_wait3A_395 = arith.constant 0 : i32
      %dma_wait3A_396 = arith.constant 0 : i32
      %dma_wait3A_397 = tpu.memref_slice %arg6[%dma_wait3A_394, %dma_wait3A_395, %dma_wait3A_396] : memref<4x128x64xf32, #tpu.memory_space<vmem>> -> memref<1x128x64xf32, #tpu.memory_space<vmem>>
      %dma_wait3A_398 = tpu.memref_squeeze %dma_wait3A_397 : memref<1x128x64xf32, #tpu.memory_space<vmem>> -> memref<128x64xf32, #tpu.memory_space<vmem>>
      %dma_wait3A_399 = arith.constant 0 : i32
      %dma_wait3A_400 = tpu.memref_slice %arg5[%dma_wait3A_392, %dma_wait3A_393, %dma_wait3A_399] : memref<8x2x128xi32, #tpu.memory_space<vmem>> -> memref<1x1x128xi32, #tpu.memory_space<vmem>>
      %dma_wait3A_401 = tpu.memref_squeeze %dma_wait3A_400 : memref<1x1x128xi32, #tpu.memory_space<vmem>> -> memref<128xi32, #tpu.memory_space<vmem>>
      %dma_wait3A_402 = arith.constant 0 : i32
      %dma_wait3A_403 = arith.constant 0 : i32
      %dma_wait3A_404 = tpu.memref_slice %arg8[%dma_wait3A_402, %dma_wait3A_403] : memref<10240x64xf32, #tpu.memory_space<vmem_shared>> -> memref<10240x64xf32, #tpu.memory_space<vmem_shared>>
      tpu.wait_indirect_dma semaphore(%arg9 : memref<!tpu.dma_semaphore, #tpu.memory_space<semaphore_mem>>) src(%dma_wait3A_404 : memref<10240x64xf32, #tpu.memory_space<vmem_shared>>) dst(%dma_wait3A_398 : memref<128x64xf32, #tpu.memory_space<vmem>>)
      %dma_start3A_405 = arith.constant 3 : i32
      %dma_start3A_406 = arith.constant 7 : i32
      %dma_start3A_407 = arith.constant 1 : i32
      %dma_start3A_408 = arith.constant 0 : i32
      %dma_start3A_409 = arith.constant 0 : i32
      %dma_start3A_410 = tpu.memref_slice %arg6[%dma_start3A_405, %dma_start3A_408, %dma_start3A_409] : memref<4x128x64xf32, #tpu.memory_space<vmem>> -> memref<1x128x64xf32, #tpu.memory_space<vmem>>
      %dma_start3A_411 = tpu.memref_squeeze %dma_start3A_410 : memref<1x128x64xf32, #tpu.memory_space<vmem>> -> memref<128x64xf32, #tpu.memory_space<vmem>>
      %dma_start3A_412 = arith.constant 0 : i32
      %dma_start3A_413 = tpu.memref_slice %arg5[%dma_start3A_406, %dma_start3A_407, %dma_start3A_412] : memref<8x2x128xi32, #tpu.memory_space<vmem>> -> memref<1x1x128xi32, #tpu.memory_space<vmem>>
      %dma_start3A_414 = tpu.memref_squeeze %dma_start3A_413 : memref<1x1x128xi32, #tpu.memory_space<vmem>> -> memref<128xi32, #tpu.memory_space<vmem>>
      %dma_start3A_415 = arith.constant 0 : i32
      %dma_start3A_416 = arith.constant 0 : i32
      %dma_start3A_417 = tpu.memref_slice %arg7[%dma_start3A_415, %dma_start3A_416] : memref<10240x64xf32, #tpu.memory_space<vmem_shared>> -> memref<10240x64xf32, #tpu.memory_space<vmem_shared>>
      tpu.enqueue_indirect_dma source(%dma_start3A_411 : memref<128x64xf32, #tpu.memory_space<vmem>>) target(%dma_start3A_417 : memref<10240x64xf32, #tpu.memory_space<vmem_shared>>) offsets(%dma_start3A_414 : memref<128xi32, #tpu.memory_space<vmem>>) semaphore(%arg10 : memref<!tpu.dma_semaphore, #tpu.memory_space<semaphore_mem>>) {add = true}
      %dma_wait3A_418 = arith.constant 0 : i32
      %dma_wait3A_419 = arith.constant 4 : i32
      %dma_wait3A_420 = arith.constant 1 : i32
      %dma_wait3A_421 = arith.constant 0 : i32
      %dma_wait3A_422 = arith.constant 0 : i32
      %dma_wait3A_423 = tpu.memref_slice %arg6[%dma_wait3A_418, %dma_wait3A_421, %dma_wait3A_422] : memref<4x128x64xf32, #tpu.memory_space<vmem>> -> memref<1x128x64xf32, #tpu.memory_space<vmem>>
      %dma_wait3A_424 = tpu.memref_squeeze %dma_wait3A_423 : memref<1x128x64xf32, #tpu.memory_space<vmem>> -> memref<128x64xf32, #tpu.memory_space<vmem>>
      %dma_wait3A_425 = arith.constant 0 : i32
      %dma_wait3A_426 = tpu.memref_slice %arg5[%dma_wait3A_419, %dma_wait3A_420, %dma_wait3A_425] : memref<8x2x128xi32, #tpu.memory_space<vmem>> -> memref<1x1x128xi32, #tpu.memory_space<vmem>>
      %dma_wait3A_427 = tpu.memref_squeeze %dma_wait3A_426 : memref<1x1x128xi32, #tpu.memory_space<vmem>> -> memref<128xi32, #tpu.memory_space<vmem>>
      %dma_wait3A_428 = arith.constant 0 : i32
      %dma_wait3A_429 = arith.constant 0 : i32
      %dma_wait3A_430 = tpu.memref_slice %arg7[%dma_wait3A_428, %dma_wait3A_429] : memref<10240x64xf32, #tpu.memory_space<vmem_shared>> -> memref<10240x64xf32, #tpu.memory_space<vmem_shared>>
      tpu.wait_indirect_dma semaphore(%arg10 : memref<!tpu.dma_semaphore, #tpu.memory_space<semaphore_mem>>) src(%dma_wait3A_424 : memref<128x64xf32, #tpu.memory_space<vmem>>) dst(%dma_wait3A_430 : memref<10240x64xf32, #tpu.memory_space<vmem_shared>>)
      %dma_wait3A_431 = arith.constant 1 : i32
      %dma_wait3A_432 = arith.constant 5 : i32
      %dma_wait3A_433 = arith.constant 1 : i32
      %dma_wait3A_434 = arith.constant 0 : i32
      %dma_wait3A_435 = arith.constant 0 : i32
      %dma_wait3A_436 = tpu.memref_slice %arg6[%dma_wait3A_431, %dma_wait3A_434, %dma_wait3A_435] : memref<4x128x64xf32, #tpu.memory_space<vmem>> -> memref<1x128x64xf32, #tpu.memory_space<vmem>>
      %dma_wait3A_437 = tpu.memref_squeeze %dma_wait3A_436 : memref<1x128x64xf32, #tpu.memory_space<vmem>> -> memref<128x64xf32, #tpu.memory_space<vmem>>
      %dma_wait3A_438 = arith.constant 0 : i32
      %dma_wait3A_439 = tpu.memref_slice %arg5[%dma_wait3A_432, %dma_wait3A_433, %dma_wait3A_438] : memref<8x2x128xi32, #tpu.memory_space<vmem>> -> memref<1x1x128xi32, #tpu.memory_space<vmem>>
      %dma_wait3A_440 = tpu.memref_squeeze %dma_wait3A_439 : memref<1x1x128xi32, #tpu.memory_space<vmem>> -> memref<128xi32, #tpu.memory_space<vmem>>
      %dma_wait3A_441 = arith.constant 0 : i32
      %dma_wait3A_442 = arith.constant 0 : i32
      %dma_wait3A_443 = tpu.memref_slice %arg7[%dma_wait3A_441, %dma_wait3A_442] : memref<10240x64xf32, #tpu.memory_space<vmem_shared>> -> memref<10240x64xf32, #tpu.memory_space<vmem_shared>>
      tpu.wait_indirect_dma semaphore(%arg10 : memref<!tpu.dma_semaphore, #tpu.memory_space<semaphore_mem>>) src(%dma_wait3A_437 : memref<128x64xf32, #tpu.memory_space<vmem>>) dst(%dma_wait3A_443 : memref<10240x64xf32, #tpu.memory_space<vmem_shared>>)
      %dma_wait3A_444 = arith.constant 2 : i32
      %dma_wait3A_445 = arith.constant 6 : i32
      %dma_wait3A_446 = arith.constant 1 : i32
      %dma_wait3A_447 = arith.constant 0 : i32
      %dma_wait3A_448 = arith.constant 0 : i32
      %dma_wait3A_449 = tpu.memref_slice %arg6[%dma_wait3A_444, %dma_wait3A_447, %dma_wait3A_448] : memref<4x128x64xf32, #tpu.memory_space<vmem>> -> memref<1x128x64xf32, #tpu.memory_space<vmem>>
      %dma_wait3A_450 = tpu.memref_squeeze %dma_wait3A_449 : memref<1x128x64xf32, #tpu.memory_space<vmem>> -> memref<128x64xf32, #tpu.memory_space<vmem>>
      %dma_wait3A_451 = arith.constant 0 : i32
      %dma_wait3A_452 = tpu.memref_slice %arg5[%dma_wait3A_445, %dma_wait3A_446, %dma_wait3A_451] : memref<8x2x128xi32, #tpu.memory_space<vmem>> -> memref<1x1x128xi32, #tpu.memory_space<vmem>>
      %dma_wait3A_453 = tpu.memref_squeeze %dma_wait3A_452 : memref<1x1x128xi32, #tpu.memory_space<vmem>> -> memref<128xi32, #tpu.memory_space<vmem>>
      %dma_wait3A_454 = arith.constant 0 : i32
      %dma_wait3A_455 = arith.constant 0 : i32
      %dma_wait3A_456 = tpu.memref_slice %arg7[%dma_wait3A_454, %dma_wait3A_455] : memref<10240x64xf32, #tpu.memory_space<vmem_shared>> -> memref<10240x64xf32, #tpu.memory_space<vmem_shared>>
      tpu.wait_indirect_dma semaphore(%arg10 : memref<!tpu.dma_semaphore, #tpu.memory_space<semaphore_mem>>) src(%dma_wait3A_450 : memref<128x64xf32, #tpu.memory_space<vmem>>) dst(%dma_wait3A_456 : memref<10240x64xf32, #tpu.memory_space<vmem_shared>>)
      %dma_wait3A_457 = arith.constant 3 : i32
      %dma_wait3A_458 = arith.constant 7 : i32
      %dma_wait3A_459 = arith.constant 1 : i32
      %dma_wait3A_460 = arith.constant 0 : i32
      %dma_wait3A_461 = arith.constant 0 : i32
      %dma_wait3A_462 = tpu.memref_slice %arg6[%dma_wait3A_457, %dma_wait3A_460, %dma_wait3A_461] : memref<4x128x64xf32, #tpu.memory_space<vmem>> -> memref<1x128x64xf32, #tpu.memory_space<vmem>>
      %dma_wait3A_463 = tpu.memref_squeeze %dma_wait3A_462 : memref<1x128x64xf32, #tpu.memory_space<vmem>> -> memref<128x64xf32, #tpu.memory_space<vmem>>
      %dma_wait3A_464 = arith.constant 0 : i32
      %dma_wait3A_465 = tpu.memref_slice %arg5[%dma_wait3A_458, %dma_wait3A_459, %dma_wait3A_464] : memref<8x2x128xi32, #tpu.memory_space<vmem>> -> memref<1x1x128xi32, #tpu.memory_space<vmem>>
      %dma_wait3A_466 = tpu.memref_squeeze %dma_wait3A_465 : memref<1x1x128xi32, #tpu.memory_space<vmem>> -> memref<128xi32, #tpu.memory_space<vmem>>
      %dma_wait3A_467 = arith.constant 0 : i32
      %dma_wait3A_468 = arith.constant 0 : i32
      %dma_wait3A_469 = tpu.memref_slice %arg7[%dma_wait3A_467, %dma_wait3A_468] : memref<10240x64xf32, #tpu.memory_space<vmem_shared>> -> memref<10240x64xf32, #tpu.memory_space<vmem_shared>>
      tpu.wait_indirect_dma semaphore(%arg10 : memref<!tpu.dma_semaphore, #tpu.memory_space<semaphore_mem>>) src(%dma_wait3A_463 : memref<128x64xf32, #tpu.memory_space<vmem>>) dst(%dma_wait3A_469 : memref<10240x64xf32, #tpu.memory_space<vmem_shared>>)
      %scan3A_470 = arith.constant 0 : i32
      scf.yield %scan3A_470 : i32
    }
    %scan3A_43 = arith.constant 10 : i32
    %barrier3A_44 = arith.constant 0 : index
    tpu.barrier barrier_id(%barrier3A_44)
    %mul3A_45 = arith.constant 640 : i32
    %mul3A_46 = arith.muli %arg1, %mul3A_45 : i32
    %mul3A_47 = arith.constant 640 : i32
    %mul3A_48 = arith.muli %arg1, %mul3A_47 : i32
    "tpu.region"() ({
      %run_scoped3A_49 = tpu.sem_alloc : memref<!tpu.dma_semaphore, #tpu.memory_space<semaphore_mem>>
      %dma_start3A = arith.constant 0 : i32
      %dma_start3A_50 = tpu.memref_slice %arg4[%arg0, %mul3A_48, %dma_start3A] : memref<2x10240x64xf32, #tpu.memory_space<hbm>> -> memref<1x640x64xf32, #tpu.memory_space<hbm>>
      %dma_start3A_51 = tpu.memref_squeeze %dma_start3A_50 : memref<1x640x64xf32, #tpu.memory_space<hbm>> -> memref<640x64xf32, #tpu.memory_space<hbm>>
      %dma_start3A_52 = arith.constant 0 : i32
      %dma_start3A_53 = tpu.memref_slice %arg7[%mul3A_46, %dma_start3A_52] : memref<10240x64xf32, #tpu.memory_space<vmem_shared>> -> memref<640x64xf32, #tpu.memory_space<vmem_shared>>
      tpu.enqueue_dma source(%dma_start3A_53 : memref<640x64xf32, #tpu.memory_space<vmem_shared>>) target(%dma_start3A_51 : memref<640x64xf32, #tpu.memory_space<hbm>>) target_semaphore(%run_scoped3A_49 : memref<!tpu.dma_semaphore, #tpu.memory_space<semaphore_mem>>)
      %dma_wait3A = arith.constant 0 : i32
      %dma_wait3A_54 = tpu.memref_slice %arg4[%arg0, %mul3A_48, %dma_wait3A] : memref<2x10240x64xf32, #tpu.memory_space<hbm>> -> memref<1x640x64xf32, #tpu.memory_space<hbm>>
      %dma_wait3A_55 = tpu.memref_squeeze %dma_wait3A_54 : memref<1x640x64xf32, #tpu.memory_space<hbm>> -> memref<640x64xf32, #tpu.memory_space<hbm>>
      %dma_wait3A_56 = arith.constant 0 : i32
      %dma_wait3A_57 = tpu.memref_slice %arg7[%mul3A_46, %dma_wait3A_56] : memref<10240x64xf32, #tpu.memory_space<vmem_shared>> -> memref<640x64xf32, #tpu.memory_space<vmem_shared>>
      tpu.wait_dma2 semaphore(%run_scoped3A_49 : memref<!tpu.dma_semaphore, #tpu.memory_space<semaphore_mem>>) src(%dma_wait3A_57 : memref<640x64xf32, #tpu.memory_space<vmem_shared>>) dst(%dma_wait3A_55 : memref<640x64xf32, #tpu.memory_space<hbm>>)
      tpu.yield
    }) : () -> ()
    return
  }
}

#map = affine_map<(d0, d1) -> (0, 0, 0)>
module attributes {stable_mosaic.version = 14 : i64} {
  func.func @agg_kernel(%arg0: i32, %arg1: i32, %arg2: memref<2x10240x64xf32, #tpu.memory_space<hbm>>, %arg3: memref<2560x2x128xi32, #tpu.memory_space<hbm>>, %arg4: memref<2x10240x64xf32, #tpu.memory_space<hbm>>, %arg5: memref<8x2x128xi32, #tpu.memory_space<vmem>>, %arg6: memref<4x128x64xf32, #tpu.memory_space<vmem>>, %arg7: memref<10240x64xf32, #tpu.memory_space<vmem_shared>>, %arg8: memref<10240x64xf32, #tpu.memory_space<vmem_shared>>, %arg9: memref<!tpu.dma_semaphore, #tpu.memory_space<semaphore_mem>>, %arg10: memref<!tpu.dma_semaphore, #tpu.memory_space<semaphore_mem>>) attributes {dimension_semantics = [#tpu.dimension_semantics<core_parallel>, #tpu.dimension_semantics<subcore_parallel>], iteration_bounds = array<i64: 2, 16>, scalar_prefetch = 0 : i64, scratch_operands = 6 : i64, tpu.core_type = #tpu.core_type<sc_vector_subcore>, window_params = [{transform_indices = #map}, {transform_indices = #map}, {transform_indices = #map}]} {
    %mul3A = arith.constant 640 : i32
    %mul3A_0 = arith.muli %arg1, %mul3A : i32
    %mul3A_1 = arith.constant 640 : i32
    %mul3A_2 = arith.muli %arg1, %mul3A_1 : i32
    "tpu.region"() ({
      %run_scoped3A_46 = tpu.sem_alloc : memref<!tpu.dma_semaphore, #tpu.memory_space<semaphore_mem>>
      %dma_start3A = arith.constant 0 : i32
      %dma_start3A_47 = tpu.memref_slice %arg8[%mul3A_2, %dma_start3A] : memref<10240x64xf32, #tpu.memory_space<vmem_shared>> -> memref<640x64xf32, #tpu.memory_space<vmem_shared>>
      %dma_start3A_48 = arith.constant 0 : i32
      %dma_start3A_49 = tpu.memref_slice %arg2[%arg0, %mul3A_0, %dma_start3A_48] : memref<2x10240x64xf32, #tpu.memory_space<hbm>> -> memref<1x640x64xf32, #tpu.memory_space<hbm>>
      %dma_start3A_50 = tpu.memref_squeeze %dma_start3A_49 : memref<1x640x64xf32, #tpu.memory_space<hbm>> -> memref<640x64xf32, #tpu.memory_space<hbm>>
      tpu.enqueue_dma source(%dma_start3A_50 : memref<640x64xf32, #tpu.memory_space<hbm>>) target(%dma_start3A_47 : memref<640x64xf32, #tpu.memory_space<vmem_shared>>) target_semaphore(%run_scoped3A_46 : memref<!tpu.dma_semaphore, #tpu.memory_space<semaphore_mem>>)
      %dma_wait3A = arith.constant 0 : i32
      %dma_wait3A_51 = tpu.memref_slice %arg8[%mul3A_2, %dma_wait3A] : memref<10240x64xf32, #tpu.memory_space<vmem_shared>> -> memref<640x64xf32, #tpu.memory_space<vmem_shared>>
      %dma_wait3A_52 = arith.constant 0 : i32
      %dma_wait3A_53 = tpu.memref_slice %arg2[%arg0, %mul3A_0, %dma_wait3A_52] : memref<2x10240x64xf32, #tpu.memory_space<hbm>> -> memref<1x640x64xf32, #tpu.memory_space<hbm>>
      %dma_wait3A_54 = tpu.memref_squeeze %dma_wait3A_53 : memref<1x640x64xf32, #tpu.memory_space<hbm>> -> memref<640x64xf32, #tpu.memory_space<hbm>>
      tpu.wait_dma2 semaphore(%run_scoped3A_46 : memref<!tpu.dma_semaphore, #tpu.memory_space<semaphore_mem>>) src(%dma_wait3A_54 : memref<640x64xf32, #tpu.memory_space<hbm>>) dst(%dma_wait3A_51 : memref<640x64xf32, #tpu.memory_space<vmem_shared>>)
      tpu.yield
    }) : () -> ()
    %broadcast_in_dim3A = arith.constant 0.000000e+00 : f32
    %broadcast_in_dim3A_3 = vector.broadcast %broadcast_in_dim3A : f32 to vector<16xf32>
    %scan3A = arith.constant 0 : i32
    %scan3A_4 = arith.constant 0 : i32
    %scan3A_5 = arith.constant 0 : i32
    %scan3A_6 = arith.constant 512 : i32
    %scan3A_7 = arith.addi %scan3A_5, %scan3A_6 : i32
    %scan3A_8 = arith.constant 1 : i32
    %scan3A_9 = scf.for %scan3A_46 = %scan3A_5 to %scan3A_7 step %scan3A_8 iter_args(%scan3A_47 = %scan3A_4) -> (i32)  : i32 {
      %jit3A = arith.constant 4 : i32
      %div3A = arith.divsi %scan3A_46, %jit3A : i32
      %sign3A = arith.constant 0 : i32
      %sign3A_48 = arith.cmpi sgt, %scan3A_46, %sign3A : i32
      %sign3A_49 = arith.extui %sign3A_48 : i1 to i32
      %sign3A_50 = arith.constant 0 : i32
      %sign3A_51 = arith.cmpi slt, %scan3A_46, %sign3A_50 : i32
      %sign3A_52 = arith.extui %sign3A_51 : i1 to i32
      %sign3A_53 = arith.subi %sign3A_49, %sign3A_52 : i32
      %sign3A_54 = arith.constant 0 : i32
      %sign3A_55 = arith.cmpi sgt, %jit3A, %sign3A_54 : i32
      %sign3A_56 = arith.extui %sign3A_55 : i1 to i32
      %sign3A_57 = arith.constant 0 : i32
      %sign3A_58 = arith.cmpi slt, %jit3A, %sign3A_57 : i32
      %sign3A_59 = arith.extui %sign3A_58 : i1 to i32
      %sign3A_60 = arith.subi %sign3A_56, %sign3A_59 : i32
      %ne3A = arith.cmpi ne, %sign3A_53, %sign3A_60 : i32
      %rem3A = arith.remsi %scan3A_46, %jit3A : i32
      %ne3A_61 = arith.constant 0 : i32
      %ne3A_62 = arith.cmpi ne, %rem3A, %ne3A_61 : i32
      %and3A = arith.andi %ne3A, %ne3A_62 : i1
      %sub3A = arith.constant 1 : i32
      %sub3A_63 = arith.subi %div3A, %sub3A : i32
      %select_n3A = arith.select %and3A, %sub3A_63, %div3A : i32
      %jit3A_64 = arith.constant 4 : i32
      %eq3A = arith.constant 0 : i32
      %eq3A_65 = arith.cmpi eq, %jit3A_64, %eq3A : i32
      %jit3A_66 = arith.constant 1 : i32
      %select_n3A_67 = arith.select %eq3A_65, %jit3A_66, %jit3A_64 : i32
      %rem3A_68 = arith.remsi %scan3A_46, %select_n3A_67 : i32
      %ne3A_69 = arith.constant 0 : i32
      %ne3A_70 = arith.cmpi ne, %rem3A_68, %ne3A_69 : i32
      %lt3A = arith.constant 0 : i32
      %lt3A_71 = arith.cmpi slt, %rem3A_68, %lt3A : i32
      %lt3A_72 = arith.constant 0 : i32
      %lt3A_73 = arith.cmpi slt, %select_n3A_67, %lt3A_72 : i32
      %ne3A_74 = arith.xori %lt3A_71, %lt3A_73 : i1
      %and3A_75 = arith.andi %ne3A_74, %ne3A_70 : i1
      %add3A_76 = arith.addi %rem3A_68, %select_n3A_67 : i32
      %select_n3A_77 = arith.select %and3A_75, %add3A_76, %rem3A_68 : i32
      %mul3A_78 = arith.constant 16 : i32
      %mul3A_79 = arith.muli %select_n3A_77, %mul3A_78 : i32
      %swap3A = arith.constant 0 : i32
      %swap3A_80 = arith.constant 0 : i32
      %swap3A_81 = tpu.memref_slice %arg6[%scan3A, %swap3A, %swap3A_80] : memref<4x128x64xf32, #tpu.memory_space<vmem>> -> memref<1x128x64xf32, #tpu.memory_space<vmem>>
      %swap3A_82 = tpu.memref_squeeze %swap3A_81 : memref<1x128x64xf32, #tpu.memory_space<vmem>> -> memref<128x64xf32, #tpu.memory_space<vmem>>
      %swap3A_83 = arith.index_cast %select_n3A : i32 to index
      %swap3A_84 = arith.index_cast %mul3A_79 : i32 to index
      %swap3A_85 = tpu.vector_load %swap3A_82[%swap3A_83, %swap3A_84] {strides = array<i32>} : memref<128x64xf32, #tpu.memory_space<vmem>>, vector<1x16xf32>,
      %swap3A_86 = vector.shape_cast %swap3A_85 : vector<1x16xf32> to vector<16xf32>
      %swap3A_87 = vector.shape_cast %broadcast_in_dim3A_3 : vector<16xf32> to vector<1x16xf32>
      tpu.vector_store %swap3A_82[%swap3A_83, %swap3A_84], %swap3A_87 {strides = array<i32>} : memref<128x64xf32, #tpu.memory_space<vmem>>, vector<1x16xf32>,
      %scan3A_88 = arith.constant 0 : i32
      scf.yield %scan3A_88 : i32
    }
    %scan3A_10 = arith.constant 512 : i32
    %mul3A_11 = arith.constant 640 : i32
    %mul3A_12 = arith.muli %arg1, %mul3A_11 : i32
    %add3A = arith.constant 0 : i32
    %add3A_13 = arith.addi %mul3A_12, %add3A : i32
    %run_scoped3A = arith.constant 0 : i32
    "tpu.region"() ({
      %run_scoped3A_46 = tpu.sem_alloc : memref<!tpu.dma_semaphore, #tpu.memory_space<semaphore_mem>>
      %dma_start3A = arith.constant 0 : i32
      %dma_start3A_47 = arith.constant 0 : i32
      %dma_start3A_48 = tpu.memref_slice %arg6[%run_scoped3A, %dma_start3A, %dma_start3A_47] : memref<4x128x64xf32, #tpu.memory_space<vmem>> -> memref<1x128x64xf32, #tpu.memory_space<vmem>>
      %dma_start3A_49 = tpu.memref_squeeze %dma_start3A_48 : memref<1x128x64xf32, #tpu.memory_space<vmem>> -> memref<128x64xf32, #tpu.memory_space<vmem>>
      %dma_start3A_50 = arith.constant 0 : i32
      %dma_start3A_51 = tpu.memref_slice %arg7[%add3A_13, %dma_start3A_50] : memref<10240x64xf32, #tpu.memory_space<vmem_shared>> -> memref<128x64xf32, #tpu.memory_space<vmem_shared>>
      %dma_start3A_52 = arith.constant 0 : i32
      %dma_start3A_53 = tpu.memref_slice %arg7[%add3A_13, %dma_start3A_52] : memref<10240x64xf32, #tpu.memory_space<vmem_shared>> -> memref<128x64xf32, #tpu.memory_space<vmem_shared>>
      %dma_start3A_54 = arith.constant 0 : i32
      %dma_start3A_55 = arith.constant 0 : i32
      %dma_start3A_56 = tpu.memref_slice %arg6[%run_scoped3A, %dma_start3A_54, %dma_start3A_55] : memref<4x128x64xf32, #tpu.memory_space<vmem>> -> memref<1x128x64xf32, #tpu.memory_space<vmem>>
      %dma_start3A_57 = tpu.memref_squeeze %dma_start3A_56 : memref<1x128x64xf32, #tpu.memory_space<vmem>> -> memref<128x64xf32, #tpu.memory_space<vmem>>
      tpu.enqueue_dma source(%dma_start3A_57 : memref<128x64xf32, #tpu.memory_space<vmem>>) target(%dma_start3A_53 : memref<128x64xf32, #tpu.memory_space<vmem_shared>>) target_semaphore(%run_scoped3A_46 : memref<!tpu.dma_semaphore, #tpu.memory_space<semaphore_mem>>)
      %dma_wait3A = arith.constant 0 : i32
      %dma_wait3A_58 = arith.constant 0 : i32
      %dma_wait3A_59 = tpu.memref_slice %arg6[%run_scoped3A, %dma_wait3A, %dma_wait3A_58] : memref<4x128x64xf32, #tpu.memory_space<vmem>> -> memref<1x128x64xf32, #tpu.memory_space<vmem>>
      %dma_wait3A_60 = tpu.memref_squeeze %dma_wait3A_59 : memref<1x128x64xf32, #tpu.memory_space<vmem>> -> memref<128x64xf32, #tpu.memory_space<vmem>>
      %dma_wait3A_61 = arith.constant 0 : i32
      %dma_wait3A_62 = tpu.memref_slice %arg7[%add3A_13, %dma_wait3A_61] : memref<10240x64xf32, #tpu.memory_space<vmem_shared>> -> memref<128x64xf32, #tpu.memory_space<vmem_shared>>
      %dma_wait3A_63 = arith.constant 0 : i32
      %dma_wait3A_64 = tpu.memref_slice %arg7[%add3A_13, %dma_wait3A_63] : memref<10240x64xf32, #tpu.memory_space<vmem_shared>> -> memref<128x64xf32, #tpu.memory_space<vmem_shared>>
      %dma_wait3A_65 = arith.constant 0 : i32
      %dma_wait3A_66 = arith.constant 0 : i32
      %dma_wait3A_67 = tpu.memref_slice %arg6[%run_scoped3A, %dma_wait3A_65, %dma_wait3A_66] : memref<4x128x64xf32, #tpu.memory_space<vmem>> -> memref<1x128x64xf32, #tpu.memory_space<vmem>>
      %dma_wait3A_68 = tpu.memref_squeeze %dma_wait3A_67 : memref<1x128x64xf32, #tpu.memory_space<vmem>> -> memref<128x64xf32, #tpu.memory_space<vmem>>
      tpu.wait_dma2 semaphore(%run_scoped3A_46 : memref<!tpu.dma_semaphore, #tpu.memory_space<semaphore_mem>>) src(%dma_wait3A_68 : memref<128x64xf32, #tpu.memory_space<vmem>>) dst(%dma_wait3A_64 : memref<128x64xf32, #tpu.memory_space<vmem_shared>>)
      tpu.yield
    }) : () -> ()
    %mul3A_14 = arith.constant 640 : i32
    %mul3A_15 = arith.muli %arg1, %mul3A_14 : i32
    %add3A_16 = arith.constant 128 : i32
    %add3A_17 = arith.addi %mul3A_15, %add3A_16 : i32
    %run_scoped3A_18 = arith.constant 0 : i32
    "tpu.region"() ({
      %run_scoped3A_46 = tpu.sem_alloc : memref<!tpu.dma_semaphore, #tpu.memory_space<semaphore_mem>>
      %dma_start3A = arith.constant 0 : i32
      %dma_start3A_47 = arith.constant 0 : i32
      %dma_start3A_48 = tpu.memref_slice %arg6[%run_scoped3A_18, %dma_start3A, %dma_start3A_47] : memref<4x128x64xf32, #tpu.memory_space<vmem>> -> memref<1x128x64xf32, #tpu.memory_space<vmem>>
      %dma_start3A_49 = tpu.memref_squeeze %dma_start3A_48 : memref<1x128x64xf32, #tpu.memory_space<vmem>> -> memref<128x64xf32, #tpu.memory_space<vmem>>
      %dma_start3A_50 = arith.constant 0 : i32
      %dma_start3A_51 = tpu.memref_slice %arg7[%add3A_17, %dma_start3A_50] : memref<10240x64xf32, #tpu.memory_space<vmem_shared>> -> memref<128x64xf32, #tpu.memory_space<vmem_shared>>
      %dma_start3A_52 = arith.constant 0 : i32
      %dma_start3A_53 = tpu.memref_slice %arg7[%add3A_17, %dma_start3A_52] : memref<10240x64xf32, #tpu.memory_space<vmem_shared>> -> memref<128x64xf32, #tpu.memory_space<vmem_shared>>
      %dma_start3A_54 = arith.constant 0 : i32
      %dma_start3A_55 = arith.constant 0 : i32
      %dma_start3A_56 = tpu.memref_slice %arg6[%run_scoped3A_18, %dma_start3A_54, %dma_start3A_55] : memref<4x128x64xf32, #tpu.memory_space<vmem>> -> memref<1x128x64xf32, #tpu.memory_space<vmem>>
      %dma_start3A_57 = tpu.memref_squeeze %dma_start3A_56 : memref<1x128x64xf32, #tpu.memory_space<vmem>> -> memref<128x64xf32, #tpu.memory_space<vmem>>
      tpu.enqueue_dma source(%dma_start3A_57 : memref<128x64xf32, #tpu.memory_space<vmem>>) target(%dma_start3A_53 : memref<128x64xf32, #tpu.memory_space<vmem_shared>>) target_semaphore(%run_scoped3A_46 : memref<!tpu.dma_semaphore, #tpu.memory_space<semaphore_mem>>)
      %dma_wait3A = arith.constant 0 : i32
      %dma_wait3A_58 = arith.constant 0 : i32
      %dma_wait3A_59 = tpu.memref_slice %arg6[%run_scoped3A_18, %dma_wait3A, %dma_wait3A_58] : memref<4x128x64xf32, #tpu.memory_space<vmem>> -> memref<1x128x64xf32, #tpu.memory_space<vmem>>
      %dma_wait3A_60 = tpu.memref_squeeze %dma_wait3A_59 : memref<1x128x64xf32, #tpu.memory_space<vmem>> -> memref<128x64xf32, #tpu.memory_space<vmem>>
      %dma_wait3A_61 = arith.constant 0 : i32
      %dma_wait3A_62 = tpu.memref_slice %arg7[%add3A_17, %dma_wait3A_61] : memref<10240x64xf32, #tpu.memory_space<vmem_shared>> -> memref<128x64xf32, #tpu.memory_space<vmem_shared>>
      %dma_wait3A_63 = arith.constant 0 : i32
      %dma_wait3A_64 = tpu.memref_slice %arg7[%add3A_17, %dma_wait3A_63] : memref<10240x64xf32, #tpu.memory_space<vmem_shared>> -> memref<128x64xf32, #tpu.memory_space<vmem_shared>>
      %dma_wait3A_65 = arith.constant 0 : i32
      %dma_wait3A_66 = arith.constant 0 : i32
      %dma_wait3A_67 = tpu.memref_slice %arg6[%run_scoped3A_18, %dma_wait3A_65, %dma_wait3A_66] : memref<4x128x64xf32, #tpu.memory_space<vmem>> -> memref<1x128x64xf32, #tpu.memory_space<vmem>>
      %dma_wait3A_68 = tpu.memref_squeeze %dma_wait3A_67 : memref<1x128x64xf32, #tpu.memory_space<vmem>> -> memref<128x64xf32, #tpu.memory_space<vmem>>
      tpu.wait_dma2 semaphore(%run_scoped3A_46 : memref<!tpu.dma_semaphore, #tpu.memory_space<semaphore_mem>>) src(%dma_wait3A_68 : memref<128x64xf32, #tpu.memory_space<vmem>>) dst(%dma_wait3A_64 : memref<128x64xf32, #tpu.memory_space<vmem_shared>>)
      tpu.yield
    }) : () -> ()
    %mul3A_19 = arith.constant 640 : i32
    %mul3A_20 = arith.muli %arg1, %mul3A_19 : i32
    %add3A_21 = arith.constant 256 : i32
    %add3A_22 = arith.addi %mul3A_20, %add3A_21 : i32
    %run_scoped3A_23 = arith.constant 0 : i32
    "tpu.region"() ({
      %run_scoped3A_46 = tpu.sem_alloc : memref<!tpu.dma_semaphore, #tpu.memory_space<semaphore_mem>>
      %dma_start3A = arith.constant 0 : i32
      %dma_start3A_47 = arith.constant 0 : i32
      %dma_start3A_48 = tpu.memref_slice %arg6[%run_scoped3A_23, %dma_start3A, %dma_start3A_47] : memref<4x128x64xf32, #tpu.memory_space<vmem>> -> memref<1x128x64xf32, #tpu.memory_space<vmem>>
      %dma_start3A_49 = tpu.memref_squeeze %dma_start3A_48 : memref<1x128x64xf32, #tpu.memory_space<vmem>> -> memref<128x64xf32, #tpu.memory_space<vmem>>
      %dma_start3A_50 = arith.constant 0 : i32
      %dma_start3A_51 = tpu.memref_slice %arg7[%add3A_22, %dma_start3A_50] : memref<10240x64xf32, #tpu.memory_space<vmem_shared>> -> memref<128x64xf32, #tpu.memory_space<vmem_shared>>
      %dma_start3A_52 = arith.constant 0 : i32
      %dma_start3A_53 = tpu.memref_slice %arg7[%add3A_22, %dma_start3A_52] : memref<10240x64xf32, #tpu.memory_space<vmem_shared>> -> memref<128x64xf32, #tpu.memory_space<vmem_shared>>
      %dma_start3A_54 = arith.constant 0 : i32
      %dma_start3A_55 = arith.constant 0 : i32
      %dma_start3A_56 = tpu.memref_slice %arg6[%run_scoped3A_23, %dma_start3A_54, %dma_start3A_55] : memref<4x128x64xf32, #tpu.memory_space<vmem>> -> memref<1x128x64xf32, #tpu.memory_space<vmem>>
      %dma_start3A_57 = tpu.memref_squeeze %dma_start3A_56 : memref<1x128x64xf32, #tpu.memory_space<vmem>> -> memref<128x64xf32, #tpu.memory_space<vmem>>
      tpu.enqueue_dma source(%dma_start3A_57 : memref<128x64xf32, #tpu.memory_space<vmem>>) target(%dma_start3A_53 : memref<128x64xf32, #tpu.memory_space<vmem_shared>>) target_semaphore(%run_scoped3A_46 : memref<!tpu.dma_semaphore, #tpu.memory_space<semaphore_mem>>)
      %dma_wait3A = arith.constant 0 : i32
      %dma_wait3A_58 = arith.constant 0 : i32
      %dma_wait3A_59 = tpu.memref_slice %arg6[%run_scoped3A_23, %dma_wait3A, %dma_wait3A_58] : memref<4x128x64xf32, #tpu.memory_space<vmem>> -> memref<1x128x64xf32, #tpu.memory_space<vmem>>
      %dma_wait3A_60 = tpu.memref_squeeze %dma_wait3A_59 : memref<1x128x64xf32, #tpu.memory_space<vmem>> -> memref<128x64xf32, #tpu.memory_space<vmem>>
      %dma_wait3A_61 = arith.constant 0 : i32
      %dma_wait3A_62 = tpu.memref_slice %arg7[%add3A_22, %dma_wait3A_61] : memref<10240x64xf32, #tpu.memory_space<vmem_shared>> -> memref<128x64xf32, #tpu.memory_space<vmem_shared>>
      %dma_wait3A_63 = arith.constant 0 : i32
      %dma_wait3A_64 = tpu.memref_slice %arg7[%add3A_22, %dma_wait3A_63] : memref<10240x64xf32, #tpu.memory_space<vmem_shared>> -> memref<128x64xf32, #tpu.memory_space<vmem_shared>>
      %dma_wait3A_65 = arith.constant 0 : i32
      %dma_wait3A_66 = arith.constant 0 : i32
      %dma_wait3A_67 = tpu.memref_slice %arg6[%run_scoped3A_23, %dma_wait3A_65, %dma_wait3A_66] : memref<4x128x64xf32, #tpu.memory_space<vmem>> -> memref<1x128x64xf32, #tpu.memory_space<vmem>>
      %dma_wait3A_68 = tpu.memref_squeeze %dma_wait3A_67 : memref<1x128x64xf32, #tpu.memory_space<vmem>> -> memref<128x64xf32, #tpu.memory_space<vmem>>
      tpu.wait_dma2 semaphore(%run_scoped3A_46 : memref<!tpu.dma_semaphore, #tpu.memory_space<semaphore_mem>>) src(%dma_wait3A_68 : memref<128x64xf32, #tpu.memory_space<vmem>>) dst(%dma_wait3A_64 : memref<128x64xf32, #tpu.memory_space<vmem_shared>>)
      tpu.yield
    }) : () -> ()
    %mul3A_24 = arith.constant 640 : i32
    %mul3A_25 = arith.muli %arg1, %mul3A_24 : i32
    %add3A_26 = arith.constant 384 : i32
    %add3A_27 = arith.addi %mul3A_25, %add3A_26 : i32
    %run_scoped3A_28 = arith.constant 0 : i32
    "tpu.region"() ({
      %run_scoped3A_46 = tpu.sem_alloc : memref<!tpu.dma_semaphore, #tpu.memory_space<semaphore_mem>>
      %dma_start3A = arith.constant 0 : i32
      %dma_start3A_47 = arith.constant 0 : i32
      %dma_start3A_48 = tpu.memref_slice %arg6[%run_scoped3A_28, %dma_start3A, %dma_start3A_47] : memref<4x128x64xf32, #tpu.memory_space<vmem>> -> memref<1x128x64xf32, #tpu.memory_space<vmem>>
      %dma_start3A_49 = tpu.memref_squeeze %dma_start3A_48 : memref<1x128x64xf32, #tpu.memory_space<vmem>> -> memref<128x64xf32, #tpu.memory_space<vmem>>
      %dma_start3A_50 = arith.constant 0 : i32
      %dma_start3A_51 = tpu.memref_slice %arg7[%add3A_27, %dma_start3A_50] : memref<10240x64xf32, #tpu.memory_space<vmem_shared>> -> memref<128x64xf32, #tpu.memory_space<vmem_shared>>
      %dma_start3A_52 = arith.constant 0 : i32
      %dma_start3A_53 = tpu.memref_slice %arg7[%add3A_27, %dma_start3A_52] : memref<10240x64xf32, #tpu.memory_space<vmem_shared>> -> memref<128x64xf32, #tpu.memory_space<vmem_shared>>
      %dma_start3A_54 = arith.constant 0 : i32
      %dma_start3A_55 = arith.constant 0 : i32
      %dma_start3A_56 = tpu.memref_slice %arg6[%run_scoped3A_28, %dma_start3A_54, %dma_start3A_55] : memref<4x128x64xf32, #tpu.memory_space<vmem>> -> memref<1x128x64xf32, #tpu.memory_space<vmem>>
      %dma_start3A_57 = tpu.memref_squeeze %dma_start3A_56 : memref<1x128x64xf32, #tpu.memory_space<vmem>> -> memref<128x64xf32, #tpu.memory_space<vmem>>
      tpu.enqueue_dma source(%dma_start3A_57 : memref<128x64xf32, #tpu.memory_space<vmem>>) target(%dma_start3A_53 : memref<128x64xf32, #tpu.memory_space<vmem_shared>>) target_semaphore(%run_scoped3A_46 : memref<!tpu.dma_semaphore, #tpu.memory_space<semaphore_mem>>)
      %dma_wait3A = arith.constant 0 : i32
      %dma_wait3A_58 = arith.constant 0 : i32
      %dma_wait3A_59 = tpu.memref_slice %arg6[%run_scoped3A_28, %dma_wait3A, %dma_wait3A_58] : memref<4x128x64xf32, #tpu.memory_space<vmem>> -> memref<1x128x64xf32, #tpu.memory_space<vmem>>
      %dma_wait3A_60 = tpu.memref_squeeze %dma_wait3A_59 : memref<1x128x64xf32, #tpu.memory_space<vmem>> -> memref<128x64xf32, #tpu.memory_space<vmem>>
      %dma_wait3A_61 = arith.constant 0 : i32
      %dma_wait3A_62 = tpu.memref_slice %arg7[%add3A_27, %dma_wait3A_61] : memref<10240x64xf32, #tpu.memory_space<vmem_shared>> -> memref<128x64xf32, #tpu.memory_space<vmem_shared>>
      %dma_wait3A_63 = arith.constant 0 : i32
      %dma_wait3A_64 = tpu.memref_slice %arg7[%add3A_27, %dma_wait3A_63] : memref<10240x64xf32, #tpu.memory_space<vmem_shared>> -> memref<128x64xf32, #tpu.memory_space<vmem_shared>>
      %dma_wait3A_65 = arith.constant 0 : i32
      %dma_wait3A_66 = arith.constant 0 : i32
      %dma_wait3A_67 = tpu.memref_slice %arg6[%run_scoped3A_28, %dma_wait3A_65, %dma_wait3A_66] : memref<4x128x64xf32, #tpu.memory_space<vmem>> -> memref<1x128x64xf32, #tpu.memory_space<vmem>>
      %dma_wait3A_68 = tpu.memref_squeeze %dma_wait3A_67 : memref<1x128x64xf32, #tpu.memory_space<vmem>> -> memref<128x64xf32, #tpu.memory_space<vmem>>
      tpu.wait_dma2 semaphore(%run_scoped3A_46 : memref<!tpu.dma_semaphore, #tpu.memory_space<semaphore_mem>>) src(%dma_wait3A_68 : memref<128x64xf32, #tpu.memory_space<vmem>>) dst(%dma_wait3A_64 : memref<128x64xf32, #tpu.memory_space<vmem_shared>>)
      tpu.yield
    }) : () -> ()
    %mul3A_29 = arith.constant 640 : i32
    %mul3A_30 = arith.muli %arg1, %mul3A_29 : i32
    %add3A_31 = arith.constant 512 : i32
    %add3A_32 = arith.addi %mul3A_30, %add3A_31 : i32
    %run_scoped3A_33 = arith.constant 0 : i32
    "tpu.region"() ({
      %run_scoped3A_46 = tpu.sem_alloc : memref<!tpu.dma_semaphore, #tpu.memory_space<semaphore_mem>>
      %dma_start3A = arith.constant 0 : i32
      %dma_start3A_47 = arith.constant 0 : i32
      %dma_start3A_48 = tpu.memref_slice %arg6[%run_scoped3A_33, %dma_start3A, %dma_start3A_47] : memref<4x128x64xf32, #tpu.memory_space<vmem>> -> memref<1x128x64xf32, #tpu.memory_space<vmem>>
      %dma_start3A_49 = tpu.memref_squeeze %dma_start3A_48 : memref<1x128x64xf32, #tpu.memory_space<vmem>> -> memref<128x64xf32, #tpu.memory_space<vmem>>
      %dma_start3A_50 = arith.constant 0 : i32
      %dma_start3A_51 = tpu.memref_slice %arg7[%add3A_32, %dma_start3A_50] : memref<10240x64xf32, #tpu.memory_space<vmem_shared>> -> memref<128x64xf32, #tpu.memory_space<vmem_shared>>
      %dma_start3A_52 = arith.constant 0 : i32
      %dma_start3A_53 = tpu.memref_slice %arg7[%add3A_32, %dma_start3A_52] : memref<10240x64xf32, #tpu.memory_space<vmem_shared>> -> memref<128x64xf32, #tpu.memory_space<vmem_shared>>
      %dma_start3A_54 = arith.constant 0 : i32
      %dma_start3A_55 = arith.constant 0 : i32
      %dma_start3A_56 = tpu.memref_slice %arg6[%run_scoped3A_33, %dma_start3A_54, %dma_start3A_55] : memref<4x128x64xf32, #tpu.memory_space<vmem>> -> memref<1x128x64xf32, #tpu.memory_space<vmem>>
      %dma_start3A_57 = tpu.memref_squeeze %dma_start3A_56 : memref<1x128x64xf32, #tpu.memory_space<vmem>> -> memref<128x64xf32, #tpu.memory_space<vmem>>
      tpu.enqueue_dma source(%dma_start3A_57 : memref<128x64xf32, #tpu.memory_space<vmem>>) target(%dma_start3A_53 : memref<128x64xf32, #tpu.memory_space<vmem_shared>>) target_semaphore(%run_scoped3A_46 : memref<!tpu.dma_semaphore, #tpu.memory_space<semaphore_mem>>)
      %dma_wait3A = arith.constant 0 : i32
      %dma_wait3A_58 = arith.constant 0 : i32
      %dma_wait3A_59 = tpu.memref_slice %arg6[%run_scoped3A_33, %dma_wait3A, %dma_wait3A_58] : memref<4x128x64xf32, #tpu.memory_space<vmem>> -> memref<1x128x64xf32, #tpu.memory_space<vmem>>
      %dma_wait3A_60 = tpu.memref_squeeze %dma_wait3A_59 : memref<1x128x64xf32, #tpu.memory_space<vmem>> -> memref<128x64xf32, #tpu.memory_space<vmem>>
      %dma_wait3A_61 = arith.constant 0 : i32
      %dma_wait3A_62 = tpu.memref_slice %arg7[%add3A_32, %dma_wait3A_61] : memref<10240x64xf32, #tpu.memory_space<vmem_shared>> -> memref<128x64xf32, #tpu.memory_space<vmem_shared>>
      %dma_wait3A_63 = arith.constant 0 : i32
      %dma_wait3A_64 = tpu.memref_slice %arg7[%add3A_32, %dma_wait3A_63] : memref<10240x64xf32, #tpu.memory_space<vmem_shared>> -> memref<128x64xf32, #tpu.memory_space<vmem_shared>>
      %dma_wait3A_65 = arith.constant 0 : i32
      %dma_wait3A_66 = arith.constant 0 : i32
      %dma_wait3A_67 = tpu.memref_slice %arg6[%run_scoped3A_33, %dma_wait3A_65, %dma_wait3A_66] : memref<4x128x64xf32, #tpu.memory_space<vmem>> -> memref<1x128x64xf32, #tpu.memory_space<vmem>>
      %dma_wait3A_68 = tpu.memref_squeeze %dma_wait3A_67 : memref<1x128x64xf32, #tpu.memory_space<vmem>> -> memref<128x64xf32, #tpu.memory_space<vmem>>
      tpu.wait_dma2 semaphore(%run_scoped3A_46 : memref<!tpu.dma_semaphore, #tpu.memory_space<semaphore_mem>>) src(%dma_wait3A_68 : memref<128x64xf32, #tpu.memory_space<vmem>>) dst(%dma_wait3A_64 : memref<128x64xf32, #tpu.memory_space<vmem_shared>>)
      tpu.yield
    }) : () -> ()
    %barrier3A = arith.constant 0 : index
    tpu.barrier barrier_id(%barrier3A)
    %scan3A_34 = arith.constant 0 : i32
    %scan3A_35 = arith.constant 0 : i32
    %scan3A_36 = arith.constant 20 : i32
    %scan3A_37 = arith.addi %scan3A_35, %scan3A_36 : i32
    %scan3A_38 = arith.constant 1 : i32
    %scan3A_39 = scf.for %scan3A_46 = %scan3A_35 to %scan3A_37 step %scan3A_38 iter_args(%scan3A_47 = %scan3A_34) -> (i32)  : i32 {
      %mul3A_48 = arith.constant 160 : i32
      %mul3A_49 = arith.muli %arg1, %mul3A_48 : i32
      %mul3A_50 = arith.constant 8 : i32
      %mul3A_51 = arith.muli %scan3A_46, %mul3A_50 : i32
      %add3A_52 = arith.addi %mul3A_49, %mul3A_51 : i32
      "tpu.region"() ({
        %run_scoped3A_468 = tpu.sem_alloc : memref<!tpu.dma_semaphore, #tpu.memory_space<semaphore_mem>>
        %dma_start3A_469 = arith.constant 0 : i32
        %dma_start3A_470 = arith.constant 0 : i32
        %dma_start3A_471 = tpu.memref_slice %arg3[%add3A_52, %dma_start3A_469, %dma_start3A_470] : memref<2560x2x128xi32, #tpu.memory_space<hbm>> -> memref<8x2x128xi32, #tpu.memory_space<hbm>>
        %dma_start3A_472 = arith.constant 0 : i32
        %dma_start3A_473 = arith.constant 0 : i32
        %dma_start3A_474 = tpu.memref_slice %arg3[%add3A_52, %dma_start3A_472, %dma_start3A_473] : memref<2560x2x128xi32, #tpu.memory_space<hbm>> -> memref<8x2x128xi32, #tpu.memory_space<hbm>>
        tpu.enqueue_dma source(%dma_start3A_474 : memref<8x2x128xi32, #tpu.memory_space<hbm>>) target(%arg5 : memref<8x2x128xi32, #tpu.memory_space<vmem>>) target_semaphore(%run_scoped3A_468 : memref<!tpu.dma_semaphore, #tpu.memory_space<semaphore_mem>>)
        %dma_wait3A_475 = arith.constant 0 : i32
        %dma_wait3A_476 = arith.constant 0 : i32
        %dma_wait3A_477 = tpu.memref_slice %arg3[%add3A_52, %dma_wait3A_475, %dma_wait3A_476] : memref<2560x2x128xi32, #tpu.memory_space<hbm>> -> memref<8x2x128xi32, #tpu.memory_space<hbm>>
        %dma_wait3A_478 = arith.constant 0 : i32
        %dma_wait3A_479 = arith.constant 0 : i32
        %dma_wait3A_480 = tpu.memref_slice %arg3[%add3A_52, %dma_wait3A_478, %dma_wait3A_479] : memref<2560x2x128xi32, #tpu.memory_space<hbm>> -> memref<8x2x128xi32, #tpu.memory_space<hbm>>
        tpu.wait_dma2 semaphore(%run_scoped3A_468 : memref<!tpu.dma_semaphore, #tpu.memory_space<semaphore_mem>>) src(%dma_wait3A_480 : memref<8x2x128xi32, #tpu.memory_space<hbm>>) dst(%arg5 : memref<8x2x128xi32, #tpu.memory_space<vmem>>)
        tpu.yield
      }) : () -> ()
      %dma_start3A = arith.constant 0 : i32
      %dma_start3A_53 = arith.constant 0 : i32
      %dma_start3A_54 = arith.constant 0 : i32
      %dma_start3A_55 = arith.constant 0 : i32
      %dma_start3A_56 = arith.constant 0 : i32
      %dma_start3A_57 = tpu.memref_slice %arg6[%dma_start3A_54, %dma_start3A_55, %dma_start3A_56] : memref<4x128x64xf32, #tpu.memory_space<vmem>> -> memref<1x128x64xf32, #tpu.memory_space<vmem>>
      %dma_start3A_58 = tpu.memref_squeeze %dma_start3A_57 : memref<1x128x64xf32, #tpu.memory_space<vmem>> -> memref<128x64xf32, #tpu.memory_space<vmem>>
      %dma_start3A_59 = arith.constant 0 : i32
      %dma_start3A_60 = tpu.memref_slice %arg5[%dma_start3A, %dma_start3A_53, %dma_start3A_59] : memref<8x2x128xi32, #tpu.memory_space<vmem>> -> memref<1x1x128xi32, #tpu.memory_space<vmem>>
      %dma_start3A_61 = tpu.memref_squeeze %dma_start3A_60 : memref<1x1x128xi32, #tpu.memory_space<vmem>> -> memref<128xi32, #tpu.memory_space<vmem>>
      %dma_start3A_62 = arith.constant 0 : i32
      %dma_start3A_63 = arith.constant 0 : i32
      %dma_start3A_64 = tpu.memref_slice %arg8[%dma_start3A_62, %dma_start3A_63] : memref<10240x64xf32, #tpu.memory_space<vmem_shared>> -> memref<10240x64xf32, #tpu.memory_space<vmem_shared>>
      tpu.enqueue_indirect_dma source(%dma_start3A_64 : memref<10240x64xf32, #tpu.memory_space<vmem_shared>>) target(%dma_start3A_58 : memref<128x64xf32, #tpu.memory_space<vmem>>) offsets(%dma_start3A_61 : memref<128xi32, #tpu.memory_space<vmem>>) semaphore(%arg9 : memref<!tpu.dma_semaphore, #tpu.memory_space<semaphore_mem>>)
      %dma_start3A_65 = arith.constant 1 : i32
      %dma_start3A_66 = arith.constant 0 : i32
      %dma_start3A_67 = arith.constant 1 : i32
      %dma_start3A_68 = arith.constant 0 : i32
      %dma_start3A_69 = arith.constant 0 : i32
      %dma_start3A_70 = tpu.memref_slice %arg6[%dma_start3A_67, %dma_start3A_68, %dma_start3A_69] : memref<4x128x64xf32, #tpu.memory_space<vmem>> -> memref<1x128x64xf32, #tpu.memory_space<vmem>>
      %dma_start3A_71 = tpu.memref_squeeze %dma_start3A_70 : memref<1x128x64xf32, #tpu.memory_space<vmem>> -> memref<128x64xf32, #tpu.memory_space<vmem>>
      %dma_start3A_72 = arith.constant 0 : i32
      %dma_start3A_73 = tpu.memref_slice %arg5[%dma_start3A_65, %dma_start3A_66, %dma_start3A_72] : memref<8x2x128xi32, #tpu.memory_space<vmem>> -> memref<1x1x128xi32, #tpu.memory_space<vmem>>
      %dma_start3A_74 = tpu.memref_squeeze %dma_start3A_73 : memref<1x1x128xi32, #tpu.memory_space<vmem>> -> memref<128xi32, #tpu.memory_space<vmem>>
      %dma_start3A_75 = arith.constant 0 : i32
      %dma_start3A_76 = arith.constant 0 : i32
      %dma_start3A_77 = tpu.memref_slice %arg8[%dma_start3A_75, %dma_start3A_76] : memref<10240x64xf32, #tpu.memory_space<vmem_shared>> -> memref<10240x64xf32, #tpu.memory_space<vmem_shared>>
      tpu.enqueue_indirect_dma source(%dma_start3A_77 : memref<10240x64xf32, #tpu.memory_space<vmem_shared>>) target(%dma_start3A_71 : memref<128x64xf32, #tpu.memory_space<vmem>>) offsets(%dma_start3A_74 : memref<128xi32, #tpu.memory_space<vmem>>) semaphore(%arg9 : memref<!tpu.dma_semaphore, #tpu.memory_space<semaphore_mem>>)
      %dma_wait3A = arith.constant 0 : i32
      %dma_wait3A_78 = arith.constant 0 : i32
      %dma_wait3A_79 = arith.constant 0 : i32
      %dma_wait3A_80 = arith.constant 0 : i32
      %dma_wait3A_81 = arith.constant 0 : i32
      %dma_wait3A_82 = tpu.memref_slice %arg6[%dma_wait3A_79, %dma_wait3A_80, %dma_wait3A_81] : memref<4x128x64xf32, #tpu.memory_space<vmem>> -> memref<1x128x64xf32, #tpu.memory_space<vmem>>
      %dma_wait3A_83 = tpu.memref_squeeze %dma_wait3A_82 : memref<1x128x64xf32, #tpu.memory_space<vmem>> -> memref<128x64xf32, #tpu.memory_space<vmem>>
      %dma_wait3A_84 = arith.constant 0 : i32
      %dma_wait3A_85 = tpu.memref_slice %arg5[%dma_wait3A, %dma_wait3A_78, %dma_wait3A_84] : memref<8x2x128xi32, #tpu.memory_space<vmem>> -> memref<1x1x128xi32, #tpu.memory_space<vmem>>
      %dma_wait3A_86 = tpu.memref_squeeze %dma_wait3A_85 : memref<1x1x128xi32, #tpu.memory_space<vmem>> -> memref<128xi32, #tpu.memory_space<vmem>>
      %dma_wait3A_87 = arith.constant 0 : i32
      %dma_wait3A_88 = arith.constant 0 : i32
      %dma_wait3A_89 = tpu.memref_slice %arg8[%dma_wait3A_87, %dma_wait3A_88] : memref<10240x64xf32, #tpu.memory_space<vmem_shared>> -> memref<10240x64xf32, #tpu.memory_space<vmem_shared>>
      tpu.wait_indirect_dma semaphore(%arg9 : memref<!tpu.dma_semaphore, #tpu.memory_space<semaphore_mem>>) src(%dma_wait3A_89 : memref<10240x64xf32, #tpu.memory_space<vmem_shared>>) dst(%dma_wait3A_83 : memref<128x64xf32, #tpu.memory_space<vmem>>)
      %dma_start3A_90 = arith.constant 0 : i32
      %dma_start3A_91 = arith.constant 0 : i32
      %dma_start3A_92 = arith.constant 1 : i32
      %dma_start3A_93 = arith.constant 0 : i32
      %dma_start3A_94 = arith.constant 0 : i32
      %dma_start3A_95 = tpu.memref_slice %arg6[%dma_start3A_90, %dma_start3A_93, %dma_start3A_94] : memref<4x128x64xf32, #tpu.memory_space<vmem>> -> memref<1x128x64xf32, #tpu.memory_space<vmem>>
      %dma_start3A_96 = tpu.memref_squeeze %dma_start3A_95 : memref<1x128x64xf32, #tpu.memory_space<vmem>> -> memref<128x64xf32, #tpu.memory_space<vmem>>
      %dma_start3A_97 = arith.constant 0 : i32
      %dma_start3A_98 = tpu.memref_slice %arg5[%dma_start3A_91, %dma_start3A_92, %dma_start3A_97] : memref<8x2x128xi32, #tpu.memory_space<vmem>> -> memref<1x1x128xi32, #tpu.memory_space<vmem>>
      %dma_start3A_99 = tpu.memref_squeeze %dma_start3A_98 : memref<1x1x128xi32, #tpu.memory_space<vmem>> -> memref<128xi32, #tpu.memory_space<vmem>>
      %dma_start3A_100 = arith.constant 0 : i32
      %dma_start3A_101 = arith.constant 0 : i32
      %dma_start3A_102 = tpu.memref_slice %arg7[%dma_start3A_100, %dma_start3A_101] : memref<10240x64xf32, #tpu.memory_space<vmem_shared>> -> memref<10240x64xf32, #tpu.memory_space<vmem_shared>>
      tpu.enqueue_indirect_dma source(%dma_start3A_96 : memref<128x64xf32, #tpu.memory_space<vmem>>) target(%dma_start3A_102 : memref<10240x64xf32, #tpu.memory_space<vmem_shared>>) offsets(%dma_start3A_99 : memref<128xi32, #tpu.memory_space<vmem>>) semaphore(%arg10 : memref<!tpu.dma_semaphore, #tpu.memory_space<semaphore_mem>>) {add = true}
      %dma_wait3A_103 = arith.constant 1 : i32
      %dma_wait3A_104 = arith.constant 0 : i32
      %dma_wait3A_105 = arith.constant 1 : i32
      %dma_wait3A_106 = arith.constant 0 : i32
      %dma_wait3A_107 = arith.constant 0 : i32
      %dma_wait3A_108 = tpu.memref_slice %arg6[%dma_wait3A_105, %dma_wait3A_106, %dma_wait3A_107] : memref<4x128x64xf32, #tpu.memory_space<vmem>> -> memref<1x128x64xf32, #tpu.memory_space<vmem>>
      %dma_wait3A_109 = tpu.memref_squeeze %dma_wait3A_108 : memref<1x128x64xf32, #tpu.memory_space<vmem>> -> memref<128x64xf32, #tpu.memory_space<vmem>>
      %dma_wait3A_110 = arith.constant 0 : i32
      %dma_wait3A_111 = tpu.memref_slice %arg5[%dma_wait3A_103, %dma_wait3A_104, %dma_wait3A_110] : memref<8x2x128xi32, #tpu.memory_space<vmem>> -> memref<1x1x128xi32, #tpu.memory_space<vmem>>
      %dma_wait3A_112 = tpu.memref_squeeze %dma_wait3A_111 : memref<1x1x128xi32, #tpu.memory_space<vmem>> -> memref<128xi32, #tpu.memory_space<vmem>>
      %dma_wait3A_113 = arith.constant 0 : i32
      %dma_wait3A_114 = arith.constant 0 : i32
      %dma_wait3A_115 = tpu.memref_slice %arg8[%dma_wait3A_113, %dma_wait3A_114] : memref<10240x64xf32, #tpu.memory_space<vmem_shared>> -> memref<10240x64xf32, #tpu.memory_space<vmem_shared>>
      tpu.wait_indirect_dma semaphore(%arg9 : memref<!tpu.dma_semaphore, #tpu.memory_space<semaphore_mem>>) src(%dma_wait3A_115 : memref<10240x64xf32, #tpu.memory_space<vmem_shared>>) dst(%dma_wait3A_109 : memref<128x64xf32, #tpu.memory_space<vmem>>)
      %dma_start3A_116 = arith.constant 1 : i32
      %dma_start3A_117 = arith.constant 1 : i32
      %dma_start3A_118 = arith.constant 1 : i32
      %dma_start3A_119 = arith.constant 0 : i32
      %dma_start3A_120 = arith.constant 0 : i32
      %dma_start3A_121 = tpu.memref_slice %arg6[%dma_start3A_116, %dma_start3A_119, %dma_start3A_120] : memref<4x128x64xf32, #tpu.memory_space<vmem>> -> memref<1x128x64xf32, #tpu.memory_space<vmem>>
      %dma_start3A_122 = tpu.memref_squeeze %dma_start3A_121 : memref<1x128x64xf32, #tpu.memory_space<vmem>> -> memref<128x64xf32, #tpu.memory_space<vmem>>
      %dma_start3A_123 = arith.constant 0 : i32
      %dma_start3A_124 = tpu.memref_slice %arg5[%dma_start3A_117, %dma_start3A_118, %dma_start3A_123] : memref<8x2x128xi32, #tpu.memory_space<vmem>> -> memref<1x1x128xi32, #tpu.memory_space<vmem>>
      %dma_start3A_125 = tpu.memref_squeeze %dma_start3A_124 : memref<1x1x128xi32, #tpu.memory_space<vmem>> -> memref<128xi32, #tpu.memory_space<vmem>>
      %dma_start3A_126 = arith.constant 0 : i32
      %dma_start3A_127 = arith.constant 0 : i32
      %dma_start3A_128 = tpu.memref_slice %arg7[%dma_start3A_126, %dma_start3A_127] : memref<10240x64xf32, #tpu.memory_space<vmem_shared>> -> memref<10240x64xf32, #tpu.memory_space<vmem_shared>>
      tpu.enqueue_indirect_dma source(%dma_start3A_122 : memref<128x64xf32, #tpu.memory_space<vmem>>) target(%dma_start3A_128 : memref<10240x64xf32, #tpu.memory_space<vmem_shared>>) offsets(%dma_start3A_125 : memref<128xi32, #tpu.memory_space<vmem>>) semaphore(%arg10 : memref<!tpu.dma_semaphore, #tpu.memory_space<semaphore_mem>>) {add = true}
      %dma_start3A_129 = arith.constant 2 : i32
      %dma_start3A_130 = arith.constant 0 : i32
      %dma_start3A_131 = arith.constant 2 : i32
      %dma_start3A_132 = arith.constant 0 : i32
      %dma_start3A_133 = arith.constant 0 : i32
      %dma_start3A_134 = tpu.memref_slice %arg6[%dma_start3A_131, %dma_start3A_132, %dma_start3A_133] : memref<4x128x64xf32, #tpu.memory_space<vmem>> -> memref<1x128x64xf32, #tpu.memory_space<vmem>>
      %dma_start3A_135 = tpu.memref_squeeze %dma_start3A_134 : memref<1x128x64xf32, #tpu.memory_space<vmem>> -> memref<128x64xf32, #tpu.memory_space<vmem>>
      %dma_start3A_136 = arith.constant 0 : i32
      %dma_start3A_137 = tpu.memref_slice %arg5[%dma_start3A_129, %dma_start3A_130, %dma_start3A_136] : memref<8x2x128xi32, #tpu.memory_space<vmem>> -> memref<1x1x128xi32, #tpu.memory_space<vmem>>
      %dma_start3A_138 = tpu.memref_squeeze %dma_start3A_137 : memref<1x1x128xi32, #tpu.memory_space<vmem>> -> memref<128xi32, #tpu.memory_space<vmem>>
      %dma_start3A_139 = arith.constant 0 : i32
      %dma_start3A_140 = arith.constant 0 : i32
      %dma_start3A_141 = tpu.memref_slice %arg8[%dma_start3A_139, %dma_start3A_140] : memref<10240x64xf32, #tpu.memory_space<vmem_shared>> -> memref<10240x64xf32, #tpu.memory_space<vmem_shared>>
      tpu.enqueue_indirect_dma source(%dma_start3A_141 : memref<10240x64xf32, #tpu.memory_space<vmem_shared>>) target(%dma_start3A_135 : memref<128x64xf32, #tpu.memory_space<vmem>>) offsets(%dma_start3A_138 : memref<128xi32, #tpu.memory_space<vmem>>) semaphore(%arg9 : memref<!tpu.dma_semaphore, #tpu.memory_space<semaphore_mem>>)
      %dma_start3A_142 = arith.constant 3 : i32
      %dma_start3A_143 = arith.constant 0 : i32
      %dma_start3A_144 = arith.constant 3 : i32
      %dma_start3A_145 = arith.constant 0 : i32
      %dma_start3A_146 = arith.constant 0 : i32
      %dma_start3A_147 = tpu.memref_slice %arg6[%dma_start3A_144, %dma_start3A_145, %dma_start3A_146] : memref<4x128x64xf32, #tpu.memory_space<vmem>> -> memref<1x128x64xf32, #tpu.memory_space<vmem>>
      %dma_start3A_148 = tpu.memref_squeeze %dma_start3A_147 : memref<1x128x64xf32, #tpu.memory_space<vmem>> -> memref<128x64xf32, #tpu.memory_space<vmem>>
      %dma_start3A_149 = arith.constant 0 : i32
      %dma_start3A_150 = tpu.memref_slice %arg5[%dma_start3A_142, %dma_start3A_143, %dma_start3A_149] : memref<8x2x128xi32, #tpu.memory_space<vmem>> -> memref<1x1x128xi32, #tpu.memory_space<vmem>>
      %dma_start3A_151 = tpu.memref_squeeze %dma_start3A_150 : memref<1x1x128xi32, #tpu.memory_space<vmem>> -> memref<128xi32, #tpu.memory_space<vmem>>
      %dma_start3A_152 = arith.constant 0 : i32
      %dma_start3A_153 = arith.constant 0 : i32
      %dma_start3A_154 = tpu.memref_slice %arg8[%dma_start3A_152, %dma_start3A_153] : memref<10240x64xf32, #tpu.memory_space<vmem_shared>> -> memref<10240x64xf32, #tpu.memory_space<vmem_shared>>
      tpu.enqueue_indirect_dma source(%dma_start3A_154 : memref<10240x64xf32, #tpu.memory_space<vmem_shared>>) target(%dma_start3A_148 : memref<128x64xf32, #tpu.memory_space<vmem>>) offsets(%dma_start3A_151 : memref<128xi32, #tpu.memory_space<vmem>>) semaphore(%arg9 : memref<!tpu.dma_semaphore, #tpu.memory_space<semaphore_mem>>)
      %dma_wait3A_155 = arith.constant 2 : i32
      %dma_wait3A_156 = arith.constant 0 : i32
      %dma_wait3A_157 = arith.constant 2 : i32
      %dma_wait3A_158 = arith.constant 0 : i32
      %dma_wait3A_159 = arith.constant 0 : i32
      %dma_wait3A_160 = tpu.memref_slice %arg6[%dma_wait3A_157, %dma_wait3A_158, %dma_wait3A_159] : memref<4x128x64xf32, #tpu.memory_space<vmem>> -> memref<1x128x64xf32, #tpu.memory_space<vmem>>
      %dma_wait3A_161 = tpu.memref_squeeze %dma_wait3A_160 : memref<1x128x64xf32, #tpu.memory_space<vmem>> -> memref<128x64xf32, #tpu.memory_space<vmem>>
      %dma_wait3A_162 = arith.constant 0 : i32
      %dma_wait3A_163 = tpu.memref_slice %arg5[%dma_wait3A_155, %dma_wait3A_156, %dma_wait3A_162] : memref<8x2x128xi32, #tpu.memory_space<vmem>> -> memref<1x1x128xi32, #tpu.memory_space<vmem>>
      %dma_wait3A_164 = tpu.memref_squeeze %dma_wait3A_163 : memref<1x1x128xi32, #tpu.memory_space<vmem>> -> memref<128xi32, #tpu.memory_space<vmem>>
      %dma_wait3A_165 = arith.constant 0 : i32
      %dma_wait3A_166 = arith.constant 0 : i32
      %dma_wait3A_167 = tpu.memref_slice %arg8[%dma_wait3A_165, %dma_wait3A_166] : memref<10240x64xf32, #tpu.memory_space<vmem_shared>> -> memref<10240x64xf32, #tpu.memory_space<vmem_shared>>
      tpu.wait_indirect_dma semaphore(%arg9 : memref<!tpu.dma_semaphore, #tpu.memory_space<semaphore_mem>>) src(%dma_wait3A_167 : memref<10240x64xf32, #tpu.memory_space<vmem_shared>>) dst(%dma_wait3A_161 : memref<128x64xf32, #tpu.memory_space<vmem>>)
      %dma_start3A_168 = arith.constant 2 : i32
      %dma_start3A_169 = arith.constant 2 : i32
      %dma_start3A_170 = arith.constant 1 : i32
      %dma_start3A_171 = arith.constant 0 : i32
      %dma_start3A_172 = arith.constant 0 : i32
      %dma_start3A_173 = tpu.memref_slice %arg6[%dma_start3A_168, %dma_start3A_171, %dma_start3A_172] : memref<4x128x64xf32, #tpu.memory_space<vmem>> -> memref<1x128x64xf32, #tpu.memory_space<vmem>>
      %dma_start3A_174 = tpu.memref_squeeze %dma_start3A_173 : memref<1x128x64xf32, #tpu.memory_space<vmem>> -> memref<128x64xf32, #tpu.memory_space<vmem>>
      %dma_start3A_175 = arith.constant 0 : i32
      %dma_start3A_176 = tpu.memref_slice %arg5[%dma_start3A_169, %dma_start3A_170, %dma_start3A_175] : memref<8x2x128xi32, #tpu.memory_space<vmem>> -> memref<1x1x128xi32, #tpu.memory_space<vmem>>
      %dma_start3A_177 = tpu.memref_squeeze %dma_start3A_176 : memref<1x1x128xi32, #tpu.memory_space<vmem>> -> memref<128xi32, #tpu.memory_space<vmem>>
      %dma_start3A_178 = arith.constant 0 : i32
      %dma_start3A_179 = arith.constant 0 : i32
      %dma_start3A_180 = tpu.memref_slice %arg7[%dma_start3A_178, %dma_start3A_179] : memref<10240x64xf32, #tpu.memory_space<vmem_shared>> -> memref<10240x64xf32, #tpu.memory_space<vmem_shared>>
      tpu.enqueue_indirect_dma source(%dma_start3A_174 : memref<128x64xf32, #tpu.memory_space<vmem>>) target(%dma_start3A_180 : memref<10240x64xf32, #tpu.memory_space<vmem_shared>>) offsets(%dma_start3A_177 : memref<128xi32, #tpu.memory_space<vmem>>) semaphore(%arg10 : memref<!tpu.dma_semaphore, #tpu.memory_space<semaphore_mem>>) {add = true}
      %dma_wait3A_181 = arith.constant 3 : i32
      %dma_wait3A_182 = arith.constant 0 : i32
      %dma_wait3A_183 = arith.constant 3 : i32
      %dma_wait3A_184 = arith.constant 0 : i32
      %dma_wait3A_185 = arith.constant 0 : i32
      %dma_wait3A_186 = tpu.memref_slice %arg6[%dma_wait3A_183, %dma_wait3A_184, %dma_wait3A_185] : memref<4x128x64xf32, #tpu.memory_space<vmem>> -> memref<1x128x64xf32, #tpu.memory_space<vmem>>
      %dma_wait3A_187 = tpu.memref_squeeze %dma_wait3A_186 : memref<1x128x64xf32, #tpu.memory_space<vmem>> -> memref<128x64xf32, #tpu.memory_space<vmem>>
      %dma_wait3A_188 = arith.constant 0 : i32
      %dma_wait3A_189 = tpu.memref_slice %arg5[%dma_wait3A_181, %dma_wait3A_182, %dma_wait3A_188] : memref<8x2x128xi32, #tpu.memory_space<vmem>> -> memref<1x1x128xi32, #tpu.memory_space<vmem>>
      %dma_wait3A_190 = tpu.memref_squeeze %dma_wait3A_189 : memref<1x1x128xi32, #tpu.memory_space<vmem>> -> memref<128xi32, #tpu.memory_space<vmem>>
      %dma_wait3A_191 = arith.constant 0 : i32
      %dma_wait3A_192 = arith.constant 0 : i32
      %dma_wait3A_193 = tpu.memref_slice %arg8[%dma_wait3A_191, %dma_wait3A_192] : memref<10240x64xf32, #tpu.memory_space<vmem_shared>> -> memref<10240x64xf32, #tpu.memory_space<vmem_shared>>
      tpu.wait_indirect_dma semaphore(%arg9 : memref<!tpu.dma_semaphore, #tpu.memory_space<semaphore_mem>>) src(%dma_wait3A_193 : memref<10240x64xf32, #tpu.memory_space<vmem_shared>>) dst(%dma_wait3A_187 : memref<128x64xf32, #tpu.memory_space<vmem>>)
      %dma_start3A_194 = arith.constant 3 : i32
      %dma_start3A_195 = arith.constant 3 : i32
      %dma_start3A_196 = arith.constant 1 : i32
      %dma_start3A_197 = arith.constant 0 : i32
      %dma_start3A_198 = arith.constant 0 : i32
      %dma_start3A_199 = tpu.memref_slice %arg6[%dma_start3A_194, %dma_start3A_197, %dma_start3A_198] : memref<4x128x64xf32, #tpu.memory_space<vmem>> -> memref<1x128x64xf32, #tpu.memory_space<vmem>>
      %dma_start3A_200 = tpu.memref_squeeze %dma_start3A_199 : memref<1x128x64xf32, #tpu.memory_space<vmem>> -> memref<128x64xf32, #tpu.memory_space<vmem>>
      %dma_start3A_201 = arith.constant 0 : i32
      %dma_start3A_202 = tpu.memref_slice %arg5[%dma_start3A_195, %dma_start3A_196, %dma_start3A_201] : memref<8x2x128xi32, #tpu.memory_space<vmem>> -> memref<1x1x128xi32, #tpu.memory_space<vmem>>
      %dma_start3A_203 = tpu.memref_squeeze %dma_start3A_202 : memref<1x1x128xi32, #tpu.memory_space<vmem>> -> memref<128xi32, #tpu.memory_space<vmem>>
      %dma_start3A_204 = arith.constant 0 : i32
      %dma_start3A_205 = arith.constant 0 : i32
      %dma_start3A_206 = tpu.memref_slice %arg7[%dma_start3A_204, %dma_start3A_205] : memref<10240x64xf32, #tpu.memory_space<vmem_shared>> -> memref<10240x64xf32, #tpu.memory_space<vmem_shared>>
      tpu.enqueue_indirect_dma source(%dma_start3A_200 : memref<128x64xf32, #tpu.memory_space<vmem>>) target(%dma_start3A_206 : memref<10240x64xf32, #tpu.memory_space<vmem_shared>>) offsets(%dma_start3A_203 : memref<128xi32, #tpu.memory_space<vmem>>) semaphore(%arg10 : memref<!tpu.dma_semaphore, #tpu.memory_space<semaphore_mem>>) {add = true}
      %dma_wait3A_207 = arith.constant 0 : i32
      %dma_wait3A_208 = arith.constant 0 : i32
      %dma_wait3A_209 = arith.constant 1 : i32
      %dma_wait3A_210 = arith.constant 0 : i32
      %dma_wait3A_211 = arith.constant 0 : i32
      %dma_wait3A_212 = tpu.memref_slice %arg6[%dma_wait3A_207, %dma_wait3A_210, %dma_wait3A_211] : memref<4x128x64xf32, #tpu.memory_space<vmem>> -> memref<1x128x64xf32, #tpu.memory_space<vmem>>
      %dma_wait3A_213 = tpu.memref_squeeze %dma_wait3A_212 : memref<1x128x64xf32, #tpu.memory_space<vmem>> -> memref<128x64xf32, #tpu.memory_space<vmem>>
      %dma_wait3A_214 = arith.constant 0 : i32
      %dma_wait3A_215 = tpu.memref_slice %arg5[%dma_wait3A_208, %dma_wait3A_209, %dma_wait3A_214] : memref<8x2x128xi32, #tpu.memory_space<vmem>> -> memref<1x1x128xi32, #tpu.memory_space<vmem>>
      %dma_wait3A_216 = tpu.memref_squeeze %dma_wait3A_215 : memref<1x1x128xi32, #tpu.memory_space<vmem>> -> memref<128xi32, #tpu.memory_space<vmem>>
      %dma_wait3A_217 = arith.constant 0 : i32
      %dma_wait3A_218 = arith.constant 0 : i32
      %dma_wait3A_219 = tpu.memref_slice %arg7[%dma_wait3A_217, %dma_wait3A_218] : memref<10240x64xf32, #tpu.memory_space<vmem_shared>> -> memref<10240x64xf32, #tpu.memory_space<vmem_shared>>
      tpu.wait_indirect_dma semaphore(%arg10 : memref<!tpu.dma_semaphore, #tpu.memory_space<semaphore_mem>>) src(%dma_wait3A_213 : memref<128x64xf32, #tpu.memory_space<vmem>>) dst(%dma_wait3A_219 : memref<10240x64xf32, #tpu.memory_space<vmem_shared>>)
      %dma_wait3A_220 = arith.constant 1 : i32
      %dma_wait3A_221 = arith.constant 1 : i32
      %dma_wait3A_222 = arith.constant 1 : i32
      %dma_wait3A_223 = arith.constant 0 : i32
      %dma_wait3A_224 = arith.constant 0 : i32
      %dma_wait3A_225 = tpu.memref_slice %arg6[%dma_wait3A_220, %dma_wait3A_223, %dma_wait3A_224] : memref<4x128x64xf32, #tpu.memory_space<vmem>> -> memref<1x128x64xf32, #tpu.memory_space<vmem>>
      %dma_wait3A_226 = tpu.memref_squeeze %dma_wait3A_225 : memref<1x128x64xf32, #tpu.memory_space<vmem>> -> memref<128x64xf32, #tpu.memory_space<vmem>>
      %dma_wait3A_227 = arith.constant 0 : i32
      %dma_wait3A_228 = tpu.memref_slice %arg5[%dma_wait3A_221, %dma_wait3A_222, %dma_wait3A_227] : memref<8x2x128xi32, #tpu.memory_space<vmem>> -> memref<1x1x128xi32, #tpu.memory_space<vmem>>
      %dma_wait3A_229 = tpu.memref_squeeze %dma_wait3A_228 : memref<1x1x128xi32, #tpu.memory_space<vmem>> -> memref<128xi32, #tpu.memory_space<vmem>>
      %dma_wait3A_230 = arith.constant 0 : i32
      %dma_wait3A_231 = arith.constant 0 : i32
      %dma_wait3A_232 = tpu.memref_slice %arg7[%dma_wait3A_230, %dma_wait3A_231] : memref<10240x64xf32, #tpu.memory_space<vmem_shared>> -> memref<10240x64xf32, #tpu.memory_space<vmem_shared>>
      tpu.wait_indirect_dma semaphore(%arg10 : memref<!tpu.dma_semaphore, #tpu.memory_space<semaphore_mem>>) src(%dma_wait3A_226 : memref<128x64xf32, #tpu.memory_space<vmem>>) dst(%dma_wait3A_232 : memref<10240x64xf32, #tpu.memory_space<vmem_shared>>)
      %dma_start3A_233 = arith.constant 4 : i32
      %dma_start3A_234 = arith.constant 0 : i32
      %dma_start3A_235 = arith.constant 0 : i32
      %dma_start3A_236 = arith.constant 0 : i32
      %dma_start3A_237 = arith.constant 0 : i32
      %dma_start3A_238 = tpu.memref_slice %arg6[%dma_start3A_235, %dma_start3A_236, %dma_start3A_237] : memref<4x128x64xf32, #tpu.memory_space<vmem>> -> memref<1x128x64xf32, #tpu.memory_space<vmem>>
      %dma_start3A_239 = tpu.memref_squeeze %dma_start3A_238 : memref<1x128x64xf32, #tpu.memory_space<vmem>> -> memref<128x64xf32, #tpu.memory_space<vmem>>
      %dma_start3A_240 = arith.constant 0 : i32
      %dma_start3A_241 = tpu.memref_slice %arg5[%dma_start3A_233, %dma_start3A_234, %dma_start3A_240] : memref<8x2x128xi32, #tpu.memory_space<vmem>> -> memref<1x1x128xi32, #tpu.memory_space<vmem>>
      %dma_start3A_242 = tpu.memref_squeeze %dma_start3A_241 : memref<1x1x128xi32, #tpu.memory_space<vmem>> -> memref<128xi32, #tpu.memory_space<vmem>>
      %dma_start3A_243 = arith.constant 0 : i32
      %dma_start3A_244 = arith.constant 0 : i32
      %dma_start3A_245 = tpu.memref_slice %arg8[%dma_start3A_243, %dma_start3A_244] : memref<10240x64xf32, #tpu.memory_space<vmem_shared>> -> memref<10240x64xf32, #tpu.memory_space<vmem_shared>>
      tpu.enqueue_indirect_dma source(%dma_start3A_245 : memref<10240x64xf32, #tpu.memory_space<vmem_shared>>) target(%dma_start3A_239 : memref<128x64xf32, #tpu.memory_space<vmem>>) offsets(%dma_start3A_242 : memref<128xi32, #tpu.memory_space<vmem>>) semaphore(%arg9 : memref<!tpu.dma_semaphore, #tpu.memory_space<semaphore_mem>>)
      %dma_start3A_246 = arith.constant 5 : i32
      %dma_start3A_247 = arith.constant 0 : i32
      %dma_start3A_248 = arith.constant 1 : i32
      %dma_start3A_249 = arith.constant 0 : i32
      %dma_start3A_250 = arith.constant 0 : i32
      %dma_start3A_251 = tpu.memref_slice %arg6[%dma_start3A_248, %dma_start3A_249, %dma_start3A_250] : memref<4x128x64xf32, #tpu.memory_space<vmem>> -> memref<1x128x64xf32, #tpu.memory_space<vmem>>
      %dma_start3A_252 = tpu.memref_squeeze %dma_start3A_251 : memref<1x128x64xf32, #tpu.memory_space<vmem>> -> memref<128x64xf32, #tpu.memory_space<vmem>>
      %dma_start3A_253 = arith.constant 0 : i32
      %dma_start3A_254 = tpu.memref_slice %arg5[%dma_start3A_246, %dma_start3A_247, %dma_start3A_253] : memref<8x2x128xi32, #tpu.memory_space<vmem>> -> memref<1x1x128xi32, #tpu.memory_space<vmem>>
      %dma_start3A_255 = tpu.memref_squeeze %dma_start3A_254 : memref<1x1x128xi32, #tpu.memory_space<vmem>> -> memref<128xi32, #tpu.memory_space<vmem>>
      %dma_start3A_256 = arith.constant 0 : i32
      %dma_start3A_257 = arith.constant 0 : i32
      %dma_start3A_258 = tpu.memref_slice %arg8[%dma_start3A_256, %dma_start3A_257] : memref<10240x64xf32, #tpu.memory_space<vmem_shared>> -> memref<10240x64xf32, #tpu.memory_space<vmem_shared>>
      tpu.enqueue_indirect_dma source(%dma_start3A_258 : memref<10240x64xf32, #tpu.memory_space<vmem_shared>>) target(%dma_start3A_252 : memref<128x64xf32, #tpu.memory_space<vmem>>) offsets(%dma_start3A_255 : memref<128xi32, #tpu.memory_space<vmem>>) semaphore(%arg9 : memref<!tpu.dma_semaphore, #tpu.memory_space<semaphore_mem>>)
      %dma_wait3A_259 = arith.constant 4 : i32
      %dma_wait3A_260 = arith.constant 0 : i32
      %dma_wait3A_261 = arith.constant 0 : i32
      %dma_wait3A_262 = arith.constant 0 : i32
      %dma_wait3A_263 = arith.constant 0 : i32
      %dma_wait3A_264 = tpu.memref_slice %arg6[%dma_wait3A_261, %dma_wait3A_262, %dma_wait3A_263] : memref<4x128x64xf32, #tpu.memory_space<vmem>> -> memref<1x128x64xf32, #tpu.memory_space<vmem>>
      %dma_wait3A_265 = tpu.memref_squeeze %dma_wait3A_264 : memref<1x128x64xf32, #tpu.memory_space<vmem>> -> memref<128x64xf32, #tpu.memory_space<vmem>>
      %dma_wait3A_266 = arith.constant 0 : i32
      %dma_wait3A_267 = tpu.memref_slice %arg5[%dma_wait3A_259, %dma_wait3A_260, %dma_wait3A_266] : memref<8x2x128xi32, #tpu.memory_space<vmem>> -> memref<1x1x128xi32, #tpu.memory_space<vmem>>
      %dma_wait3A_268 = tpu.memref_squeeze %dma_wait3A_267 : memref<1x1x128xi32, #tpu.memory_space<vmem>> -> memref<128xi32, #tpu.memory_space<vmem>>
      %dma_wait3A_269 = arith.constant 0 : i32
      %dma_wait3A_270 = arith.constant 0 : i32
      %dma_wait3A_271 = tpu.memref_slice %arg8[%dma_wait3A_269, %dma_wait3A_270] : memref<10240x64xf32, #tpu.memory_space<vmem_shared>> -> memref<10240x64xf32, #tpu.memory_space<vmem_shared>>
      tpu.wait_indirect_dma semaphore(%arg9 : memref<!tpu.dma_semaphore, #tpu.memory_space<semaphore_mem>>) src(%dma_wait3A_271 : memref<10240x64xf32, #tpu.memory_space<vmem_shared>>) dst(%dma_wait3A_265 : memref<128x64xf32, #tpu.memory_space<vmem>>)
      %dma_start3A_272 = arith.constant 0 : i32
      %dma_start3A_273 = arith.constant 4 : i32
      %dma_start3A_274 = arith.constant 1 : i32
      %dma_start3A_275 = arith.constant 0 : i32
      %dma_start3A_276 = arith.constant 0 : i32
      %dma_start3A_277 = tpu.memref_slice %arg6[%dma_start3A_272, %dma_start3A_275, %dma_start3A_276] : memref<4x128x64xf32, #tpu.memory_space<vmem>> -> memref<1x128x64xf32, #tpu.memory_space<vmem>>
      %dma_start3A_278 = tpu.memref_squeeze %dma_start3A_277 : memref<1x128x64xf32, #tpu.memory_space<vmem>> -> memref<128x64xf32, #tpu.memory_space<vmem>>
      %dma_start3A_279 = arith.constant 0 : i32
      %dma_start3A_280 = tpu.memref_slice %arg5[%dma_start3A_273, %dma_start3A_274, %dma_start3A_279] : memref<8x2x128xi32, #tpu.memory_space<vmem>> -> memref<1x1x128xi32, #tpu.memory_space<vmem>>
      %dma_start3A_281 = tpu.memref_squeeze %dma_start3A_280 : memref<1x1x128xi32, #tpu.memory_space<vmem>> -> memref<128xi32, #tpu.memory_space<vmem>>
      %dma_start3A_282 = arith.constant 0 : i32
      %dma_start3A_283 = arith.constant 0 : i32
      %dma_start3A_284 = tpu.memref_slice %arg7[%dma_start3A_282, %dma_start3A_283] : memref<10240x64xf32, #tpu.memory_space<vmem_shared>> -> memref<10240x64xf32, #tpu.memory_space<vmem_shared>>
      tpu.enqueue_indirect_dma source(%dma_start3A_278 : memref<128x64xf32, #tpu.memory_space<vmem>>) target(%dma_start3A_284 : memref<10240x64xf32, #tpu.memory_space<vmem_shared>>) offsets(%dma_start3A_281 : memref<128xi32, #tpu.memory_space<vmem>>) semaphore(%arg10 : memref<!tpu.dma_semaphore, #tpu.memory_space<semaphore_mem>>) {add = true}
      %dma_wait3A_285 = arith.constant 5 : i32
      %dma_wait3A_286 = arith.constant 0 : i32
      %dma_wait3A_287 = arith.constant 1 : i32
      %dma_wait3A_288 = arith.constant 0 : i32
      %dma_wait3A_289 = arith.constant 0 : i32
      %dma_wait3A_290 = tpu.memref_slice %arg6[%dma_wait3A_287, %dma_wait3A_288, %dma_wait3A_289] : memref<4x128x64xf32, #tpu.memory_space<vmem>> -> memref<1x128x64xf32, #tpu.memory_space<vmem>>
      %dma_wait3A_291 = tpu.memref_squeeze %dma_wait3A_290 : memref<1x128x64xf32, #tpu.memory_space<vmem>> -> memref<128x64xf32, #tpu.memory_space<vmem>>
      %dma_wait3A_292 = arith.constant 0 : i32
      %dma_wait3A_293 = tpu.memref_slice %arg5[%dma_wait3A_285, %dma_wait3A_286, %dma_wait3A_292] : memref<8x2x128xi32, #tpu.memory_space<vmem>> -> memref<1x1x128xi32, #tpu.memory_space<vmem>>
      %dma_wait3A_294 = tpu.memref_squeeze %dma_wait3A_293 : memref<1x1x128xi32, #tpu.memory_space<vmem>> -> memref<128xi32, #tpu.memory_space<vmem>>
      %dma_wait3A_295 = arith.constant 0 : i32
      %dma_wait3A_296 = arith.constant 0 : i32
      %dma_wait3A_297 = tpu.memref_slice %arg8[%dma_wait3A_295, %dma_wait3A_296] : memref<10240x64xf32, #tpu.memory_space<vmem_shared>> -> memref<10240x64xf32, #tpu.memory_space<vmem_shared>>
      tpu.wait_indirect_dma semaphore(%arg9 : memref<!tpu.dma_semaphore, #tpu.memory_space<semaphore_mem>>) src(%dma_wait3A_297 : memref<10240x64xf32, #tpu.memory_space<vmem_shared>>) dst(%dma_wait3A_291 : memref<128x64xf32, #tpu.memory_space<vmem>>)
      %dma_start3A_298 = arith.constant 1 : i32
      %dma_start3A_299 = arith.constant 5 : i32
      %dma_start3A_300 = arith.constant 1 : i32
      %dma_start3A_301 = arith.constant 0 : i32
      %dma_start3A_302 = arith.constant 0 : i32
      %dma_start3A_303 = tpu.memref_slice %arg6[%dma_start3A_298, %dma_start3A_301, %dma_start3A_302] : memref<4x128x64xf32, #tpu.memory_space<vmem>> -> memref<1x128x64xf32, #tpu.memory_space<vmem>>
      %dma_start3A_304 = tpu.memref_squeeze %dma_start3A_303 : memref<1x128x64xf32, #tpu.memory_space<vmem>> -> memref<128x64xf32, #tpu.memory_space<vmem>>
      %dma_start3A_305 = arith.constant 0 : i32
      %dma_start3A_306 = tpu.memref_slice %arg5[%dma_start3A_299, %dma_start3A_300, %dma_start3A_305] : memref<8x2x128xi32, #tpu.memory_space<vmem>> -> memref<1x1x128xi32, #tpu.memory_space<vmem>>
      %dma_start3A_307 = tpu.memref_squeeze %dma_start3A_306 : memref<1x1x128xi32, #tpu.memory_space<vmem>> -> memref<128xi32, #tpu.memory_space<vmem>>
      %dma_start3A_308 = arith.constant 0 : i32
      %dma_start3A_309 = arith.constant 0 : i32
      %dma_start3A_310 = tpu.memref_slice %arg7[%dma_start3A_308, %dma_start3A_309] : memref<10240x64xf32, #tpu.memory_space<vmem_shared>> -> memref<10240x64xf32, #tpu.memory_space<vmem_shared>>
      tpu.enqueue_indirect_dma source(%dma_start3A_304 : memref<128x64xf32, #tpu.memory_space<vmem>>) target(%dma_start3A_310 : memref<10240x64xf32, #tpu.memory_space<vmem_shared>>) offsets(%dma_start3A_307 : memref<128xi32, #tpu.memory_space<vmem>>) semaphore(%arg10 : memref<!tpu.dma_semaphore, #tpu.memory_space<semaphore_mem>>) {add = true}
      %dma_wait3A_311 = arith.constant 2 : i32
      %dma_wait3A_312 = arith.constant 2 : i32
      %dma_wait3A_313 = arith.constant 1 : i32
      %dma_wait3A_314 = arith.constant 0 : i32
      %dma_wait3A_315 = arith.constant 0 : i32
      %dma_wait3A_316 = tpu.memref_slice %arg6[%dma_wait3A_311, %dma_wait3A_314, %dma_wait3A_315] : memref<4x128x64xf32, #tpu.memory_space<vmem>> -> memref<1x128x64xf32, #tpu.memory_space<vmem>>
      %dma_wait3A_317 = tpu.memref_squeeze %dma_wait3A_316 : memref<1x128x64xf32, #tpu.memory_space<vmem>> -> memref<128x64xf32, #tpu.memory_space<vmem>>
      %dma_wait3A_318 = arith.constant 0 : i32
      %dma_wait3A_319 = tpu.memref_slice %arg5[%dma_wait3A_312, %dma_wait3A_313, %dma_wait3A_318] : memref<8x2x128xi32, #tpu.memory_space<vmem>> -> memref<1x1x128xi32, #tpu.memory_space<vmem>>
      %dma_wait3A_320 = tpu.memref_squeeze %dma_wait3A_319 : memref<1x1x128xi32, #tpu.memory_space<vmem>> -> memref<128xi32, #tpu.memory_space<vmem>>
      %dma_wait3A_321 = arith.constant 0 : i32
      %dma_wait3A_322 = arith.constant 0 : i32
      %dma_wait3A_323 = tpu.memref_slice %arg7[%dma_wait3A_321, %dma_wait3A_322] : memref<10240x64xf32, #tpu.memory_space<vmem_shared>> -> memref<10240x64xf32, #tpu.memory_space<vmem_shared>>
      tpu.wait_indirect_dma semaphore(%arg10 : memref<!tpu.dma_semaphore, #tpu.memory_space<semaphore_mem>>) src(%dma_wait3A_317 : memref<128x64xf32, #tpu.memory_space<vmem>>) dst(%dma_wait3A_323 : memref<10240x64xf32, #tpu.memory_space<vmem_shared>>)
      %dma_wait3A_324 = arith.constant 3 : i32
      %dma_wait3A_325 = arith.constant 3 : i32
      %dma_wait3A_326 = arith.constant 1 : i32
      %dma_wait3A_327 = arith.constant 0 : i32
      %dma_wait3A_328 = arith.constant 0 : i32
      %dma_wait3A_329 = tpu.memref_slice %arg6[%dma_wait3A_324, %dma_wait3A_327, %dma_wait3A_328] : memref<4x128x64xf32, #tpu.memory_space<vmem>> -> memref<1x128x64xf32, #tpu.memory_space<vmem>>
      %dma_wait3A_330 = tpu.memref_squeeze %dma_wait3A_329 : memref<1x128x64xf32, #tpu.memory_space<vmem>> -> memref<128x64xf32, #tpu.memory_space<vmem>>
      %dma_wait3A_331 = arith.constant 0 : i32
      %dma_wait3A_332 = tpu.memref_slice %arg5[%dma_wait3A_325, %dma_wait3A_326, %dma_wait3A_331] : memref<8x2x128xi32, #tpu.memory_space<vmem>> -> memref<1x1x128xi32, #tpu.memory_space<vmem>>
      %dma_wait3A_333 = tpu.memref_squeeze %dma_wait3A_332 : memref<1x1x128xi32, #tpu.memory_space<vmem>> -> memref<128xi32, #tpu.memory_space<vmem>>
      %dma_wait3A_334 = arith.constant 0 : i32
      %dma_wait3A_335 = arith.constant 0 : i32
      %dma_wait3A_336 = tpu.memref_slice %arg7[%dma_wait3A_334, %dma_wait3A_335] : memref<10240x64xf32, #tpu.memory_space<vmem_shared>> -> memref<10240x64xf32, #tpu.memory_space<vmem_shared>>
      tpu.wait_indirect_dma semaphore(%arg10 : memref<!tpu.dma_semaphore, #tpu.memory_space<semaphore_mem>>) src(%dma_wait3A_330 : memref<128x64xf32, #tpu.memory_space<vmem>>) dst(%dma_wait3A_336 : memref<10240x64xf32, #tpu.memory_space<vmem_shared>>)
      %dma_start3A_337 = arith.constant 6 : i32
      %dma_start3A_338 = arith.constant 0 : i32
      %dma_start3A_339 = arith.constant 2 : i32
      %dma_start3A_340 = arith.constant 0 : i32
      %dma_start3A_341 = arith.constant 0 : i32
      %dma_start3A_342 = tpu.memref_slice %arg6[%dma_start3A_339, %dma_start3A_340, %dma_start3A_341] : memref<4x128x64xf32, #tpu.memory_space<vmem>> -> memref<1x128x64xf32, #tpu.memory_space<vmem>>
      %dma_start3A_343 = tpu.memref_squeeze %dma_start3A_342 : memref<1x128x64xf32, #tpu.memory_space<vmem>> -> memref<128x64xf32, #tpu.memory_space<vmem>>
      %dma_start3A_344 = arith.constant 0 : i32
      %dma_start3A_345 = tpu.memref_slice %arg5[%dma_start3A_337, %dma_start3A_338, %dma_start3A_344] : memref<8x2x128xi32, #tpu.memory_space<vmem>> -> memref<1x1x128xi32, #tpu.memory_space<vmem>>
      %dma_start3A_346 = tpu.memref_squeeze %dma_start3A_345 : memref<1x1x128xi32, #tpu.memory_space<vmem>> -> memref<128xi32, #tpu.memory_space<vmem>>
      %dma_start3A_347 = arith.constant 0 : i32
      %dma_start3A_348 = arith.constant 0 : i32
      %dma_start3A_349 = tpu.memref_slice %arg8[%dma_start3A_347, %dma_start3A_348] : memref<10240x64xf32, #tpu.memory_space<vmem_shared>> -> memref<10240x64xf32, #tpu.memory_space<vmem_shared>>
      tpu.enqueue_indirect_dma source(%dma_start3A_349 : memref<10240x64xf32, #tpu.memory_space<vmem_shared>>) target(%dma_start3A_343 : memref<128x64xf32, #tpu.memory_space<vmem>>) offsets(%dma_start3A_346 : memref<128xi32, #tpu.memory_space<vmem>>) semaphore(%arg9 : memref<!tpu.dma_semaphore, #tpu.memory_space<semaphore_mem>>)
      %dma_start3A_350 = arith.constant 7 : i32
      %dma_start3A_351 = arith.constant 0 : i32
      %dma_start3A_352 = arith.constant 3 : i32
      %dma_start3A_353 = arith.constant 0 : i32
      %dma_start3A_354 = arith.constant 0 : i32
      %dma_start3A_355 = tpu.memref_slice %arg6[%dma_start3A_352, %dma_start3A_353, %dma_start3A_354] : memref<4x128x64xf32, #tpu.memory_space<vmem>> -> memref<1x128x64xf32, #tpu.memory_space<vmem>>
      %dma_start3A_356 = tpu.memref_squeeze %dma_start3A_355 : memref<1x128x64xf32, #tpu.memory_space<vmem>> -> memref<128x64xf32, #tpu.memory_space<vmem>>
      %dma_start3A_357 = arith.constant 0 : i32
      %dma_start3A_358 = tpu.memref_slice %arg5[%dma_start3A_350, %dma_start3A_351, %dma_start3A_357] : memref<8x2x128xi32, #tpu.memory_space<vmem>> -> memref<1x1x128xi32, #tpu.memory_space<vmem>>
      %dma_start3A_359 = tpu.memref_squeeze %dma_start3A_358 : memref<1x1x128xi32, #tpu.memory_space<vmem>> -> memref<128xi32, #tpu.memory_space<vmem>>
      %dma_start3A_360 = arith.constant 0 : i32
      %dma_start3A_361 = arith.constant 0 : i32
      %dma_start3A_362 = tpu.memref_slice %arg8[%dma_start3A_360, %dma_start3A_361] : memref<10240x64xf32, #tpu.memory_space<vmem_shared>> -> memref<10240x64xf32, #tpu.memory_space<vmem_shared>>
      tpu.enqueue_indirect_dma source(%dma_start3A_362 : memref<10240x64xf32, #tpu.memory_space<vmem_shared>>) target(%dma_start3A_356 : memref<128x64xf32, #tpu.memory_space<vmem>>) offsets(%dma_start3A_359 : memref<128xi32, #tpu.memory_space<vmem>>) semaphore(%arg9 : memref<!tpu.dma_semaphore, #tpu.memory_space<semaphore_mem>>)
      %dma_wait3A_363 = arith.constant 6 : i32
      %dma_wait3A_364 = arith.constant 0 : i32
      %dma_wait3A_365 = arith.constant 2 : i32
      %dma_wait3A_366 = arith.constant 0 : i32
      %dma_wait3A_367 = arith.constant 0 : i32
      %dma_wait3A_368 = tpu.memref_slice %arg6[%dma_wait3A_365, %dma_wait3A_366, %dma_wait3A_367] : memref<4x128x64xf32, #tpu.memory_space<vmem>> -> memref<1x128x64xf32, #tpu.memory_space<vmem>>
      %dma_wait3A_369 = tpu.memref_squeeze %dma_wait3A_368 : memref<1x128x64xf32, #tpu.memory_space<vmem>> -> memref<128x64xf32, #tpu.memory_space<vmem>>
      %dma_wait3A_370 = arith.constant 0 : i32
      %dma_wait3A_371 = tpu.memref_slice %arg5[%dma_wait3A_363, %dma_wait3A_364, %dma_wait3A_370] : memref<8x2x128xi32, #tpu.memory_space<vmem>> -> memref<1x1x128xi32, #tpu.memory_space<vmem>>
      %dma_wait3A_372 = tpu.memref_squeeze %dma_wait3A_371 : memref<1x1x128xi32, #tpu.memory_space<vmem>> -> memref<128xi32, #tpu.memory_space<vmem>>
      %dma_wait3A_373 = arith.constant 0 : i32
      %dma_wait3A_374 = arith.constant 0 : i32
      %dma_wait3A_375 = tpu.memref_slice %arg8[%dma_wait3A_373, %dma_wait3A_374] : memref<10240x64xf32, #tpu.memory_space<vmem_shared>> -> memref<10240x64xf32, #tpu.memory_space<vmem_shared>>
      tpu.wait_indirect_dma semaphore(%arg9 : memref<!tpu.dma_semaphore, #tpu.memory_space<semaphore_mem>>) src(%dma_wait3A_375 : memref<10240x64xf32, #tpu.memory_space<vmem_shared>>) dst(%dma_wait3A_369 : memref<128x64xf32, #tpu.memory_space<vmem>>)
      %dma_start3A_376 = arith.constant 2 : i32
      %dma_start3A_377 = arith.constant 6 : i32
      %dma_start3A_378 = arith.constant 1 : i32
      %dma_start3A_379 = arith.constant 0 : i32
      %dma_start3A_380 = arith.constant 0 : i32
      %dma_start3A_381 = tpu.memref_slice %arg6[%dma_start3A_376, %dma_start3A_379, %dma_start3A_380] : memref<4x128x64xf32, #tpu.memory_space<vmem>> -> memref<1x128x64xf32, #tpu.memory_space<vmem>>
      %dma_start3A_382 = tpu.memref_squeeze %dma_start3A_381 : memref<1x128x64xf32, #tpu.memory_space<vmem>> -> memref<128x64xf32, #tpu.memory_space<vmem>>
      %dma_start3A_383 = arith.constant 0 : i32
      %dma_start3A_384 = tpu.memref_slice %arg5[%dma_start3A_377, %dma_start3A_378, %dma_start3A_383] : memref<8x2x128xi32, #tpu.memory_space<vmem>> -> memref<1x1x128xi32, #tpu.memory_space<vmem>>
      %dma_start3A_385 = tpu.memref_squeeze %dma_start3A_384 : memref<1x1x128xi32, #tpu.memory_space<vmem>> -> memref<128xi32, #tpu.memory_space<vmem>>
      %dma_start3A_386 = arith.constant 0 : i32
      %dma_start3A_387 = arith.constant 0 : i32
      %dma_start3A_388 = tpu.memref_slice %arg7[%dma_start3A_386, %dma_start3A_387] : memref<10240x64xf32, #tpu.memory_space<vmem_shared>> -> memref<10240x64xf32, #tpu.memory_space<vmem_shared>>
      tpu.enqueue_indirect_dma source(%dma_start3A_382 : memref<128x64xf32, #tpu.memory_space<vmem>>) target(%dma_start3A_388 : memref<10240x64xf32, #tpu.memory_space<vmem_shared>>) offsets(%dma_start3A_385 : memref<128xi32, #tpu.memory_space<vmem>>) semaphore(%arg10 : memref<!tpu.dma_semaphore, #tpu.memory_space<semaphore_mem>>) {add = true}
      %dma_wait3A_389 = arith.constant 7 : i32
      %dma_wait3A_390 = arith.constant 0 : i32
      %dma_wait3A_391 = arith.constant 3 : i32
      %dma_wait3A_392 = arith.constant 0 : i32
      %dma_wait3A_393 = arith.constant 0 : i32
      %dma_wait3A_394 = tpu.memref_slice %arg6[%dma_wait3A_391, %dma_wait3A_392, %dma_wait3A_393] : memref<4x128x64xf32, #tpu.memory_space<vmem>> -> memref<1x128x64xf32, #tpu.memory_space<vmem>>
      %dma_wait3A_395 = tpu.memref_squeeze %dma_wait3A_394 : memref<1x128x64xf32, #tpu.memory_space<vmem>> -> memref<128x64xf32, #tpu.memory_space<vmem>>
      %dma_wait3A_396 = arith.constant 0 : i32
      %dma_wait3A_397 = tpu.memref_slice %arg5[%dma_wait3A_389, %dma_wait3A_390, %dma_wait3A_396] : memref<8x2x128xi32, #tpu.memory_space<vmem>> -> memref<1x1x128xi32, #tpu.memory_space<vmem>>
      %dma_wait3A_398 = tpu.memref_squeeze %dma_wait3A_397 : memref<1x1x128xi32, #tpu.memory_space<vmem>> -> memref<128xi32, #tpu.memory_space<vmem>>
      %dma_wait3A_399 = arith.constant 0 : i32
      %dma_wait3A_400 = arith.constant 0 : i32
      %dma_wait3A_401 = tpu.memref_slice %arg8[%dma_wait3A_399, %dma_wait3A_400] : memref<10240x64xf32, #tpu.memory_space<vmem_shared>> -> memref<10240x64xf32, #tpu.memory_space<vmem_shared>>
      tpu.wait_indirect_dma semaphore(%arg9 : memref<!tpu.dma_semaphore, #tpu.memory_space<semaphore_mem>>) src(%dma_wait3A_401 : memref<10240x64xf32, #tpu.memory_space<vmem_shared>>) dst(%dma_wait3A_395 : memref<128x64xf32, #tpu.memory_space<vmem>>)
      %dma_start3A_402 = arith.constant 3 : i32
      %dma_start3A_403 = arith.constant 7 : i32
      %dma_start3A_404 = arith.constant 1 : i32
      %dma_start3A_405 = arith.constant 0 : i32
      %dma_start3A_406 = arith.constant 0 : i32
      %dma_start3A_407 = tpu.memref_slice %arg6[%dma_start3A_402, %dma_start3A_405, %dma_start3A_406] : memref<4x128x64xf32, #tpu.memory_space<vmem>> -> memref<1x128x64xf32, #tpu.memory_space<vmem>>
      %dma_start3A_408 = tpu.memref_squeeze %dma_start3A_407 : memref<1x128x64xf32, #tpu.memory_space<vmem>> -> memref<128x64xf32, #tpu.memory_space<vmem>>
      %dma_start3A_409 = arith.constant 0 : i32
      %dma_start3A_410 = tpu.memref_slice %arg5[%dma_start3A_403, %dma_start3A_404, %dma_start3A_409] : memref<8x2x128xi32, #tpu.memory_space<vmem>> -> memref<1x1x128xi32, #tpu.memory_space<vmem>>
      %dma_start3A_411 = tpu.memref_squeeze %dma_start3A_410 : memref<1x1x128xi32, #tpu.memory_space<vmem>> -> memref<128xi32, #tpu.memory_space<vmem>>
      %dma_start3A_412 = arith.constant 0 : i32
      %dma_start3A_413 = arith.constant 0 : i32
      %dma_start3A_414 = tpu.memref_slice %arg7[%dma_start3A_412, %dma_start3A_413] : memref<10240x64xf32, #tpu.memory_space<vmem_shared>> -> memref<10240x64xf32, #tpu.memory_space<vmem_shared>>
      tpu.enqueue_indirect_dma source(%dma_start3A_408 : memref<128x64xf32, #tpu.memory_space<vmem>>) target(%dma_start3A_414 : memref<10240x64xf32, #tpu.memory_space<vmem_shared>>) offsets(%dma_start3A_411 : memref<128xi32, #tpu.memory_space<vmem>>) semaphore(%arg10 : memref<!tpu.dma_semaphore, #tpu.memory_space<semaphore_mem>>) {add = true}
      %dma_wait3A_415 = arith.constant 0 : i32
      %dma_wait3A_416 = arith.constant 4 : i32
      %dma_wait3A_417 = arith.constant 1 : i32
      %dma_wait3A_418 = arith.constant 0 : i32
      %dma_wait3A_419 = arith.constant 0 : i32
      %dma_wait3A_420 = tpu.memref_slice %arg6[%dma_wait3A_415, %dma_wait3A_418, %dma_wait3A_419] : memref<4x128x64xf32, #tpu.memory_space<vmem>> -> memref<1x128x64xf32, #tpu.memory_space<vmem>>
      %dma_wait3A_421 = tpu.memref_squeeze %dma_wait3A_420 : memref<1x128x64xf32, #tpu.memory_space<vmem>> -> memref<128x64xf32, #tpu.memory_space<vmem>>
      %dma_wait3A_422 = arith.constant 0 : i32
      %dma_wait3A_423 = tpu.memref_slice %arg5[%dma_wait3A_416, %dma_wait3A_417, %dma_wait3A_422] : memref<8x2x128xi32, #tpu.memory_space<vmem>> -> memref<1x1x128xi32, #tpu.memory_space<vmem>>
      %dma_wait3A_424 = tpu.memref_squeeze %dma_wait3A_423 : memref<1x1x128xi32, #tpu.memory_space<vmem>> -> memref<128xi32, #tpu.memory_space<vmem>>
      %dma_wait3A_425 = arith.constant 0 : i32
      %dma_wait3A_426 = arith.constant 0 : i32
      %dma_wait3A_427 = tpu.memref_slice %arg7[%dma_wait3A_425, %dma_wait3A_426] : memref<10240x64xf32, #tpu.memory_space<vmem_shared>> -> memref<10240x64xf32, #tpu.memory_space<vmem_shared>>
      tpu.wait_indirect_dma semaphore(%arg10 : memref<!tpu.dma_semaphore, #tpu.memory_space<semaphore_mem>>) src(%dma_wait3A_421 : memref<128x64xf32, #tpu.memory_space<vmem>>) dst(%dma_wait3A_427 : memref<10240x64xf32, #tpu.memory_space<vmem_shared>>)
      %dma_wait3A_428 = arith.constant 1 : i32
      %dma_wait3A_429 = arith.constant 5 : i32
      %dma_wait3A_430 = arith.constant 1 : i32
      %dma_wait3A_431 = arith.constant 0 : i32
      %dma_wait3A_432 = arith.constant 0 : i32
      %dma_wait3A_433 = tpu.memref_slice %arg6[%dma_wait3A_428, %dma_wait3A_431, %dma_wait3A_432] : memref<4x128x64xf32, #tpu.memory_space<vmem>> -> memref<1x128x64xf32, #tpu.memory_space<vmem>>
      %dma_wait3A_434 = tpu.memref_squeeze %dma_wait3A_433 : memref<1x128x64xf32, #tpu.memory_space<vmem>> -> memref<128x64xf32, #tpu.memory_space<vmem>>
      %dma_wait3A_435 = arith.constant 0 : i32
      %dma_wait3A_436 = tpu.memref_slice %arg5[%dma_wait3A_429, %dma_wait3A_430, %dma_wait3A_435] : memref<8x2x128xi32, #tpu.memory_space<vmem>> -> memref<1x1x128xi32, #tpu.memory_space<vmem>>
      %dma_wait3A_437 = tpu.memref_squeeze %dma_wait3A_436 : memref<1x1x128xi32, #tpu.memory_space<vmem>> -> memref<128xi32, #tpu.memory_space<vmem>>
      %dma_wait3A_438 = arith.constant 0 : i32
      %dma_wait3A_439 = arith.constant 0 : i32
      %dma_wait3A_440 = tpu.memref_slice %arg7[%dma_wait3A_438, %dma_wait3A_439] : memref<10240x64xf32, #tpu.memory_space<vmem_shared>> -> memref<10240x64xf32, #tpu.memory_space<vmem_shared>>
      tpu.wait_indirect_dma semaphore(%arg10 : memref<!tpu.dma_semaphore, #tpu.memory_space<semaphore_mem>>) src(%dma_wait3A_434 : memref<128x64xf32, #tpu.memory_space<vmem>>) dst(%dma_wait3A_440 : memref<10240x64xf32, #tpu.memory_space<vmem_shared>>)
      %dma_wait3A_441 = arith.constant 2 : i32
      %dma_wait3A_442 = arith.constant 6 : i32
      %dma_wait3A_443 = arith.constant 1 : i32
      %dma_wait3A_444 = arith.constant 0 : i32
      %dma_wait3A_445 = arith.constant 0 : i32
      %dma_wait3A_446 = tpu.memref_slice %arg6[%dma_wait3A_441, %dma_wait3A_444, %dma_wait3A_445] : memref<4x128x64xf32, #tpu.memory_space<vmem>> -> memref<1x128x64xf32, #tpu.memory_space<vmem>>
      %dma_wait3A_447 = tpu.memref_squeeze %dma_wait3A_446 : memref<1x128x64xf32, #tpu.memory_space<vmem>> -> memref<128x64xf32, #tpu.memory_space<vmem>>
      %dma_wait3A_448 = arith.constant 0 : i32
      %dma_wait3A_449 = tpu.memref_slice %arg5[%dma_wait3A_442, %dma_wait3A_443, %dma_wait3A_448] : memref<8x2x128xi32, #tpu.memory_space<vmem>> -> memref<1x1x128xi32, #tpu.memory_space<vmem>>
      %dma_wait3A_450 = tpu.memref_squeeze %dma_wait3A_449 : memref<1x1x128xi32, #tpu.memory_space<vmem>> -> memref<128xi32, #tpu.memory_space<vmem>>
      %dma_wait3A_451 = arith.constant 0 : i32
      %dma_wait3A_452 = arith.constant 0 : i32
      %dma_wait3A_453 = tpu.memref_slice %arg7[%dma_wait3A_451, %dma_wait3A_452] : memref<10240x64xf32, #tpu.memory_space<vmem_shared>> -> memref<10240x64xf32, #tpu.memory_space<vmem_shared>>
      tpu.wait_indirect_dma semaphore(%arg10 : memref<!tpu.dma_semaphore, #tpu.memory_space<semaphore_mem>>) src(%dma_wait3A_447 : memref<128x64xf32, #tpu.memory_space<vmem>>) dst(%dma_wait3A_453 : memref<10240x64xf32, #tpu.memory_space<vmem_shared>>)
      %dma_wait3A_454 = arith.constant 3 : i32
      %dma_wait3A_455 = arith.constant 7 : i32
      %dma_wait3A_456 = arith.constant 1 : i32
      %dma_wait3A_457 = arith.constant 0 : i32
      %dma_wait3A_458 = arith.constant 0 : i32
      %dma_wait3A_459 = tpu.memref_slice %arg6[%dma_wait3A_454, %dma_wait3A_457, %dma_wait3A_458] : memref<4x128x64xf32, #tpu.memory_space<vmem>> -> memref<1x128x64xf32, #tpu.memory_space<vmem>>
      %dma_wait3A_460 = tpu.memref_squeeze %dma_wait3A_459 : memref<1x128x64xf32, #tpu.memory_space<vmem>> -> memref<128x64xf32, #tpu.memory_space<vmem>>
      %dma_wait3A_461 = arith.constant 0 : i32
      %dma_wait3A_462 = tpu.memref_slice %arg5[%dma_wait3A_455, %dma_wait3A_456, %dma_wait3A_461] : memref<8x2x128xi32, #tpu.memory_space<vmem>> -> memref<1x1x128xi32, #tpu.memory_space<vmem>>
      %dma_wait3A_463 = tpu.memref_squeeze %dma_wait3A_462 : memref<1x1x128xi32, #tpu.memory_space<vmem>> -> memref<128xi32, #tpu.memory_space<vmem>>
      %dma_wait3A_464 = arith.constant 0 : i32
      %dma_wait3A_465 = arith.constant 0 : i32
      %dma_wait3A_466 = tpu.memref_slice %arg7[%dma_wait3A_464, %dma_wait3A_465] : memref<10240x64xf32, #tpu.memory_space<vmem_shared>> -> memref<10240x64xf32, #tpu.memory_space<vmem_shared>>
      tpu.wait_indirect_dma semaphore(%arg10 : memref<!tpu.dma_semaphore, #tpu.memory_space<semaphore_mem>>) src(%dma_wait3A_460 : memref<128x64xf32, #tpu.memory_space<vmem>>) dst(%dma_wait3A_466 : memref<10240x64xf32, #tpu.memory_space<vmem_shared>>)
      %scan3A_467 = arith.constant 0 : i32
      scf.yield %scan3A_467 : i32
    }
    %scan3A_40 = arith.constant 20 : i32
    %barrier3A_41 = arith.constant 0 : index
    tpu.barrier barrier_id(%barrier3A_41)
    %mul3A_42 = arith.constant 640 : i32
    %mul3A_43 = arith.muli %arg1, %mul3A_42 : i32
    %mul3A_44 = arith.constant 640 : i32
    %mul3A_45 = arith.muli %arg1, %mul3A_44 : i32
    "tpu.region"() ({
      %run_scoped3A_46 = tpu.sem_alloc : memref<!tpu.dma_semaphore, #tpu.memory_space<semaphore_mem>>
      %dma_start3A = arith.constant 0 : i32
      %dma_start3A_47 = tpu.memref_slice %arg4[%arg0, %mul3A_45, %dma_start3A] : memref<2x10240x64xf32, #tpu.memory_space<hbm>> -> memref<1x640x64xf32, #tpu.memory_space<hbm>>
      %dma_start3A_48 = tpu.memref_squeeze %dma_start3A_47 : memref<1x640x64xf32, #tpu.memory_space<hbm>> -> memref<640x64xf32, #tpu.memory_space<hbm>>
      %dma_start3A_49 = arith.constant 0 : i32
      %dma_start3A_50 = tpu.memref_slice %arg7[%mul3A_43, %dma_start3A_49] : memref<10240x64xf32, #tpu.memory_space<vmem_shared>> -> memref<640x64xf32, #tpu.memory_space<vmem_shared>>
      tpu.enqueue_dma source(%dma_start3A_50 : memref<640x64xf32, #tpu.memory_space<vmem_shared>>) target(%dma_start3A_48 : memref<640x64xf32, #tpu.memory_space<hbm>>) target_semaphore(%run_scoped3A_46 : memref<!tpu.dma_semaphore, #tpu.memory_space<semaphore_mem>>)
      %dma_wait3A = arith.constant 0 : i32
      %dma_wait3A_51 = tpu.memref_slice %arg4[%arg0, %mul3A_45, %dma_wait3A] : memref<2x10240x64xf32, #tpu.memory_space<hbm>> -> memref<1x640x64xf32, #tpu.memory_space<hbm>>
      %dma_wait3A_52 = tpu.memref_squeeze %dma_wait3A_51 : memref<1x640x64xf32, #tpu.memory_space<hbm>> -> memref<640x64xf32, #tpu.memory_space<hbm>>
      %dma_wait3A_53 = arith.constant 0 : i32
      %dma_wait3A_54 = tpu.memref_slice %arg7[%mul3A_43, %dma_wait3A_53] : memref<10240x64xf32, #tpu.memory_space<vmem_shared>> -> memref<640x64xf32, #tpu.memory_space<vmem_shared>>
      tpu.wait_dma2 semaphore(%run_scoped3A_46 : memref<!tpu.dma_semaphore, #tpu.memory_space<semaphore_mem>>) src(%dma_wait3A_54 : memref<640x64xf32, #tpu.memory_space<vmem_shared>>) dst(%dma_wait3A_52 : memref<640x64xf32, #tpu.memory_space<hbm>>)
      tpu.yield
    }) : () -> ()
    return
  }
}

module attributes {stable_mosaic.version = 14 : i64} {
  func.func @_prep1_body(%arg0: i32, %arg1: memref<2x1024x16xf32, #tpu.memory_space<vmem>>, %arg2: memref<1024x128xf32, #tpu.memory_space<vmem>>, %arg3: memref<2x1024x64xf32, #tpu.memory_space<vmem>>, %arg4: memref<1024x128xf32, #tpu.memory_space<vmem>>) attributes {dimension_semantics = [#tpu.dimension_semantics<arbitrary>], iteration_bounds = array<i64: 10>, scalar_prefetch = 0 : i64, scratch_operands = 0 : i64, tpu.core_type = #tpu.core_type<tc>, window_params = [{transform_indices = @transform_0, window_bounds = array<i64: 2, 1024, 16>}, {transform_indices = @transform_1, window_bounds = array<i64: 1024, 128>}, {transform_indices = @transform_2, window_bounds = array<i64: 2, 1024, 64>}, {transform_indices = @transform_3, window_bounds = array<i64: 1024, 128>}]} {
    %get3A = arith.constant 0 : index
    %get3A_0 = arith.constant 0 : index
    %get3A_1 = arith.constant 0 : index
    %get3A_2 = vector.load %arg1[%get3A, %get3A_0, %get3A_1] : memref<2x1024x16xf32, #tpu.memory_space<vmem>>, vector<1x1024x1xf32>
    %get3A_3 = vector.shape_cast %get3A_2 : vector<1x1024x1xf32> to vector<1024x1xf32>
    %get3A_4 = arith.constant 1 : index
    %get3A_5 = arith.constant 0 : index
    %get3A_6 = arith.constant 0 : index
    %get3A_7 = vector.load %arg1[%get3A_4, %get3A_5, %get3A_6] : memref<2x1024x16xf32, #tpu.memory_space<vmem>>, vector<1x1024x1xf32>
    %get3A_8 = vector.shape_cast %get3A_7 : vector<1x1024x1xf32> to vector<1024x1xf32>
    %add3A = arith.addf %get3A_3, %get3A_8 : vector<1024x1xf32>
    %add3A_9 = arith.constant 1.000000e+00 : f32
    %add3A_10 = vector.broadcast %add3A_9 : f32 to vector<1024x1xf32>
    %add3A_11 = arith.addf %add3A, %add3A_10 : vector<1024x1xf32>
    %rsqrt3A = math.rsqrt %add3A_11 : vector<1024x1xf32>
    %broadcast_in_dim3A = vector.shape_cast %rsqrt3A : vector<1024x1xf32> to vector<1024x1xf32>
    %broadcast_in_dim3A_12 = vector.broadcast %broadcast_in_dim3A : vector<1024x1xf32> to vector<1024x128xf32>
    %swap3A = arith.constant 0 : index
    %swap3A_13 = arith.constant 0 : index
    %swap3A_14 = vector.load %arg4[%swap3A, %swap3A_13] : memref<1024x128xf32, #tpu.memory_space<vmem>>, vector<1024x128xf32>
    tpu.vector_store %arg4[%swap3A, %swap3A_13], %broadcast_in_dim3A_12 {strides = array<i32>} : memref<1024x128xf32, #tpu.memory_space<vmem>>, vector<1024x128xf32>,
    %get3A_15 = arith.constant 0 : index
    %get3A_16 = arith.constant 0 : index
    %get3A_17 = vector.load %arg2[%get3A_15, %get3A_16] : memref<1024x128xf32, #tpu.memory_space<vmem>>, vector<1024x128xf32>
    %mul3A = arith.mulf %broadcast_in_dim3A_12, %get3A_17 : vector<1024x128xf32>
    %slice3A = vector.extract_strided_slice %mul3A {offsets = [0, 0], sizes = [1024, 64], strides = [1, 1]} : vector<1024x128xf32> to vector<1024x64xf32>
    %swap3A_18 = arith.constant 0 : index
    %swap3A_19 = arith.constant 0 : index
    %swap3A_20 = arith.constant 0 : index
    %swap3A_21 = vector.load %arg3[%swap3A_18, %swap3A_19, %swap3A_20] : memref<2x1024x64xf32, #tpu.memory_space<vmem>>, vector<1x1024x64xf32>
    %swap3A_22 = vector.shape_cast %swap3A_21 : vector<1x1024x64xf32> to vector<1024x64xf32>
    %swap3A_23 = vector.shape_cast %slice3A : vector<1024x64xf32> to vector<1x1024x64xf32>
    tpu.vector_store %arg3[%swap3A_18, %swap3A_19, %swap3A_20], %swap3A_23 {strides = array<i32>} : memref<2x1024x64xf32, #tpu.memory_space<vmem>>, vector<1x1024x64xf32>,
    %slice3A_24 = vector.extract_strided_slice %mul3A {offsets = [0, 64], sizes = [1024, 64], strides = [1, 1]} : vector<1024x128xf32> to vector<1024x64xf32>
    %swap3A_25 = arith.constant 1 : index
    %swap3A_26 = arith.constant 0 : index
    %swap3A_27 = arith.constant 0 : index
    %swap3A_28 = vector.load %arg3[%swap3A_25, %swap3A_26, %swap3A_27] : memref<2x1024x64xf32, #tpu.memory_space<vmem>>, vector<1x1024x64xf32>
    %swap3A_29 = vector.shape_cast %swap3A_28 : vector<1x1024x64xf32> to vector<1024x64xf32>
    %swap3A_30 = vector.shape_cast %slice3A_24 : vector<1024x64xf32> to vector<1x1024x64xf32>
    tpu.vector_store %arg3[%swap3A_25, %swap3A_26, %swap3A_27], %swap3A_30 {strides = array<i32>} : memref<2x1024x64xf32, #tpu.memory_space<vmem>>, vector<1x1024x64xf32>,
    return
  }
  func.func @transform_0(%arg0: i32) -> (i32, i32, i32) {
    %c0_i32 = arith.constant 0 : i32
    %c0_i32_0 = arith.constant 0 : i32
    %c0_i32_1 = arith.constant 0 : i32
    return %c0_i32, %arg0, %c0_i32_0 : i32, i32, i32
  }
  func.func @transform_1(%arg0: i32) -> (i32, i32) {
    %c0_i32 = arith.constant 0 : i32
    %c0_i32_0 = arith.constant 0 : i32
    return %arg0, %c0_i32 : i32, i32
  }
  func.func @transform_2(%arg0: i32) -> (i32, i32, i32) {
    %c0_i32 = arith.constant 0 : i32
    %c0_i32_0 = arith.constant 0 : i32
    %c0_i32_1 = arith.constant 0 : i32
    return %c0_i32, %arg0, %c0_i32_0 : i32, i32, i32
  }
  func.func @transform_3(%arg0: i32) -> (i32, i32) {
    %c0_i32 = arith.constant 0 : i32
    %c0_i32_0 = arith.constant 0 : i32
    return %arg0, %c0_i32 : i32, i32
  }
}

module attributes {stable_mosaic.version = 14 : i64} {
  func.func @_chain_body(%arg0: i32, %arg1: memref<2x1024x64xf32, #tpu.memory_space<vmem>>, %arg2: memref<1024x128xf32, #tpu.memory_space<vmem>>, %arg3: memref<1024x128xf32, #tpu.memory_space<vmem>>, %arg4: memref<128x256xf32, #tpu.memory_space<vmem>>, %arg5: memref<1x256xf32, #tpu.memory_space<vmem>>, %arg6: memref<256x64xf32, #tpu.memory_space<vmem>>, %arg7: memref<1024x64xf32, #tpu.memory_space<vmem>>, %arg8: memref<1024x64xf32, #tpu.memory_space<vmem>>) attributes {dimension_semantics = [#tpu.dimension_semantics<arbitrary>], iteration_bounds = array<i64: 10>, scalar_prefetch = 0 : i64, scratch_operands = 0 : i64, tpu.core_type = #tpu.core_type<tc>, window_params = [{transform_indices = @transform_0, window_bounds = array<i64: 2, 1024, 64>}, {transform_indices = @transform_1, window_bounds = array<i64: 1024, 128>}, {transform_indices = @transform_2, window_bounds = array<i64: 1024, 128>}, {pipeline_mode = #tpu.pipeline_mode<synchronous>, transform_indices = @transform_3, window_bounds = array<i64: 128, 256>}, {pipeline_mode = #tpu.pipeline_mode<synchronous>, transform_indices = @transform_4, window_bounds = array<i64: 1, 256>}, {pipeline_mode = #tpu.pipeline_mode<synchronous>, transform_indices = @transform_5, window_bounds = array<i64: 256, 64>}, {transform_indices = @transform_6, window_bounds = array<i64: 1024, 64>}, {transform_indices = @transform_7, window_bounds = array<i64: 1024, 64>}]} {
    %get3A = arith.constant 0 : index
    %get3A_0 = arith.constant 0 : index
    %get3A_1 = vector.load %arg3[%get3A, %get3A_0] : memref<1024x128xf32, #tpu.memory_space<vmem>>, vector<1024x128xf32>
    %get3A_2 = arith.constant 0 : index
    %get3A_3 = arith.constant 0 : index
    %get3A_4 = arith.constant 0 : index
    %get3A_5 = vector.load %arg1[%get3A_2, %get3A_3, %get3A_4] : memref<2x1024x64xf32, #tpu.memory_space<vmem>>, vector<1x1024x64xf32>
    %get3A_6 = vector.shape_cast %get3A_5 : vector<1x1024x64xf32> to vector<1024x64xf32>
    %get3A_7 = arith.constant 1 : index
    %get3A_8 = arith.constant 0 : index
    %get3A_9 = arith.constant 0 : index
    %get3A_10 = vector.load %arg1[%get3A_7, %get3A_8, %get3A_9] : memref<2x1024x64xf32, #tpu.memory_space<vmem>>, vector<1x1024x64xf32>
    %get3A_11 = vector.shape_cast %get3A_10 : vector<1x1024x64xf32> to vector<1024x64xf32>
    %concatenate3A = tpu.concatenate %get3A_6, %get3A_11 in 1 : vector<1024x64xf32>, vector<1024x64xf32> -> vector<1024x128xf32>
    %mul3A = arith.mulf %get3A_1, %concatenate3A : vector<1024x128xf32>
    %mul3A_12 = arith.mulf %get3A_1, %get3A_1 : vector<1024x128xf32>
    %get3A_13 = arith.constant 0 : index
    %get3A_14 = arith.constant 0 : index
    %get3A_15 = vector.load %arg2[%get3A_13, %get3A_14] : memref<1024x128xf32, #tpu.memory_space<vmem>>, vector<1024x128xf32>
    %mul3A_16 = arith.mulf %mul3A_12, %get3A_15 : vector<1024x128xf32>
    %add3A = arith.addf %mul3A, %mul3A_16 : vector<1024x128xf32>
    %get3A_17 = arith.constant 0 : index
    %get3A_18 = arith.constant 0 : index
    %get3A_19 = vector.load %arg4[%get3A_17, %get3A_18] : memref<128x256xf32, #tpu.memory_space<vmem>>, vector<128x256xf32>
    %dot_general3A = arith.constant dense<0.000000e+00> : vector<1024x256xf32>
    %dot_general3A_20 = tpu.matmul %add3A, %get3A_19, %dot_general3A {dimension_numbers = #tpu.dot_dimension_numbers<[1], [0], [0], [1], [0, 0, 1, 1], [], []>, transpose_lhs_hint = false} : vector<1024x128xf32>, vector<128x256xf32>, vector<1024x256xf32> -> vector<1024x256xf32>
    %get3A_21 = arith.constant 0 : index
    %get3A_22 = arith.constant 0 : index
    %get3A_23 = vector.load %arg5[%get3A_21, %get3A_22] : memref<1x256xf32, #tpu.memory_space<vmem>>, vector<1x256xf32>
    %add3A_24 = vector.broadcast %get3A_23 : vector<1x256xf32> to vector<1024x256xf32>
    %add3A_25 = arith.addf %dot_general3A_20, %add3A_24 : vector<1024x256xf32>
    %max3A = arith.constant 0.000000e+00 : f32
    %max3A_26 = vector.broadcast %max3A : f32 to vector<1024x256xf32>
    %max3A_27 = arith.maximumf %add3A_25, %max3A_26 : vector<1024x256xf32>
    %get3A_28 = arith.constant 0 : index
    %get3A_29 = arith.constant 0 : index
    %get3A_30 = vector.load %arg6[%get3A_28, %get3A_29] : memref<256x64xf32, #tpu.memory_space<vmem>>, vector<256x64xf32>
    %dot_general3A_31 = arith.constant dense<0.000000e+00> : vector<1024x64xf32>
    %dot_general3A_32 = tpu.matmul %max3A_27, %get3A_30, %dot_general3A_31 {dimension_numbers = #tpu.dot_dimension_numbers<[1], [0], [0], [1], [0, 0, 1, 1], [], []>, transpose_lhs_hint = false} : vector<1024x256xf32>, vector<256x64xf32>, vector<1024x64xf32> -> vector<1024x64xf32>
    %swap3A = arith.constant 0 : index
    %swap3A_33 = arith.constant 0 : index
    %swap3A_34 = vector.load %arg8[%swap3A, %swap3A_33] : memref<1024x64xf32, #tpu.memory_space<vmem>>, vector<1024x64xf32>
    tpu.vector_store %arg8[%swap3A, %swap3A_33], %dot_general3A_32 {strides = array<i32>} : memref<1024x64xf32, #tpu.memory_space<vmem>>, vector<1024x64xf32>,
    %slice3A = vector.extract_strided_slice %get3A_1 {offsets = [0, 0], sizes = [1024, 64], strides = [1, 1]} : vector<1024x128xf32> to vector<1024x64xf32>
    %mul3A_35 = arith.mulf %slice3A, %dot_general3A_32 : vector<1024x64xf32>
    %swap3A_36 = arith.constant 0 : index
    %swap3A_37 = arith.constant 0 : index
    %swap3A_38 = vector.load %arg7[%swap3A_36, %swap3A_37] : memref<1024x64xf32, #tpu.memory_space<vmem>>, vector<1024x64xf32>
    tpu.vector_store %arg7[%swap3A_36, %swap3A_37], %mul3A_35 {strides = array<i32>} : memref<1024x64xf32, #tpu.memory_space<vmem>>, vector<1024x64xf32>,
    return
  }
  func.func @transform_0(%arg0: i32) -> (i32, i32, i32) {
    %c0_i32 = arith.constant 0 : i32
    %c0_i32_0 = arith.constant 0 : i32
    %c0_i32_1 = arith.constant 0 : i32
    return %c0_i32, %arg0, %c0_i32_0 : i32, i32, i32
  }
  func.func @transform_1(%arg0: i32) -> (i32, i32) {
    %c0_i32 = arith.constant 0 : i32
    %c0_i32_0 = arith.constant 0 : i32
    return %arg0, %c0_i32 : i32, i32
  }
  func.func @transform_2(%arg0: i32) -> (i32, i32) {
    %c0_i32 = arith.constant 0 : i32
    %c0_i32_0 = arith.constant 0 : i32
    return %arg0, %c0_i32 : i32, i32
  }
  func.func @transform_3(%arg0: i32) -> (i32, i32) {
    %c0_i32 = arith.constant 0 : i32
    %c0_i32_0 = arith.constant 0 : i32
    %c0_i32_1 = arith.constant 0 : i32
    return %c0_i32, %c0_i32_0 : i32, i32
  }
  func.func @transform_4(%arg0: i32) -> (i32, i32) {
    %c0_i32 = arith.constant 0 : i32
    %c0_i32_0 = arith.constant 0 : i32
    %c0_i32_1 = arith.constant 0 : i32
    return %c0_i32, %c0_i32_0 : i32, i32
  }
  func.func @transform_5(%arg0: i32) -> (i32, i32) {
    %c0_i32 = arith.constant 0 : i32
    %c0_i32_0 = arith.constant 0 : i32
    %c0_i32_1 = arith.constant 0 : i32
    return %c0_i32, %c0_i32_0 : i32, i32
  }
  func.func @transform_6(%arg0: i32) -> (i32, i32) {
    %c0_i32 = arith.constant 0 : i32
    %c0_i32_0 = arith.constant 0 : i32
    return %arg0, %c0_i32 : i32, i32
  }
  func.func @transform_7(%arg0: i32) -> (i32, i32) {
    %c0_i32 = arith.constant 0 : i32
    %c0_i32_0 = arith.constant 0 : i32
    return %arg0, %c0_i32 : i32, i32
  }
}

module attributes {stable_mosaic.version = 14 : i64} {
  func.func @_final_body(%arg0: i32, %arg1: memref<2x1024x64xf32, #tpu.memory_space<vmem>>, %arg2: memref<1024x64xf32, #tpu.memory_space<vmem>>, %arg3: memref<1024x128xf32, #tpu.memory_space<vmem>>, %arg4: memref<1x64xf32, #tpu.memory_space<vmem>>, %arg5: memref<1024x64xf32, #tpu.memory_space<vmem>>) attributes {dimension_semantics = [#tpu.dimension_semantics<arbitrary>], iteration_bounds = array<i64: 10>, scalar_prefetch = 0 : i64, scratch_operands = 0 : i64, tpu.core_type = #tpu.core_type<tc>, window_params = [{transform_indices = @transform_0, window_bounds = array<i64: 2, 1024, 64>}, {transform_indices = @transform_1, window_bounds = array<i64: 1024, 64>}, {transform_indices = @transform_2, window_bounds = array<i64: 1024, 128>}, {pipeline_mode = #tpu.pipeline_mode<synchronous>, transform_indices = @transform_3, window_bounds = array<i64: 1, 64>}, {transform_indices = @transform_4, window_bounds = array<i64: 1024, 64>}]} {
    %get3A = arith.constant 0 : index
    %get3A_0 = arith.constant 0 : index
    %get3A_1 = vector.load %arg3[%get3A, %get3A_0] : memref<1024x128xf32, #tpu.memory_space<vmem>>, vector<1024x64xf32>
    %get3A_2 = arith.constant 0 : index
    %get3A_3 = arith.constant 0 : index
    %get3A_4 = arith.constant 0 : index
    %get3A_5 = vector.load %arg1[%get3A_2, %get3A_3, %get3A_4] : memref<2x1024x64xf32, #tpu.memory_space<vmem>>, vector<1x1024x64xf32>
    %get3A_6 = vector.shape_cast %get3A_5 : vector<1x1024x64xf32> to vector<1024x64xf32>
    %get3A_7 = arith.constant 1 : index
    %get3A_8 = arith.constant 0 : index
    %get3A_9 = arith.constant 0 : index
    %get3A_10 = vector.load %arg1[%get3A_7, %get3A_8, %get3A_9] : memref<2x1024x64xf32, #tpu.memory_space<vmem>>, vector<1x1024x64xf32>
    %get3A_11 = vector.shape_cast %get3A_10 : vector<1x1024x64xf32> to vector<1024x64xf32>
    %add3A = arith.addf %get3A_6, %get3A_11 : vector<1024x64xf32>
    %get3A_12 = arith.constant 0 : index
    %get3A_13 = arith.constant 0 : index
    %get3A_14 = vector.load %arg2[%get3A_12, %get3A_13] : memref<1024x64xf32, #tpu.memory_space<vmem>>, vector<1024x64xf32>
    %mul3A = arith.mulf %get3A_1, %add3A : vector<1024x64xf32>
    %mul3A_15 = arith.mulf %get3A_1, %get3A_1 : vector<1024x64xf32>
    %mul3A_16 = arith.mulf %mul3A_15, %get3A_14 : vector<1024x64xf32>
    %add3A_17 = arith.addf %mul3A, %mul3A_16 : vector<1024x64xf32>
    %get3A_18 = arith.constant 0 : index
    %get3A_19 = arith.constant 0 : index
    %get3A_20 = vector.load %arg4[%get3A_18, %get3A_19] : memref<1x64xf32, #tpu.memory_space<vmem>>, vector<1x64xf32>
    %add3A_21 = vector.broadcast %get3A_20 : vector<1x64xf32> to vector<1024x64xf32>
    %add3A_22 = arith.addf %add3A_17, %add3A_21 : vector<1024x64xf32>
    %iota3A = tpu.iota {dimensions = array<i32: 1>} : vector<1024x64xi32>
    %lt3A = arith.constant 40 : i32
    %lt3A_23 = vector.broadcast %lt3A : i32 to vector<1024x64xi32>
    %lt3A_24 = arith.cmpi slt, %iota3A, %lt3A_23 : vector<1024x64xi32>
    %broadcast_in_dim3A = arith.constant -1.000000e+30 : f32
    %broadcast_in_dim3A_25 = vector.broadcast %broadcast_in_dim3A : f32 to vector<1024x64xf32>
    %select_n3A = arith.select %lt3A_24, %add3A_22, %broadcast_in_dim3A_25 : vector<1024x64xi1>, vector<1024x64xf32>
    %reduce_max3A = arith.constant dense<0xFF800000> : vector<1024xf32>
    %reduce_max3A_26 = vector.multi_reduction <maximumf>, %select_n3A, %reduce_max3A [1] : vector<1024x64xf32> to vector<1024xf32>
    %broadcast_in_dim3A_27 = vector.shape_cast %reduce_max3A_26 : vector<1024xf32> to vector<1024x1xf32>
    %sub3A = vector.broadcast %broadcast_in_dim3A_27 : vector<1024x1xf32> to vector<1024x64xf32>
    %sub3A_28 = arith.subf %add3A_22, %sub3A : vector<1024x64xf32>
    %exp3A = math.exp %sub3A_28 : vector<1024x64xf32>
    %jit3A = arith.constant 0.000000e+00 : f32
    %broadcast_in_dim3A_29 = vector.broadcast %jit3A : f32 to vector<1024x64xf32>
    %select_n3A_30 = arith.select %lt3A_24, %exp3A, %broadcast_in_dim3A_29 : vector<1024x64xi1>, vector<1024x64xf32>
    %reduce_sum3A = arith.constant dense<0.000000e+00> : vector<1024xf32>
    %reduce_sum3A_31 = vector.multi_reduction <add>, %select_n3A_30, %reduce_sum3A [1] : vector<1024x64xf32> to vector<1024xf32>
    %broadcast_in_dim3A_32 = vector.shape_cast %reduce_sum3A_31 : vector<1024xf32> to vector<1024x1xf32>
    %sub3A_33 = vector.broadcast %broadcast_in_dim3A_27 : vector<1024x1xf32> to vector<1024x64xf32>
    %sub3A_34 = arith.subf %add3A_22, %sub3A_33 : vector<1024x64xf32>
    %log3A = math.log %broadcast_in_dim3A_32 : vector<1024x1xf32>
    %sub3A_35 = vector.broadcast %log3A : vector<1024x1xf32> to vector<1024x64xf32>
    %sub3A_36 = arith.subf %sub3A_34, %sub3A_35 : vector<1024x64xf32>
    %swap3A = arith.constant 0 : index
    %swap3A_37 = arith.constant 0 : index
    %swap3A_38 = vector.load %arg5[%swap3A, %swap3A_37] : memref<1024x64xf32, #tpu.memory_space<vmem>>, vector<1024x64xf32>
    tpu.vector_store %arg5[%swap3A, %swap3A_37], %sub3A_36 {strides = array<i32>} : memref<1024x64xf32, #tpu.memory_space<vmem>>, vector<1024x64xf32>,
    return
  }
  func.func @transform_0(%arg0: i32) -> (i32, i32, i32) {
    %c0_i32 = arith.constant 0 : i32
    %c0_i32_0 = arith.constant 0 : i32
    %c0_i32_1 = arith.constant 0 : i32
    return %c0_i32, %arg0, %c0_i32_0 : i32, i32, i32
  }
  func.func @transform_1(%arg0: i32) -> (i32, i32) {
    %c0_i32 = arith.constant 0 : i32
    %c0_i32_0 = arith.constant 0 : i32
    return %arg0, %c0_i32 : i32, i32
  }
  func.func @transform_2(%arg0: i32) -> (i32, i32) {
    %c0_i32 = arith.constant 0 : i32
    %c0_i32_0 = arith.constant 0 : i32
    return %arg0, %c0_i32 : i32, i32
  }
  func.func @transform_3(%arg0: i32) -> (i32, i32) {
    %c0_i32 = arith.constant 0 : i32
    %c0_i32_0 = arith.constant 0 : i32
    %c0_i32_1 = arith.constant 0 : i32
    return %c0_i32, %c0_i32_0 : i32, i32
  }
  func.func @transform_4(%arg0: i32) -> (i32, i32) {
    %c0_i32 = arith.constant 0 : i32
    %c0_i32_0 = arith.constant 0 : i32
    return %arg0, %c0_i32 : i32, i32
  }
}

</mosaic_0001>

<sc_bundles>
// kernel: kernel.11.cloned.1.call-start
scs
__scs_entry_jumppad:
0x0: {  	(pc) =	sbr.rel $0x88, $3  }
0x1: {  	(tag) =	ssettag $0x0;
	lr =	simm.s32 $0x1  }
0x2: {  	[smem:$0x3F9B] =	sst lr;
	_ =	strace $0xD0000000  }
0x3: {  	_ = 	snop  }
0x4: {  	_ = 	snop  }
0x5: {  	_ = 	snop  }
0x6: {  	_ = 	snop  }
0x7: {  	_ = 	snop  }
__scs_overlays_trampoline_lowered:
0x8: {  	[smem:$0x3FAA] =	sst s0  }
0x9: {  	[smem:$0x3FAB] =	sst s1  }
0xa: {  	[smem:$0x3FAC] =	sst s2  }
0xb: {  	[smem:$0x3FAD] =	sst s3  }
0xc: {  	[smem:$0x3FAE] =	sst s4  }
0xd: {  	[smem:$0x3FAF] =	sst s5  }
0xe: {  	[smem:$0x3FB0] =	sst s6  }
0xf: {  	[smem:$0x3FB1] =	sst s7  }
0x10: {  	[smem:$0x3FB2] =	sst s8  }
0x11: {  	[smem:$0x3FB3] =	sst s9;
	s0 =	simm.s32 @!p0 $0x0  }
0x12: {  	s1 =	sld [smem:$0x3F99];
	s0 =	simm.s32 @p0 $0x1  }
0x13: {  	[smem:$0x3FB4] =	sst s0;
	s0 =	simm.s32 @!p1 $0x0  }
0x14: {  	s2 =	sld [smem:$0x3F98];
	s0 =	simm.s32 @p1 $0x1  }
0x15: {  	[smem:$0x3FB5] =	sst s0;
	s0 =	simm.s32 @!p2 $0x0  }
0x16: {  	s3 =	sld [smem:$0x3FDB];
	s0 =	simm.s32 @p2 $0x1  }
0x17: {  	s4 =	simm.s32 $0x1BF5;
	[smem:$0x3FB7] =	sst s0  }
0x18: {  	s0 =	sld [smem:$0x3F9A];
	_ =	swait.ge [sflag:s4], $0x0  }
0x19: {  	s7 =	sld [smem:$0x3F9B]  }
0x1a: {  	s8 =	sadd.s32 $0xFFFFE003, lr  }
0x1b: {  	s9 =	sadd.s32 $0xFFFFFEF7, lr;
	s5 =	simm.s32 $0xFFFFFFFF;
	p2 =	slt.u32 s8, $0xFFFFF086  }
0x1c: {  	p1 =	slt.u32 s9, $0xF7A;
	s5 =	simm.s32 @!p2 $0x0  }
0x1d: {  	s5 =	simm.s32 @p1 $0x1;
	p0 =	seq.s32 s7, s2  }
0x1e: {  	s7 =	smul.u32 @!p0 $0xF7A, s2;
	p2 =	seq.s32 @!p0 s5, $0x0  }
0x1f: {  	s9 =	smul.u32 $0xF7A, s1;
	s8 =	simm.s32 @!p0 $0x1BF5;
	p2 =	por !p2, p0  }
0x20: {  	[sflag:s8] =	ssyncset.s32 @!p0 $0xFFFFF086;
	s6 =	sadd.s32 @!p0 s3, s7;
	s7 =	simm.s32 @!p0 $0x108  }
0x21: {  	s3 =	sadd.s32 s3, s9;
	s6 =	sadd.s32 @!p0 $0x88, s6;
	s7 =	simm.s32 @p2 $0x1082  }
0x22: {  	[simem:s7], [sflag:s8] =	dma.local @!p0 [hbm:s6], $0xF7A  }
0x23: {  	s9 =	sor.u32 $0xD0000000, s2;
	s6 =	simm.s32 $0x108;
	_ =	swait.ge @!p0 [sflag:s8], $0x0  }
0x24: {  	s3 =	sadd.s32 $0x88, s3;
	s6 =	simm.s32 @!p1 $0x1082;
	[sflag:s4] =	ssyncset.s32 $0xFFFFF086  }
0x25: {  	[simem:s6], [sflag:s4] =	dma.local [hbm:s3], $0xF7A  }
0x26: {  	[smem:$0x3F9B] =	sst s1;
	(tag) =	ssettag s2;
	_ =	strace s9  }
0x27: {  	s1 =	sld [smem:$0x3FAB]  }
0x28: {  	s2 =	sld [smem:$0x3FAC]  }
0x29: {  	s4 =	sld [smem:$0x3FAE]  }
0x2a: {  	p0 =	seq.s32 s5, $0x0;
	s5 =	sld [smem:$0x3FAF]  }
0x2b: {  	s6 =	sld [smem:$0x3FB0]  }
0x2c: {  	s7 =	sld [smem:$0x3FB1]  }
0x2d: {  	s3 =	simm.s32 $0x108;
	s8 =	sld [smem:$0x3FB2]  }
0x2e: {  	s3 =	simm.s32 @!p0 $0x1082;
	s9 =	sld [smem:$0x3FB3]  }
0x2f: {  	lr =	sadd.s32 s0, s3;
	s0 =	sld [smem:$0x3FAA]  }
0x30: {  	s3 =	sld [smem:$0x3FAD]  }
0x31: {  	[smem:$0x3FB6] =	sst s10  }
0x32: {  	s10 =	sld [smem:$0x3FB4];
	_ =	sdelay $0x3  }
0x33: {  	p0 =	seq.s32 s10, $0x1;
	s10 =	sld [smem:$0x3FB6];
	_ =	sdelay $0x3  }
0x34: {  	[smem:$0x3FB6] =	sst s10  }
0x35: {  	s10 =	sld [smem:$0x3FB5];
	_ =	sdelay $0x3  }
0x36: {  	p1 =	seq.s32 s10, $0x1;
	s10 =	sld [smem:$0x3FB6];
	_ =	sdelay $0x3  }
0x37: {  	[smem:$0x3FB6] =	sst s10  }
0x38: {  	s10 =	sld [smem:$0x3FB7]  }
0x39: {  	_ = 	snop;
	(pc) =	sbr.ind lr, $3  }
0x3a: {  	_ = 	snop  }
0x3b: {  	_ = 	snop  }
0x3c: {  	p2 =	seq.s32 s10, $0x1;
	s10 =	sld [smem:$0x3FB6]  }
0x3d: {  	_ =	shalt  }
0x3e: {  	_ =	shalt  }
0x3f: {  	_ =	shalt  }
0x40: {  	_ =	shalt  }
0x41: {  	_ =	shalt  }
0x42: {  	_ =	shalt  }
0x43: {  	_ =	shalt  }
0x44: {  	_ =	shalt  }
0x45: {  	_ =	shalt  }
0x46: {  	_ =	shalt  }
0x47: {  	_ =	shalt  }
0x48: {  	_ =	shalt  }
0x49: {  	_ =	shalt  }
0x4a: {  	_ =	shalt  }
0x4b: {  	_ =	shalt  }
0x4c: {  	_ =	shalt  }
0x4d: {  	_ =	shalt  }
0x4e: {  	_ =	shalt  }
0x4f: {  	_ =	shalt  }
0x50: {  	_ =	shalt  }
0x51: {  	_ =	shalt  }
0x52: {  	_ =	shalt  }
0x53: {  	_ =	shalt  }
0x54: {  	_ =	shalt  }
0x55: {  	_ =	shalt  }
0x56: {  	_ =	shalt  }
0x57: {  	_ =	shalt  }
0x58: {  	_ =	shalt  }
0x59: {  	_ =	shalt  }
0x5a: {  	_ =	shalt  }
0x5b: {  	_ =	shalt  }
0x5c: {  	_ =	shalt  }
0x5d: {  	_ =	shalt  }
0x5e: {  	_ =	shalt  }
0x5f: {  	_ =	shalt  }
0x60: {  	_ =	shalt  }
0x61: {  	_ =	shalt  }
0x62: {  	_ =	shalt  }
0x63: {  	_ =	shalt  }
0x64: {  	_ =	shalt  }
0x65: {  	_ =	shalt  }
0x66: {  	_ =	shalt  }
0x67: {  	_ =	shalt  }
0x68: {  	_ =	shalt  }
0x69: {  	_ =	shalt  }
0x6a: {  	_ =	shalt  }
0x6b: {  	_ =	shalt  }
0x6c: {  	_ =	shalt  }
0x6d: {  	_ =	shalt  }
0x6e: {  	_ =	shalt  }
0x6f: {  	_ =	shalt  }
0x70: {  	_ =	shalt  }
0x71: {  	_ =	shalt  }
0x72: {  	_ =	shalt  }
0x73: {  	_ =	shalt  }
0x74: {  	_ =	shalt  }
0x75: {  	_ =	shalt  }
0x76: {  	_ =	shalt  }
0x77: {  	_ =	shalt  }
0x78: {  	_ =	shalt  }
0x79: {  	_ =	shalt  }
0x7a: {  	_ =	shalt  }
0x7b: {  	_ =	shalt  }
0x7c: {  	_ =	shalt  }
0x7d: {  	_ =	shalt  }
0x7e: {  	_ =	shalt  }
0x7f: {  	_ =	shalt  }
0x80: {  	_ =	shalt  }
0x81: {  	_ =	shalt  }
0x82: {  	_ =	shalt  }
0x83: {  	_ =	shalt  }
0x84: {  	_ =	shalt  }
0x85: {  	_ =	shalt  }
0x86: {  	_ =	shalt  }
0x87: {  	_ =	shalt  }
.Lfunc_end0:
.L_simem_size_0:
called_computation.1_lowered:
.L_overlay_start_0:
0x88: {  	s2 =	sld [smem:$0x3FD9]  }
0x89: {  	s3 =	sld [smem:$0x3FFE];
	_ =	sdelay $0x1  }
0x8a: {  	s1 =	srdreg.scid  }
0x8b: {  	s0 =	sand.u32 $0x1, s1  }
0x8c: {  	s16 =	sshll.u32 s0, $0xA;
	s2 =	sadd.s32 s3, s2  }
0x8d: {  	s2 =	sadd.s32 s2, s16  }
0x8e: {  	[smem:$0x3FC2] =	sst s2  }
0x8f: {  	_ = 	snop  }
0x90: {  	(tm) =	ssettm $0x1  }
0x91: {  	s17 =	sld [smem:$0x3FFB];
	_ =	sdelay $0x3  }
0x92: {  	_ =	strace s17  }
0x93: {  	s2 =	sld [smem:$0x3FFC];
	_ =	sdelay $0x3  }
0x94: {  	_ =	strace s2  }
0x95: {  	s2 =	sld [smem:$0x3FFD];
	_ =	sdelay $0x3  }
0x96: {  	_ =	strace s2  }
0x97: {  	_ =	strace $0x8FFFFFFF  }
0x98: {  	s18 =	sld [smem:$0x3FDB];
	_ =	sdelay $0x1  }
0x99: {  	s19 =	simm.s32 $_scs_section_size  }
0x9a: {  	s4 =	simm.s32 $_size__tile_overlayer_lowered;
	s5 =	simm.s32 $_tile_overlayer_lowered  }
0x9b: {  	s22 =	simm.s32 $0x1BFF;
	s21 =	sshll.u32 s5, $0x1;
	s2 =	sadd.s32 s19, s18  }
0x9c: {  	s6 =	simm.s32 $0x0;
	s20 =	sshll.u32 s4, $0x1;
	s4 =	sadd.s32 s21, s2  }
0x9d: {  	[timem:s6], [sflag:s22] =	dma.local [hbm:s4], s20  }
0x9e: {  	_ =	swait.ge [sflag:s22], s20  }
0x9f: {  	s3 =	ssub.s32 $0x0, s20;
	[sflag:s22] =	ssyncset.done $0x0  }
0xa0: {  	[sflag:s22] =	ssyncadd.s32 s3;
	_ =	sdelay $0x1  }
0xa1: {  	s23 =	simm.s32 $0x1B8B  }
0xa2: {  	_ =	swait.ge [sflag:s23], $0x1  }
0xa3: {  	[sflag:s23] =	ssyncset.done $0x0  }
0xa4: {  	s25 =	simm.s32 $0x1B8E;
	s24 =	sld [smem:$0x3FFE];
	[sflag:s23] =	ssyncadd.s32 $0xFFFFFFFF  }
0xa5: {  	s26 =	simm.s32 $execute0_lowered;
	[smem:$0x3FD2] =	sst s25  }
0xa6: {  	s4 =	sshll.u32 s26, $0x1;
	_ =	strace $0x80000049;
	[dreg:$0x1] =	wrdreg $0xFFFFFFFF  }
0xa7: {  	s28 =	simm.s32 $_size_execute0_lowered;
	s2 =	sadd.s32 s2, s4;
	[dreg:$0x0] =	wrdreg $0x0  }
0xa8: {  	s4 =	sshll.u32 s28, $0x1;
	[dreg:$0x2] =	wrdreg s2  }
0xa9: {  	[dreg:$0x3] =	wrdreg s4  }
0xaa: {  	[dreg:$0x4] =	wrdreg $0xC0  }
0xab: {  	_ =	task [dreg:s6], $0x5FFFF  }
0xac: {  	[dreg:$0x1] =	wrdreg $0xFFFFFFFF  }
0xad: {  	[dreg:$0x0] =	wrdreg $0x60  }
0xae: {  	[dreg:$0x2] =	wrdreg s24  }
0xaf: {  	[dreg:$0x3] =	wrdreg $0x128000  }
0xb0: {  	[dreg:$0x4] =	wrdreg $0x88000  }
0xb1: {  	[dreg:$0x5] =	wrdreg $0x9  }
0xb2: {  	_ =	task.clear_ibuf [dreg:s6], $0x6FFFF;
	_ =	strace $0x90000049  }
0xb3: {  	s29 =	simm.s32 $0x9;
	_ =	strace $0x8000004B  }
0xb4: {  	_ =	swait.ge [sflag:s29], $0x1  }
0xb5: {  	[sflag:s29] =	ssyncadd.s32 $0xFFFFFFFF  }
0xb6: {  	_ =	strace $0x9000004B  }
0xb7: {  	_ =	sfence  }
0xb8: {  	s30 =	sld [smem:$0x0];
	_ =	sdelay $0x2  }
0xb9: {  	s31 =	sshll.u32 s1, $0xD;
	s1 =	sshrl.u32 s1, $0x2  }
0xba: {  	s3 =	sand.u32 $0x4000, s31;
	s1 =	sadd.s32 s1, s30  }
0xbb: {  	s0 =	sor.u32 s3, s0;
	s1 =	sshll.u32 s1, $0x11  }
0xbc: {  	s0 =	sor.u32 s1, s0  }
0xbd: {  	s0 =	sadd.s32 $0x8F2B, s0  }
0xbe: {  	[sflag:s0] =	ssyncadd.remote.s32 $0x1  }
0xbf: {  	_ =	sfence.sel $0xFFFF  }
0xc0: {  	[dreg:$0x0] =	wrdreg $0xFFFFFFFF;
	(pc) =	sbr.abs _section_cstart, $3  }
0xc1: {  	[dreg:$0x1] =	wrdreg $0xFFFFFFFF  }
0xc2: {  	_ =	task.clear_ibuf [dreg:s6], $0x2FFFF;
	_ =	strace $0x9FFFFFFF  }
0xc3: {  	(tm) =	ssettm $0x7FFFFFFF  }
tec
execute0_lowered:
.L_overlay_start_1:
0x0: {  	(tag) =	ssettag $0x1  }
0x1: {  	s0 =	rddreg [dreg:$0x0]  }
0x2: {  	s2 =	rddreg [dreg:$0x1];
	s10 =	stileid.u32  }
0x3: {  	s1 =	srdreg.scid;
	s3 =	rddreg [dreg:$0x2]  }
0x4: {  	s4 =	simm.s32 $0x0;
	s28 =	simm.s32 $0x280;
	s29 =	simm.s32 $0x380  }
0x5: {  	s30 =	simm.s32 $0x2;
	s31 =	simm.s32 $0x400;
	s5 =	smul.u32 $0xA000, s10  }
0x6: {  	s11 =	simm.s32 $0x780;
	s12 =	simm.s32 $0x0;
	s7 =	smul.u32 $0x1400, s10  }
0x7: {  	s1 =	sand.u32 $0x1, s1;
	[smem:$0x7FF] =	sst s4;
	s8 =	smul.u32 $0x28000, s10  }
0x8: {  	s19 =	sshll.u32 s10, $0x6;
	s10 =	simm.s32 $0x680;
	s6 =	smul.u32 $0xA0000, s1  }
0x9: {  	_ =	strace $0x8000004A;
	s1 =	ssub.s32 $0x2, s1;
	s9 =	sadd.s32 s7, s0  }
0xa: {  	s15 =	sshrl.u32 s1, $0x1;
	s16 =	sadd.s32 s5, s2;
	s17 =	sshrl.u32 s8, $0x2  }
0xb: {  	s7 =	sor.u32 $0x1C03, s19;
	s19 =	simm.s32 $0x100;
	s8 =	simm.s32 $0x600  }
0xc: {  	s6 =	sadd.s32 s5, s6;
	s1 =	ssub.s32 s1, s15;
	s20 =	sadd.s32 s17, s3  }
0xd: {  	s5 =	sadd.s32 s5, s3;
	s14 =	sadd.s32 $0x51A00, s9;
	s26 =	sshrl.u32 s16, $0x3  }
0xe: {  	s16 =	simm.s32 $0x3;
	s17 =	simm.s32 $0x800;
	[dreg:$0x5] =	wrdreg s7  }
0xf: {  	s9 =	simm.s32 $0x700;
	s6 =	sshrl.u32 s6, $0x3;
	[dreg:$0x6] =	wrdreg s5  }
0x10: {  	s21 =	sadd.s32 $0x2000, s20;
	s22 =	sadd.s32 $0x4000, s20;
	[dreg:$0xd] =	wrdreg s26  }
0x11: {  	s23 =	sadd.s32 $0x6000, s20;
	s24 =	sadd.s32 $0x8000, s20;
	[dreg:$0x7] =	wrdreg s21  }
0x12: {  	s25 =	smax.u32 s1, $0x1;
	s20 =	simm.s32 $0x2800;
	[dreg:$0x8] =	wrdreg s22  }
0x13: {  	s26 =	simm.s32 $0x6800;
	s1 =	simm.s32 $0x500;
	[dreg:$0x9] =	wrdreg s23  }
0x14: {  	s5 =	simm.s32 $0x580;
	s0 =	sadd.s32 s6, s0;
	[dreg:$0xa] =	wrdreg s24  }
0x15: {  	[dreg:$0xc] =	wrdreg s25;
	s21 =	simm.s32 $0x1;
	s22 =	simm.s32 $0x180  }
0x16: {  	s23 =	simm.s32 $0x200;
	s24 =	simm.s32 $0x4800;
	s18 =	sadd.s32 $0x1A00, s0  }
0x17: {  	s25 =	simm.s32 $0x300;
	s0 =	sadd.s32 $0x29A00, s0;
	[dreg:$0x4] =	wrdreg s18  }
0x18: {  	v0 =	vimm.f32 $0.0e+00;
	[dreg:$0xb] =	wrdreg s0;
	s18 =	simm.s32 $0x80;
	s0 =	simm.s32 $0x480  }
.LBB2_1:
0x19: {  	s6 =	rddreg [dreg:$0x4]  }
0x1a: {  	s13 =	rddreg [dreg:$0xd]  }
0x1b: {  	[spmem:s13], [sflag:s7] =	dma.local [hbm:s6], $0x1400  }
0x1c: {  	s15 =	sand.u32 $0x30, s4;
	s13 =	sand.u32 $0x7F00, s4;
	_ =	swait.ge [sflag:s16], $0x1400  }
0x1d: {  	s6 =	sshrl.u32 s13, $0x2;
	s13 =	simm.s32 $0x40;
	[sflag:s16] =	ssyncset.done $0x0  }
0x1e: {  	s6 =	sor.u32 s15, s6;
	s15 =	simm.s32 $0x0;
	[sflag:s16] =	ssyncadd.s32 $0xFFFFEC00  }
.LBB2_2:
0x1f: {  	p0 =	sne.s32 s13, $0x7FC0  }
0x20: {  	[tilespmem:s6+$0x800] =	vst v0;
	s15 =	sadd.s32 $0x10, s15;
	s6 =	smov.u32 s13;
	s13 =	sadd.s32 $0x40, s13  }
.Ltmp0:
0x21: {  	(pc) =	sbr.rel @p0 .LBB2_2-.Ltmp0, $4  }
0x22: {  	_ = 	snop  }
0x23: {  	s6 =	sand.u32 $0x7F00, s6  }
0x24: {  	s7 =	sand.u32 $0x30, s15;
	s6 =	sshrl.u32 s6, $0x2  }
0x25: {  	s6 =	sor.u32 s7, s6  }
0x26: {  	[tilespmem:s6+$0x800] =	vst v0;
	s7 =	rddreg [dreg:$0x6]  }
0x27: {  	[spmem:s7] =	stream.linear.scatter [tilespmem:s17], [sflag:$0x3], $0x2000, $0x38;
	[tilespmem:$0x1C800] =	vst v63  }
0x28: {  	_ =	swait.ge [sflag:s16], $0x2000  }
0x29: {  	[sflag:s16] =	ssyncset.done $0x0  }
0x2a: {  	s13 =	rddreg [dreg:$0x7];
	[sflag:s16] =	ssyncadd.s32 $0xFFFFE000  }
0x2b: {  	[spmem:s13] =	stream.linear.scatter [tilespmem:s17], [sflag:$0x3], $0x2000, $0x38;
	[tilespmem:$0x1C800] =	vst v63  }
0x2c: {  	_ =	swait.ge [sflag:s16], $0x2000  }
0x2d: {  	[sflag:s16] =	ssyncset.done $0x0  }
0x2e: {  	s15 =	rddreg [dreg:$0x8];
	[sflag:s16] =	ssyncadd.s32 $0xFFFFE000  }
0x2f: {  	[spmem:s15] =	stream.linear.scatter [tilespmem:s17], [sflag:$0x3], $0x2000, $0x38;
	[tilespmem:$0x1C800] =	vst v63  }
0x30: {  	_ =	swait.ge [sflag:s16], $0x2000  }
0x31: {  	[sflag:s16] =	ssyncset.done $0x0  }
0x32: {  	s7 =	rddreg [dreg:$0x9];
	[sflag:s16] =	ssyncadd.s32 $0xFFFFE000  }
0x33: {  	[spmem:s7] =	stream.linear.scatter [tilespmem:s17], [sflag:$0x3], $0x2000, $0x38;
	[tilespmem:$0x1C800] =	vst v63  }
0x34: {  	_ =	swait.ge [sflag:s16], $0x2000  }
0x35: {  	[sflag:s16] =	ssyncset.done $0x0  }
0x36: {  	s13 =	rddreg [dreg:$0xa];
	[sflag:s16] =	ssyncadd.s32 $0xFFFFE000  }
0x37: {  	[spmem:s13] =	stream.linear.scatter [tilespmem:s17], [sflag:$0x3], $0x2000, $0x38;
	[tilespmem:$0x1C800] =	vst v63  }
0x38: {  	_ =	swait.ge [sflag:s16], $0x2000  }
0x39: {  	[sflag:s16] =	ssyncset.done $0x0  }
0x3a: {  	[sflag:s16] =	ssyncadd.s32 $0xFFFFE000  }
0x3b: {  	s15 =	sadd.s32 $0x0, s14;
	[bflag:$0x0] =	sbarrier.arrive $0xFFFF  }
0x3c: {  	[tilespmem:s4], [sflag:$0x3] =	stream.linear.gather [hbm4b:s15+s4], $0x800, $0x38;
	[tilespmem:$0x1C800] =	vst v63  }
0x3d: {  	_ =	swait.ge [sflag:s16], $0x800  }
0x3e: {  	[sflag:s16] =	ssyncset.done $0x0  }
0x3f: {  	[sflag:s16] =	ssyncadd.s32 $0xFFFFF800  }
0x40: {  	[tilespmem:s17], [sflag:$0x1] =	stream.indirect.gather [spmem:s2], $0x40, s4, s18, $0xb8;
	[tilespmem:$0x1C800] =	vst v63  }
0x41: {  	_ = 	snop  }
0x42: {  	[tilespmem:s20], [sflag:$0x1] =	stream.indirect.gather [spmem:s2], $0x40, s19, s18, $0xb8;
	[tilespmem:$0x1C800] =	vst v63  }
0x43: {  	_ =	swait.ge [sflag:s21], $0x2000  }
0x44: {  	[sflag:s21] =	ssyncset.done $0x0  }
0x45: {  	[sflag:s21] =	ssyncadd.s32 $0xFFFFE000  }
0x46: {  	[spmem:s3] =	stream.indirect.scatter.add.f32 [tilespmem:s17], [sflag:$0x2], $0x40, s18, s18, $0xb8;
	[tilespmem:$0x1C800] =	vst v63  }
0x47: {  	_ =	swait.ge [sflag:s21], $0x2000  }
0x48: {  	[sflag:s21] =	ssyncset.done $0x0  }
0x49: {  	[sflag:s21] =	ssyncadd.s32 $0xFFFFE000  }
0x4a: {  	[spmem:s3] =	stream.indirect.scatter.add.f32 [tilespmem:s20], [sflag:$0x2], $0x40, s22, s18, $0xb8;
	[tilespmem:$0x1C800] =	vst v63  }
0x4b: {  	_ = 	snop  }
0x4c: {  	[tilespmem:s24], [sflag:$0x1] =	stream.indirect.gather [spmem:s2], $0x40, s23, s18, $0xb8;
	[tilespmem:$0x1C800] =	vst v63  }
0x4d: {  	_ = 	snop  }
0x4e: {  	[tilespmem:s26], [sflag:$0x1] =	stream.indirect.gather [spmem:s2], $0x40, s25, s18, $0xb8;
	[tilespmem:$0x1C800] =	vst v63  }
0x4f: {  	_ =	swait.ge [sflag:s21], $0x2000  }
0x50: {  	[sflag:s21] =	ssyncset.done $0x0  }
0x51: {  	[sflag:s21] =	ssyncadd.s32 $0xFFFFE000  }
0x52: {  	[spmem:s3] =	stream.indirect.scatter.add.f32 [tilespmem:s24], [sflag:$0x2], $0x40, s28, s18, $0xb8;
	[tilespmem:$0x1C800] =	vst v63  }
0x53: {  	_ =	swait.ge [sflag:s21], $0x2000  }
0x54: {  	[sflag:s21] =	ssyncset.done $0x0  }
0x55: {  	[sflag:s21] =	ssyncadd.s32 $0xFFFFE000  }
0x56: {  	[spmem:s3] =	stream.indirect.scatter.add.f32 [tilespmem:s26], [sflag:$0x2], $0x40, s29, s18, $0xb8;
	[tilespmem:$0x1C800] =	vst v63  }
0x57: {  	_ =	swait.ge [sflag:s30], $0x2000  }
0x58: {  	[sflag:s30] =	ssyncset.done $0x0  }
0x59: {  	[sflag:s30] =	ssyncadd.s32 $0xFFFFE000  }
0x5a: {  	_ =	swait.ge [sflag:s30], $0x2000  }
0x5b: {  	[sflag:s30] =	ssyncset.done $0x0  }
0x5c: {  	[sflag:s30] =	ssyncadd.s32 $0xFFFFE000  }
0x5d: {  	[tilespmem:s17], [sflag:$0x1] =	stream.indirect.gather [spmem:s2], $0x40, s31, s18, $0xb8;
	[tilespmem:$0x1C800] =	vst v63  }
0x5e: {  	_ = 	snop  }
0x5f: {  	[tilespmem:s20], [sflag:$0x1] =	stream.indirect.gather [spmem:s2], $0x40, s1, s18, $0xb8;
	[tilespmem:$0x1C800] =	vst v63  }
0x60: {  	_ =	swait.ge [sflag:s21], $0x2000  }
0x61: {  	[sflag:s21] =	ssyncset.done $0x0  }
0x62: {  	[sflag:s21] =	ssyncadd.s32 $0xFFFFE000  }
0x63: {  	[spmem:s3] =	stream.indirect.scatter.add.f32 [tilespmem:s17], [sflag:$0x2], $0x40, s0, s18, $0xb8;
	[tilespmem:$0x1C800] =	vst v63  }
0x64: {  	_ =	swait.ge [sflag:s21], $0x2000  }
0x65: {  	[sflag:s21] =	ssyncset.done $0x0  }
0x66: {  	[sflag:s21] =	ssyncadd.s32 $0xFFFFE000  }
0x67: {  	[spmem:s3] =	stream.indirect.scatter.add.f32 [tilespmem:s20], [sflag:$0x2], $0x40, s5, s18, $0xb8;
	[tilespmem:$0x1C800] =	vst v63  }
0x68: {  	_ =	swait.ge [sflag:s30], $0x2000  }
0x69: {  	[sflag:s30] =	ssyncset.done $0x0  }
0x6a: {  	[sflag:s30] =	ssyncadd.s32 $0xFFFFE000  }
0x6b: {  	_ =	swait.ge [sflag:s30], $0x2000  }
0x6c: {  	[sflag:s30] =	ssyncset.done $0x0  }
0x6d: {  	[sflag:s30] =	ssyncadd.s32 $0xFFFFE000  }
0x6e: {  	[tilespmem:s24], [sflag:$0x1] =	stream.indirect.gather [spmem:s2], $0x40, s8, s18, $0xb8;
	[tilespmem:$0x1C800] =	vst v63  }
0x6f: {  	_ = 	snop  }
0x70: {  	[tilespmem:s26], [sflag:$0x1] =	stream.indirect.gather [spmem:s2], $0x40, s9, s18, $0xb8;
	[tilespmem:$0x1C800] =	vst v63  }
0x71: {  	_ =	swait.ge [sflag:s21], $0x2000  }
0x72: {  	[sflag:s21] =	ssyncset.done $0x0  }
0x73: {  	[sflag:s21] =	ssyncadd.s32 $0xFFFFE000  }
0x74: {  	[spmem:s3] =	stream.indirect.scatter.add.f32 [tilespmem:s24], [sflag:$0x2], $0x40, s10, s18, $0xb8;
	[tilespmem:$0x1C800] =	vst v63  }
0x75: {  	_ =	swait.ge [sflag:s21], $0x2000  }
0x76: {  	[sflag:s21] =	ssyncset.done $0x0  }
0x77: {  	[sflag:s21] =	ssyncadd.s32 $0xFFFFE000  }
0x78: {  	[spmem:s3] =	stream.indirect.scatter.add.f32 [tilespmem:s26], [sflag:$0x2], $0x40, s11, s18, $0xb8;
	[tilespmem:$0x1C800] =	vst v63  }
0x79: {  	_ =	swait.ge [sflag:s30], $0x2000  }
0x7a: {  	[sflag:s30] =	ssyncset.done $0x0  }
0x7b: {  	[sflag:s30] =	ssyncadd.s32 $0xFFFFE000  }
0x7c: {  	_ =	swait.ge [sflag:s30], $0x2000  }
0x7d: {  	[sflag:s30] =	ssyncset.done $0x0  }
0x7e: {  	[sflag:s30] =	ssyncadd.s32 $0xFFFFE000  }
0x7f: {  	_ =	swait.ge [sflag:s30], $0x2000  }
0x80: {  	[sflag:s30] =	ssyncset.done $0x0  }
0x81: {  	[sflag:s30] =	ssyncadd.s32 $0xFFFFE000  }
0x82: {  	_ =	swait.ge [sflag:s30], $0x2000  }
0x83: {  	s13 =	simm.s32 $0x100;
	s15 =	simm.s32 $0x200;
	[sflag:s30] =	ssyncset.done $0x0  }
.LBB2_4:
0x84: {  	s7 =	sadd.s32 s13, s14  }
0x85: {  	[sflag:s30] =	ssyncadd.s32 $0xFFFFE000;
	s13 =	smov.u32 s15;
	s6 =	sadd.s32 $0x100, s15  }
0x86: {  	[tilespmem:s4], [sflag:$0x3] =	stream.linear.gather [hbm4b:s7+s4], $0x800, $0x38;
	[tilespmem:$0x1C800] =	vst v63  }
0x87: {  	p0 =	sne.s32 s15, $0x1300;
	_ =	swait.ge [sflag:s16], $0x800  }
0x88: {  	[sflag:s16] =	ssyncset.done $0x0  }
0x89: {  	[sflag:s16] =	ssyncadd.s32 $0xFFFFF800  }
0x8a: {  	[tilespmem:s17], [sflag:$0x1] =	stream.indirect.gather [spmem:s2], $0x40, s4, s18, $0xb8;
	[tilespmem:$0x1C800] =	vst v63  }
0x8b: {  	_ = 	snop  }
0x8c: {  	[tilespmem:s20], [sflag:$0x1] =	stream.indirect.gather [spmem:s2], $0x40, s19, s18, $0xb8;
	[tilespmem:$0x1C800] =	vst v63  }
0x8d: {  	_ =	swait.ge [sflag:s21], $0x2000  }
0x8e: {  	[sflag:s21] =	ssyncset.done $0x0  }
0x8f: {  	[sflag:s21] =	ssyncadd.s32 $0xFFFFE000  }
0x90: {  	[spmem:s3] =	stream.indirect.scatter.add.f32 [tilespmem:s17], [sflag:$0x2], $0x40, s18, s18, $0xb8;
	[tilespmem:$0x1C800] =	vst v63  }
0x91: {  	_ =	swait.ge [sflag:s21], $0x2000  }
0x92: {  	[sflag:s21] =	ssyncset.done $0x0  }
0x93: {  	[sflag:s21] =	ssyncadd.s32 $0xFFFFE000  }
0x94: {  	[spmem:s3] =	stream.indirect.scatter.add.f32 [tilespmem:s20], [sflag:$0x2], $0x40, s22, s18, $0xb8;
	[tilespmem:$0x1C800] =	vst v63  }
0x95: {  	_ = 	snop  }
0x96: {  	[tilespmem:s24], [sflag:$0x1] =	stream.indirect.gather [spmem:s2], $0x40, s23, s18, $0xb8;
	[tilespmem:$0x1C800] =	vst v63  }
0x97: {  	_ = 	snop  }
0x98: {  	[tilespmem:s26], [sflag:$0x1] =	stream.indirect.gather [spmem:s2], $0x40, s25, s18, $0xb8;
	[tilespmem:$0x1C800] =	vst v63  }
0x99: {  	_ =	swait.ge [sflag:s21], $0x2000  }
0x9a: {  	[sflag:s21] =	ssyncset.done $0x0  }
0x9b: {  	[sflag:s21] =	ssyncadd.s32 $0xFFFFE000  }
0x9c: {  	[spmem:s3] =	stream.indirect.scatter.add.f32 [tilespmem:s24], [sflag:$0x2], $0x40, s28, s18, $0xb8;
	[tilespmem:$0x1C800] =	vst v63  }
0x9d: {  	_ =	swait.ge [sflag:s21], $0x2000  }
0x9e: {  	[sflag:s21] =	ssyncset.done $0x0  }
0x9f: {  	[sflag:s21] =	ssyncadd.s32 $0xFFFFE000  }
0xa0: {  	[spmem:s3] =	stream.indirect.scatter.add.f32 [tilespmem:s26], [sflag:$0x2], $0x40, s29, s18, $0xb8;
	[tilespmem:$0x1C800] =	vst v63  }
0xa1: {  	_ =	swait.ge [sflag:s30], $0x2000  }
0xa2: {  	[sflag:s30] =	ssyncset.done $0x0  }
0xa3: {  	[sflag:s30] =	ssyncadd.s32 $0xFFFFE000  }
0xa4: {  	_ =	swait.ge [sflag:s30], $0x2000  }
0xa5: {  	[sflag:s30] =	ssyncset.done $0x0  }
0xa6: {  	[sflag:s30] =	ssyncadd.s32 $0xFFFFE000  }
0xa7: {  	[tilespmem:s17], [sflag:$0x1] =	stream.indirect.gather [spmem:s2], $0x40, s31, s18, $0xb8;
	[tilespmem:$0x1C800] =	vst v63  }
0xa8: {  	_ = 	snop  }
0xa9: {  	[tilespmem:s20], [sflag:$0x1] =	stream.indirect.gather [spmem:s2], $0x40, s1, s18, $0xb8;
	[tilespmem:$0x1C800] =	vst v63  }
0xaa: {  	_ =	swait.ge [sflag:s21], $0x2000  }
0xab: {  	[sflag:s21] =	ssyncset.done $0x0  }
0xac: {  	[sflag:s21] =	ssyncadd.s32 $0xFFFFE000  }
0xad: {  	[spmem:s3] =	stream.indirect.scatter.add.f32 [tilespmem:s17], [sflag:$0x2], $0x40, s0, s18, $0xb8;
	[tilespmem:$0x1C800] =	vst v63  }
0xae: {  	_ =	swait.ge [sflag:s21], $0x2000  }
0xaf: {  	[sflag:s21] =	ssyncset.done $0x0  }
0xb0: {  	[sflag:s21] =	ssyncadd.s32 $0xFFFFE000  }
0xb1: {  	[spmem:s3] =	stream.indirect.scatter.add.f32 [tilespmem:s20], [sflag:$0x2], $0x40, s5, s18, $0xb8;
	[tilespmem:$0x1C800] =	vst v63  }
0xb2: {  	_ =	swait.ge [sflag:s30], $0x2000  }
0xb3: {  	[sflag:s30] =	ssyncset.done $0x0  }
0xb4: {  	[sflag:s30] =	ssyncadd.s32 $0xFFFFE000  }
0xb5: {  	_ =	swait.ge [sflag:s30], $0x2000  }
0xb6: {  	[sflag:s30] =	ssyncset.done $0x0  }
0xb7: {  	[sflag:s30] =	ssyncadd.s32 $0xFFFFE000  }
0xb8: {  	[tilespmem:s24], [sflag:$0x1] =	stream.indirect.gather [spmem:s2], $0x40, s8, s18, $0xb8;
	[tilespmem:$0x1C800] =	vst v63  }
0xb9: {  	_ = 	snop  }
0xba: {  	[tilespmem:s26], [sflag:$0x1] =	stream.indirect.gather [spmem:s2], $0x40, s9, s18, $0xb8;
	[tilespmem:$0x1C800] =	vst v63  }
0xbb: {  	_ =	swait.ge [sflag:s21], $0x2000  }
0xbc: {  	[sflag:s21] =	ssyncset.done $0x0  }
0xbd: {  	[sflag:s21] =	ssyncadd.s32 $0xFFFFE000  }
0xbe: {  	[spmem:s3] =	stream.indirect.scatter.add.f32 [tilespmem:s24], [sflag:$0x2], $0x40, s10, s18, $0xb8;
	[tilespmem:$0x1C800] =	vst v63  }
0xbf: {  	_ =	swait.ge [sflag:s21], $0x2000  }
0xc0: {  	[sflag:s21] =	ssyncset.done $0x0  }
0xc1: {  	[sflag:s21] =	ssyncadd.s32 $0xFFFFE000  }
0xc2: {  	[spmem:s3] =	stream.indirect.scatter.add.f32 [tilespmem:s26], [sflag:$0x2], $0x40, s11, s18, $0xb8;
	[tilespmem:$0x1C800] =	vst v63  }
0xc3: {  	_ =	swait.ge [sflag:s30], $0x2000  }
0xc4: {  	[sflag:s30] =	ssyncset.done $0x0  }
0xc5: {  	[sflag:s30] =	ssyncadd.s32 $0xFFFFE000  }
0xc6: {  	_ =	swait.ge [sflag:s30], $0x2000  }
0xc7: {  	[sflag:s30] =	ssyncset.done $0x0  }
0xc8: {  	[sflag:s30] =	ssyncadd.s32 $0xFFFFE000  }
.Ltmp1:
0xc9: {  	_ =	swait.ge [sflag:s30], $0x2000;
	(pc) =	sbr.rel @p0 .LBB2_4-.Ltmp1, $4  }
0xca: {  	[sflag:s30] =	ssyncset.done $0x0  }
0xcb: {  	[sflag:s30] =	ssyncadd.s32 $0xFFFFE000  }
0xcc: {  	_ =	swait.ge [sflag:s30], $0x2000  }
0xcd: {  	s15 =	smov.u32 s6;
	[sflag:s30] =	ssyncset.done $0x0  }
0xce: {  	s6 =	sadd.s32 s13, s14;
	[sflag:s30] =	ssyncadd.s32 $0xFFFFE000  }
0xcf: {  	[tilespmem:s4], [sflag:$0x3] =	stream.linear.gather [hbm4b:s6+s4], $0x800, $0x38;
	[tilespmem:$0x1C800] =	vst v63  }
0xd0: {  	_ =	swait.ge [sflag:s16], $0x800  }
0xd1: {  	[sflag:s16] =	ssyncset.done $0x0  }
0xd2: {  	[sflag:s16] =	ssyncadd.s32 $0xFFFFF800  }
0xd3: {  	[tilespmem:s17], [sflag:$0x1] =	stream.indirect.gather [spmem:s2], $0x40, s4, s18, $0xb8;
	[tilespmem:$0x1C800] =	vst v63  }
0xd4: {  	_ = 	snop  }
0xd5: {  	[tilespmem:s20], [sflag:$0x1] =	stream.indirect.gather [spmem:s2], $0x40, s19, s18, $0xb8;
	[tilespmem:$0x1C800] =	vst v63  }
0xd6: {  	_ =	swait.ge [sflag:s21], $0x2000  }
0xd7: {  	[sflag:s21] =	ssyncset.done $0x0  }
0xd8: {  	[sflag:s21] =	ssyncadd.s32 $0xFFFFE000  }
0xd9: {  	[spmem:s3] =	stream.indirect.scatter.add.f32 [tilespmem:s17], [sflag:$0x2], $0x40, s18, s18, $0xb8;
	[tilespmem:$0x1C800] =	vst v63  }
0xda: {  	_ =	swait.ge [sflag:s21], $0x2000  }
0xdb: {  	[sflag:s21] =	ssyncset.done $0x0  }
0xdc: {  	[sflag:s21] =	ssyncadd.s32 $0xFFFFE000  }
0xdd: {  	[spmem:s3] =	stream.indirect.scatter.add.f32 [tilespmem:s20], [sflag:$0x2], $0x40, s22, s18, $0xb8;
	[tilespmem:$0x1C800] =	vst v63  }
0xde: {  	_ = 	snop  }
0xdf: {  	[tilespmem:s24], [sflag:$0x1] =	stream.indirect.gather [spmem:s2], $0x40, s23, s18, $0xb8;
	[tilespmem:$0x1C800] =	vst v63  }
0xe0: {  	_ = 	snop  }
0xe1: {  	[tilespmem:s26], [sflag:$0x1] =	stream.indirect.gather [spmem:s2], $0x40, s25, s18, $0xb8;
	[tilespmem:$0x1C800] =	vst v63  }
0xe2: {  	_ =	swait.ge [sflag:s21], $0x2000  }
0xe3: {  	[sflag:s21] =	ssyncset.done $0x0  }
0xe4: {  	[sflag:s21] =	ssyncadd.s32 $0xFFFFE000  }
0xe5: {  	[spmem:s3] =	stream.indirect.scatter.add.f32 [tilespmem:s24], [sflag:$0x2], $0x40, s28, s18, $0xb8;
	[tilespmem:$0x1C800] =	vst v63  }
0xe6: {  	_ =	swait.ge [sflag:s21], $0x2000  }
0xe7: {  	[sflag:s21] =	ssyncset.done $0x0  }
0xe8: {  	[sflag:s21] =	ssyncadd.s32 $0xFFFFE000  }
0xe9: {  	[spmem:s3] =	stream.indirect.scatter.add.f32 [tilespmem:s26], [sflag:$0x2], $0x40, s29, s18, $0xb8;
	[tilespmem:$0x1C800] =	vst v63  }
0xea: {  	_ =	swait.ge [sflag:s30], $0x2000  }
0xeb: {  	[sflag:s30] =	ssyncset.done $0x0  }
0xec: {  	[sflag:s30] =	ssyncadd.s32 $0xFFFFE000  }
0xed: {  	_ =	swait.ge [sflag:s30], $0x2000  }
0xee: {  	[sflag:s30] =	ssyncset.done $0x0  }
0xef: {  	[sflag:s30] =	ssyncadd.s32 $0xFFFFE000  }
0xf0: {  	[tilespmem:s17], [sflag:$0x1] =	stream.indirect.gather [spmem:s2], $0x40, s31, s18, $0xb8;
	[tilespmem:$0x1C800] =	vst v63  }
0xf1: {  	_ = 	snop  }
0xf2: {  	[tilespmem:s20], [sflag:$0x1] =	stream.indirect.gather [spmem:s2], $0x40, s1, s18, $0xb8;
	[tilespmem:$0x1C800] =	vst v63  }
0xf3: {  	_ =	swait.ge [sflag:s21], $0x2000  }
0xf4: {  	[sflag:s21] =	ssyncset.done $0x0  }
0xf5: {  	[sflag:s21] =	ssyncadd.s32 $0xFFFFE000  }
0xf6: {  	[spmem:s3] =	stream.indirect.scatter.add.f32 [tilespmem:s17], [sflag:$0x2], $0x40, s0, s18, $0xb8;
	[tilespmem:$0x1C800] =	vst v63  }
0xf7: {  	_ =	swait.ge [sflag:s21], $0x2000  }
0xf8: {  	[sflag:s21] =	ssyncset.done $0x0  }
0xf9: {  	[sflag:s21] =	ssyncadd.s32 $0xFFFFE000  }
0xfa: {  	[spmem:s3] =	stream.indirect.scatter.add.f32 [tilespmem:s20], [sflag:$0x2], $0x40, s5, s18, $0xb8;
	[tilespmem:$0x1C800] =	vst v63  }
0xfb: {  	_ =	swait.ge [sflag:s30], $0x2000  }
0xfc: {  	[sflag:s30] =	ssyncset.done $0x0  }
0xfd: {  	[sflag:s30] =	ssyncadd.s32 $0xFFFFE000  }
0xfe: {  	_ =	swait.ge [sflag:s30], $0x2000  }
0xff: {  	[sflag:s30] =	ssyncset.done $0x0  }
0x100: {  	[sflag:s30] =	ssyncadd.s32 $0xFFFFE000  }
0x101: {  	[tilespmem:s24], [sflag:$0x1] =	stream.indirect.gather [spmem:s2], $0x40, s8, s18, $0xb8;
	[tilespmem:$0x1C800] =	vst v63  }
0x102: {  	_ = 	snop  }
0x103: {  	[tilespmem:s26], [sflag:$0x1] =	stream.indirect.gather [spmem:s2], $0x40, s9, s18, $0xb8;
	[tilespmem:$0x1C800] =	vst v63  }
0x104: {  	_ =	swait.ge [sflag:s21], $0x2000  }
0x105: {  	[sflag:s21] =	ssyncset.done $0x0  }
0x106: {  	[sflag:s21] =	ssyncadd.s32 $0xFFFFE000  }
0x107: {  	[spmem:s3] =	stream.indirect.scatter.add.f32 [tilespmem:s24], [sflag:$0x2], $0x40, s10, s18, $0xb8;
	[tilespmem:$0x1C800] =	vst v63  }
0x108: {  	_ =	swait.ge [sflag:s21], $0x2000  }
0x109: {  	[sflag:s21] =	ssyncset.done $0x0  }
0x10a: {  	[sflag:s21] =	ssyncadd.s32 $0xFFFFE000  }
0x10b: {  	[spmem:s3] =	stream.indirect.scatter.add.f32 [tilespmem:s26], [sflag:$0x2], $0x40, s11, s18, $0xb8;
	[tilespmem:$0x1C800] =	vst v63  }
0x10c: {  	_ =	swait.ge [sflag:s30], $0x2000  }
0x10d: {  	[sflag:s30] =	ssyncset.done $0x0  }
0x10e: {  	[sflag:s30] =	ssyncadd.s32 $0xFFFFE000  }
0x10f: {  	_ =	swait.ge [sflag:s30], $0x2000  }
0x110: {  	[sflag:s30] =	ssyncset.done $0x0  }
0x111: {  	[sflag:s30] =	ssyncadd.s32 $0xFFFFE000  }
0x112: {  	_ =	swait.ge [sflag:s30], $0x2000  }
0x113: {  	[sflag:s30] =	ssyncset.done $0x0  }
0x114: {  	[sflag:s30] =	ssyncadd.s32 $0xFFFFE000  }
0x115: {  	_ =	swait.ge [sflag:s30], $0x2000  }
0x116: {  	[sflag:s30] =	ssyncset.done $0x0  }
0x117: {  	[sflag:s30] =	ssyncadd.s32 $0xFFFFE000  }
0x118: {  	[bflag:$0x0] =	sbarrier.arrive $0xFFFF  }
0x119: {  	s13 =	rddreg [dreg:$0x6]  }
0x11a: {  	s7 =	rddreg [dreg:$0x5]  }
0x11b: {  	s15 =	rddreg [dreg:$0xb];
	s6 =	sshrl.u32 s13, $0x3  }
0x11c: {  	[hbm:s15], [sflag:s7] =	dma.local [spmem:s6], $0x1400  }
0x11d: {  	_ =	swait.ge [sflag:s16], $0x1400  }
0x11e: {  	s12 =	sadd.s32 $0x1, s12;
	s15 =	rddreg [dreg:$0xc]  }
0x11f: {  	p0 =	sne.s32 s12, s15  }
.Ltmp2:
0x120: {  	_ = 	snop;
	(pc) =	sbr.rel @p0 .LBB2_1-.Ltmp2, $3  }
0x121: {  	_ =	sdelay $0x1  }
0x122: {  	[sflag:s16] =	ssyncset.done $0x0  }
0x123: {  	[sflag:s16] =	ssyncadd.s32 $0xFFFFEC00  }
0x124: {  	_ =	sfence.sel $0x180000  }
0x125: {  	[bflag:$0x0] =	sbarrier.arrive $0xFFFF  }
0x126: {  	_ =	strace $0x9000004A  }
0x127: {  	s0 =	stileid.u32;
	[bflag:$0x2] =	sbarrier.arrive $0xFFFF  }
0x128: {  	p0 =	sne.s32 s0, $0x0;
	s0 =	rddreg [dreg:$0x3]  }
0x129: {  	s0 =	sadd.s32 @!p0 $0x100000, s0  }
0x12a: {  	[sflag:s0] =	ssyncadd.tile.s32 @!p0 $0x1;
	_ =	shalt  }
.Lfunc_end2:
_tile_overlayer_lowered:
.L_overlay_start_2:
0x12b: {  	(tag) =	ssettag $0x2  }
0x12c: {  	s0 =	rddreg [dreg:$0x0];
	s2 =	stileid.u32  }
0x12d: {  	s1 =	rddreg [dreg:$0x1];
	p0 =	sne.s32 s2, $0x0  }
0x12e: {  	s3 =	rddreg [dreg:$0x2];
	[bflag:$0x3] =	sbarrier.arrive $0xFFFF;
	s2 =	simm.s32 @!p0 $0x1C03  }
0x12f: {  	[timem:s3], [sflag:s2] =	dma.local @!p0 [hbm:s0], s1  }
0x130: {  	s0 =	simm.s32 @!p0 $0x3  }
0x131: {  	_ =	swait.ge @!p0 [sflag:s0], s1  }
0x132: {  	s1 =	ssub.s32 @!p0 $0x0, s1;
	[sflag:s0] =	ssyncset.done @!p0 $0x0  }
0x133: {  	[sflag:s0] =	ssyncadd.s32 @!p0 s1  }
0x134: {  	[bflag:$0x3] =	sbarrier.arrive $0xFFFF  }
0x135: {  	_ =	shalt  }

// kernel: kernel.14.cloned.1.call-start
scs
__scs_entry_jumppad:
0x0: {  	(pc) =	sbr.rel $0x88, $3  }
0x1: {  	(tag) =	ssettag $0x0;
	lr =	simm.s32 $0x1  }
0x2: {  	[smem:$0x3F9B] =	sst lr;
	_ =	strace $0xD0000000  }
0x3: {  	_ = 	snop  }
0x4: {  	_ = 	snop  }
0x5: {  	_ = 	snop  }
0x6: {  	_ = 	snop  }
0x7: {  	_ = 	snop  }
__scs_overlays_trampoline_lowered:
0x8: {  	[smem:$0x3FAA] =	sst s0  }
0x9: {  	[smem:$0x3FAB] =	sst s1  }
0xa: {  	[smem:$0x3FAC] =	sst s2  }
0xb: {  	[smem:$0x3FAD] =	sst s3  }
0xc: {  	[smem:$0x3FAE] =	sst s4  }
0xd: {  	[smem:$0x3FAF] =	sst s5  }
0xe: {  	[smem:$0x3FB0] =	sst s6  }
0xf: {  	[smem:$0x3FB1] =	sst s7  }
0x10: {  	[smem:$0x3FB2] =	sst s8  }
0x11: {  	[smem:$0x3FB3] =	sst s9;
	s0 =	simm.s32 @!p0 $0x0  }
0x12: {  	s1 =	sld [smem:$0x3F99];
	s0 =	simm.s32 @p0 $0x1  }
0x13: {  	[smem:$0x3FB4] =	sst s0;
	s0 =	simm.s32 @!p1 $0x0  }
0x14: {  	s2 =	sld [smem:$0x3F98];
	s0 =	simm.s32 @p1 $0x1  }
0x15: {  	[smem:$0x3FB5] =	sst s0;
	s0 =	simm.s32 @!p2 $0x0  }
0x16: {  	s3 =	sld [smem:$0x3FDB];
	s0 =	simm.s32 @p2 $0x1  }
0x17: {  	s4 =	simm.s32 $0x1BF5;
	[smem:$0x3FB7] =	sst s0  }
0x18: {  	s0 =	sld [smem:$0x3F9A];
	_ =	swait.ge [sflag:s4], $0x0  }
0x19: {  	s7 =	sld [smem:$0x3F9B]  }
0x1a: {  	s8 =	sadd.s32 $0xFFFFE003, lr  }
0x1b: {  	s9 =	sadd.s32 $0xFFFFFEF7, lr;
	s5 =	simm.s32 $0xFFFFFFFF;
	p2 =	slt.u32 s8, $0xFFFFF086  }
0x1c: {  	p1 =	slt.u32 s9, $0xF7A;
	s5 =	simm.s32 @!p2 $0x0  }
0x1d: {  	s5 =	simm.s32 @p1 $0x1;
	p0 =	seq.s32 s7, s2  }
0x1e: {  	s7 =	smul.u32 @!p0 $0xF7A, s2;
	p2 =	seq.s32 @!p0 s5, $0x0  }
0x1f: {  	s9 =	smul.u32 $0xF7A, s1;
	s8 =	simm.s32 @!p0 $0x1BF5;
	p2 =	por !p2, p0  }
0x20: {  	[sflag:s8] =	ssyncset.s32 @!p0 $0xFFFFF086;
	s6 =	sadd.s32 @!p0 s3, s7;
	s7 =	simm.s32 @!p0 $0x108  }
0x21: {  	s3 =	sadd.s32 s3, s9;
	s6 =	sadd.s32 @!p0 $0x88, s6;
	s7 =	simm.s32 @p2 $0x1082  }
0x22: {  	[simem:s7], [sflag:s8] =	dma.local @!p0 [hbm:s6], $0xF7A  }
0x23: {  	s9 =	sor.u32 $0xD0000000, s2;
	s6 =	simm.s32 $0x108;
	_ =	swait.ge @!p0 [sflag:s8], $0x0  }
0x24: {  	s3 =	sadd.s32 $0x88, s3;
	s6 =	simm.s32 @!p1 $0x1082;
	[sflag:s4] =	ssyncset.s32 $0xFFFFF086  }
0x25: {  	[simem:s6], [sflag:s4] =	dma.local [hbm:s3], $0xF7A  }
0x26: {  	[smem:$0x3F9B] =	sst s1;
	(tag) =	ssettag s2;
	_ =	strace s9  }
0x27: {  	s1 =	sld [smem:$0x3FAB]  }
0x28: {  	s2 =	sld [smem:$0x3FAC]  }
0x29: {  	s4 =	sld [smem:$0x3FAE]  }
0x2a: {  	p0 =	seq.s32 s5, $0x0;
	s5 =	sld [smem:$0x3FAF]  }
0x2b: {  	s6 =	sld [smem:$0x3FB0]  }
0x2c: {  	s7 =	sld [smem:$0x3FB1]  }
0x2d: {  	s3 =	simm.s32 $0x108;
	s8 =	sld [smem:$0x3FB2]  }
0x2e: {  	s3 =	simm.s32 @!p0 $0x1082;
	s9 =	sld [smem:$0x3FB3]  }
0x2f: {  	lr =	sadd.s32 s0, s3;
	s0 =	sld [smem:$0x3FAA]  }
0x30: {  	s3 =	sld [smem:$0x3FAD]  }
0x31: {  	[smem:$0x3FB6] =	sst s10  }
0x32: {  	s10 =	sld [smem:$0x3FB4];
	_ =	sdelay $0x3  }
0x33: {  	p0 =	seq.s32 s10, $0x1;
	s10 =	sld [smem:$0x3FB6];
	_ =	sdelay $0x3  }
0x34: {  	[smem:$0x3FB6] =	sst s10  }
0x35: {  	s10 =	sld [smem:$0x3FB5];
	_ =	sdelay $0x3  }
0x36: {  	p1 =	seq.s32 s10, $0x1;
	s10 =	sld [smem:$0x3FB6];
	_ =	sdelay $0x3  }
0x37: {  	[smem:$0x3FB6] =	sst s10  }
0x38: {  	s10 =	sld [smem:$0x3FB7]  }
0x39: {  	_ = 	snop;
	(pc) =	sbr.ind lr, $3  }
0x3a: {  	_ = 	snop  }
0x3b: {  	_ = 	snop  }
0x3c: {  	p2 =	seq.s32 s10, $0x1;
	s10 =	sld [smem:$0x3FB6]  }
0x3d: {  	_ =	shalt  }
0x3e: {  	_ =	shalt  }
0x3f: {  	_ =	shalt  }
0x40: {  	_ =	shalt  }
0x41: {  	_ =	shalt  }
0x42: {  	_ =	shalt  }
0x43: {  	_ =	shalt  }
0x44: {  	_ =	shalt  }
0x45: {  	_ =	shalt  }
0x46: {  	_ =	shalt  }
0x47: {  	_ =	shalt  }
0x48: {  	_ =	shalt  }
0x49: {  	_ =	shalt  }
0x4a: {  	_ =	shalt  }
0x4b: {  	_ =	shalt  }
0x4c: {  	_ =	shalt  }
0x4d: {  	_ =	shalt  }
0x4e: {  	_ =	shalt  }
0x4f: {  	_ =	shalt  }
0x50: {  	_ =	shalt  }
0x51: {  	_ =	shalt  }
0x52: {  	_ =	shalt  }
0x53: {  	_ =	shalt  }
0x54: {  	_ =	shalt  }
0x55: {  	_ =	shalt  }
0x56: {  	_ =	shalt  }
0x57: {  	_ =	shalt  }
0x58: {  	_ =	shalt  }
0x59: {  	_ =	shalt  }
0x5a: {  	_ =	shalt  }
0x5b: {  	_ =	shalt  }
0x5c: {  	_ =	shalt  }
0x5d: {  	_ =	shalt  }
0x5e: {  	_ =	shalt  }
0x5f: {  	_ =	shalt  }
0x60: {  	_ =	shalt  }
0x61: {  	_ =	shalt  }
0x62: {  	_ =	shalt  }
0x63: {  	_ =	shalt  }
0x64: {  	_ =	shalt  }
0x65: {  	_ =	shalt  }
0x66: {  	_ =	shalt  }
0x67: {  	_ =	shalt  }
0x68: {  	_ =	shalt  }
0x69: {  	_ =	shalt  }
0x6a: {  	_ =	shalt  }
0x6b: {  	_ =	shalt  }
0x6c: {  	_ =	shalt  }
0x6d: {  	_ =	shalt  }
0x6e: {  	_ =	shalt  }
0x6f: {  	_ =	shalt  }
0x70: {  	_ =	shalt  }
0x71: {  	_ =	shalt  }
0x72: {  	_ =	shalt  }
0x73: {  	_ =	shalt  }
0x74: {  	_ =	shalt  }
0x75: {  	_ =	shalt  }
0x76: {  	_ =	shalt  }
0x77: {  	_ =	shalt  }
0x78: {  	_ =	shalt  }
0x79: {  	_ =	shalt  }
0x7a: {  	_ =	shalt  }
0x7b: {  	_ =	shalt  }
0x7c: {  	_ =	shalt  }
0x7d: {  	_ =	shalt  }
0x7e: {  	_ =	shalt  }
0x7f: {  	_ =	shalt  }
0x80: {  	_ =	shalt  }
0x81: {  	_ =	shalt  }
0x82: {  	_ =	shalt  }
0x83: {  	_ =	shalt  }
0x84: {  	_ =	shalt  }
0x85: {  	_ =	shalt  }
0x86: {  	_ =	shalt  }
0x87: {  	_ =	shalt  }
.Lfunc_end0:
.L_simem_size_0:
called_computation.2_lowered:
.L_overlay_start_0:
0x88: {  	s2 =	sld [smem:$0x3FD9]  }
0x89: {  	s3 =	sld [smem:$0x3FFE];
	_ =	sdelay $0x1  }
0x8a: {  	s1 =	srdreg.scid  }
0x8b: {  	s0 =	sand.u32 $0x1, s1  }
0x8c: {  	s16 =	sshll.u32 s0, $0xA;
	s2 =	sadd.s32 s3, s2  }
0x8d: {  	s2 =	sadd.s32 s2, s16  }
0x8e: {  	[smem:$0x3FC2] =	sst s2  }
0x8f: {  	_ = 	snop  }
0x90: {  	(tm) =	ssettm $0x1  }
0x91: {  	s17 =	sld [smem:$0x3FFB];
	_ =	sdelay $0x3  }
0x92: {  	_ =	strace s17  }
0x93: {  	s2 =	sld [smem:$0x3FFC];
	_ =	sdelay $0x3  }
0x94: {  	_ =	strace s2  }
0x95: {  	s2 =	sld [smem:$0x3FFD];
	_ =	sdelay $0x3  }
0x96: {  	_ =	strace s2  }
0x97: {  	_ =	strace $0x8FFFFFFF  }
0x98: {  	s18 =	sld [smem:$0x3FDB];
	_ =	sdelay $0x1  }
0x99: {  	s19 =	simm.s32 $_scs_section_size  }
0x9a: {  	s4 =	simm.s32 $_size__tile_overlayer_lowered;
	s5 =	simm.s32 $_tile_overlayer_lowered  }
0x9b: {  	s22 =	simm.s32 $0x1BFF;
	s21 =	sshll.u32 s5, $0x1;
	s2 =	sadd.s32 s19, s18  }
0x9c: {  	s6 =	simm.s32 $0x0;
	s20 =	sshll.u32 s4, $0x1;
	s4 =	sadd.s32 s21, s2  }
0x9d: {  	[timem:s6], [sflag:s22] =	dma.local [hbm:s4], s20  }
0x9e: {  	_ =	swait.ge [sflag:s22], s20  }
0x9f: {  	s3 =	ssub.s32 $0x0, s20;
	[sflag:s22] =	ssyncset.done $0x0  }
0xa0: {  	[sflag:s22] =	ssyncadd.s32 s3;
	_ =	sdelay $0x1  }
0xa1: {  	s23 =	simm.s32 $0x1B8B  }
0xa2: {  	_ =	swait.ge [sflag:s23], $0x1  }
0xa3: {  	[sflag:s23] =	ssyncset.done $0x0  }
0xa4: {  	s25 =	simm.s32 $0x1B8E;
	s24 =	sld [smem:$0x3FFE];
	[sflag:s23] =	ssyncadd.s32 $0xFFFFFFFF  }
0xa5: {  	s26 =	simm.s32 $execute0_lowered;
	[smem:$0x3FD2] =	sst s25  }
0xa6: {  	s4 =	sshll.u32 s26, $0x1;
	_ =	strace $0x8000004C;
	[dreg:$0x1] =	wrdreg $0xFFFFFFFF  }
0xa7: {  	s28 =	simm.s32 $_size_execute0_lowered;
	s2 =	sadd.s32 s2, s4;
	[dreg:$0x0] =	wrdreg $0x0  }
0xa8: {  	s4 =	sshll.u32 s28, $0x1;
	[dreg:$0x2] =	wrdreg s2  }
0xa9: {  	[dreg:$0x3] =	wrdreg s4  }
0xaa: {  	[dreg:$0x4] =	wrdreg $0xC0  }
0xab: {  	_ =	task [dreg:s6], $0x5FFFF  }
0xac: {  	[dreg:$0x1] =	wrdreg $0xFFFFFFFF  }
0xad: {  	[dreg:$0x0] =	wrdreg $0x60  }
0xae: {  	[dreg:$0x2] =	wrdreg s24  }
0xaf: {  	[dreg:$0x3] =	wrdreg $0x128000  }
0xb0: {  	[dreg:$0x4] =	wrdreg $0x88000  }
0xb1: {  	[dreg:$0x5] =	wrdreg $0x9  }
0xb2: {  	_ =	task.clear_ibuf [dreg:s6], $0x6FFFF;
	_ =	strace $0x9000004C  }
0xb3: {  	s29 =	simm.s32 $0x9;
	_ =	strace $0x8000004E  }
0xb4: {  	_ =	swait.ge [sflag:s29], $0x1  }
0xb5: {  	[sflag:s29] =	ssyncadd.s32 $0xFFFFFFFF  }
0xb6: {  	_ =	strace $0x9000004E  }
0xb7: {  	_ =	sfence  }
0xb8: {  	s30 =	sld [smem:$0x0];
	_ =	sdelay $0x2  }
0xb9: {  	s31 =	sshll.u32 s1, $0xD;
	s1 =	sshrl.u32 s1, $0x2  }
0xba: {  	s3 =	sand.u32 $0x4000, s31;
	s1 =	sadd.s32 s1, s30  }
0xbb: {  	s0 =	sor.u32 s3, s0;
	s1 =	sshll.u32 s1, $0x11  }
0xbc: {  	s0 =	sor.u32 s1, s0  }
0xbd: {  	s0 =	sadd.s32 $0x8F2B, s0  }
0xbe: {  	[sflag:s0] =	ssyncadd.remote.s32 $0x1  }
0xbf: {  	_ =	sfence.sel $0xFFFF  }
0xc0: {  	[dreg:$0x0] =	wrdreg $0xFFFFFFFF;
	(pc) =	sbr.abs _section_cstart, $3  }
0xc1: {  	[dreg:$0x1] =	wrdreg $0xFFFFFFFF  }
0xc2: {  	_ =	task.clear_ibuf [dreg:s6], $0x2FFFF;
	_ =	strace $0x9FFFFFFF  }
0xc3: {  	(tm) =	ssettm $0x7FFFFFFF  }
tec
execute0_lowered:
.L_overlay_start_1:
0x0: {  	(tag) =	ssettag $0x1  }
0x1: {  	s0 =	rddreg [dreg:$0x0]  }
0x2: {  	s2 =	rddreg [dreg:$0x1];
	s11 =	stileid.u32  }
0x3: {  	s1 =	srdreg.scid;
	s3 =	rddreg [dreg:$0x2];
	s4 =	simm.s32 $0x0  }
0x4: {  	s16 =	simm.s32 $0x3;
	s17 =	simm.s32 $0x800;
	s28 =	simm.s32 $0x280  }
0x5: {  	s29 =	simm.s32 $0x380;
	s30 =	simm.s32 $0x2;
	s5 =	smul.u32 $0xA000, s11  }
0x6: {  	s31 =	simm.s32 $0x400;
	s1 =	sand.u32 $0x1, s1;
	s9 =	smul.u32 $0x28000, s11  }
0x7: {  	s12 =	simm.s32 $0x0;
	[smem:$0x7FF] =	sst s4;
	s6 =	smul.u32 $0x5000, s1  }
0x8: {  	s20 =	sshll.u32 s11, $0x6;
	s11 =	simm.s32 $0x780;
	s7 =	smul.u32 $0xA0000, s1  }
0x9: {  	_ =	strace $0x8000004D;
	s1 =	ssub.s32 $0x2, s1;
	s8 =	sshrl.u32 s5, $0x3  }
0xa: {  	s18 =	sshrl.u32 s1, $0x1;
	s10 =	sadd.s32 s5, s2;
	s19 =	sshrl.u32 s9, $0x2  }
0xb: {  	s6 =	sadd.s32 s6, s5;
	s8 =	sadd.s32 s8, s0;
	s7 =	sadd.s32 s5, s7  }
0xc: {  	s1 =	ssub.s32 s1, s18;
	s9 =	sadd.s32 s19, s3;
	s5 =	sadd.s32 s5, s3  }
0xd: {  	s26 =	sshrl.u32 s10, $0x3;
	s18 =	simm.s32 $0x80;
	s19 =	simm.s32 $0x100  }
0xe: {  	s10 =	simm.s32 $0x680;
	s6 =	sshrl.u32 s6, $0x3;
	[dreg:$0x6] =	wrdreg s5  }
0xf: {  	s7 =	sshrl.u32 s7, $0x3;
	s8 =	sadd.s32 $0x1A00, s8;
	[dreg:$0xd] =	wrdreg s26  }
0x10: {  	s21 =	sadd.s32 $0x2000, s9;
	s22 =	sadd.s32 $0x4000, s9;
	[dreg:$0x4] =	wrdreg s8  }
0x11: {  	s23 =	sadd.s32 $0x6000, s9;
	s24 =	sadd.s32 $0x8000, s9;
	[dreg:$0x7] =	wrdreg s21  }
0x12: {  	s25 =	smax.u32 s1, $0x1;
	s26 =	simm.s32 $0x6800;
	[dreg:$0x8] =	wrdreg s22  }
0x13: {  	s1 =	simm.s32 $0x500;
	s5 =	simm.s32 $0x580;
	[dreg:$0x9] =	wrdreg s23  }
0x14: {  	s9 =	simm.s32 $0x700;
	s6 =	sadd.s32 s6, s0;
	[dreg:$0xa] =	wrdreg s24  }
0x15: {  	s0 =	sadd.s32 s7, s0;
	s7 =	sor.u32 $0x1C03, s20;
	[dreg:$0xc] =	wrdreg s25  }
0x16: {  	s20 =	simm.s32 $0x2800;
	s21 =	simm.s32 $0x1;
	s22 =	simm.s32 $0x180  }
0x17: {  	s23 =	simm.s32 $0x200;
	s24 =	simm.s32 $0x4800;
	s25 =	simm.s32 $0x300  }
0x18: {  	s8 =	simm.s32 $0x600;
	s0 =	sadd.s32 $0x15A00, s0;
	[dreg:$0x5] =	wrdreg s7  }
0x19: {  	v0 =	vimm.f32 $0.0e+00;
	s14 =	sadd.s32 $0x51A00, s6;
	[dreg:$0xb] =	wrdreg s0;
	s0 =	simm.s32 $0x480  }
.LBB2_1:
0x1a: {  	s6 =	rddreg [dreg:$0x4]  }
0x1b: {  	s13 =	rddreg [dreg:$0xd]  }
0x1c: {  	[spmem:s13], [sflag:s7] =	dma.local [hbm:s6], $0x1400  }
0x1d: {  	s15 =	sand.u32 $0x30, s4;
	s13 =	sand.u32 $0x7F00, s4;
	_ =	swait.ge [sflag:s16], $0x1400  }
0x1e: {  	s6 =	sshrl.u32 s13, $0x2;
	s13 =	simm.s32 $0x40;
	[sflag:s16] =	ssyncset.done $0x0  }
0x1f: {  	s6 =	sor.u32 s15, s6;
	s15 =	simm.s32 $0x0;
	[sflag:s16] =	ssyncadd.s32 $0xFFFFEC00  }
.LBB2_2:
0x20: {  	p0 =	sne.s32 s13, $0x7FC0  }
0x21: {  	[tilespmem:s6+$0x800] =	vst v0;
	s15 =	sadd.s32 $0x10, s15;
	s6 =	smov.u32 s13;
	s13 =	sadd.s32 $0x40, s13  }
.Ltmp0:
0x22: {  	(pc) =	sbr.rel @p0 .LBB2_2-.Ltmp0, $4  }
0x23: {  	_ = 	snop  }
0x24: {  	s6 =	sand.u32 $0x7F00, s6  }
0x25: {  	s7 =	sand.u32 $0x30, s15;
	s6 =	sshrl.u32 s6, $0x2  }
0x26: {  	s6 =	sor.u32 s7, s6  }
0x27: {  	[tilespmem:s6+$0x800] =	vst v0;
	s7 =	rddreg [dreg:$0x6]  }
0x28: {  	[spmem:s7] =	stream.linear.scatter [tilespmem:s17], [sflag:$0x3], $0x2000, $0x38;
	[tilespmem:$0x1C800] =	vst v63  }
0x29: {  	_ =	swait.ge [sflag:s16], $0x2000  }
0x2a: {  	[sflag:s16] =	ssyncset.done $0x0  }
0x2b: {  	s13 =	rddreg [dreg:$0x7];
	[sflag:s16] =	ssyncadd.s32 $0xFFFFE000  }
0x2c: {  	[spmem:s13] =	stream.linear.scatter [tilespmem:s17], [sflag:$0x3], $0x2000, $0x38;
	[tilespmem:$0x1C800] =	vst v63  }
0x2d: {  	_ =	swait.ge [sflag:s16], $0x2000  }
0x2e: {  	[sflag:s16] =	ssyncset.done $0x0  }
0x2f: {  	s15 =	rddreg [dreg:$0x8];
	[sflag:s16] =	ssyncadd.s32 $0xFFFFE000  }
0x30: {  	[spmem:s15] =	stream.linear.scatter [tilespmem:s17], [sflag:$0x3], $0x2000, $0x38;
	[tilespmem:$0x1C800] =	vst v63  }
0x31: {  	_ =	swait.ge [sflag:s16], $0x2000  }
0x32: {  	[sflag:s16] =	ssyncset.done $0x0  }
0x33: {  	s7 =	rddreg [dreg:$0x9];
	[sflag:s16] =	ssyncadd.s32 $0xFFFFE000  }
0x34: {  	[spmem:s7] =	stream.linear.scatter [tilespmem:s17], [sflag:$0x3], $0x2000, $0x38;
	[tilespmem:$0x1C800] =	vst v63  }
0x35: {  	_ =	swait.ge [sflag:s16], $0x2000  }
0x36: {  	[sflag:s16] =	ssyncset.done $0x0  }
0x37: {  	s13 =	rddreg [dreg:$0xa];
	[sflag:s16] =	ssyncadd.s32 $0xFFFFE000  }
0x38: {  	[spmem:s13] =	stream.linear.scatter [tilespmem:s17], [sflag:$0x3], $0x2000, $0x38;
	[tilespmem:$0x1C800] =	vst v63  }
0x39: {  	_ =	swait.ge [sflag:s16], $0x2000  }
0x3a: {  	[sflag:s16] =	ssyncset.done $0x0  }
0x3b: {  	[sflag:s16] =	ssyncadd.s32 $0xFFFFE000  }
0x3c: {  	s15 =	sadd.s32 $0x0, s14;
	[bflag:$0x0] =	sbarrier.arrive $0xFFFF  }
0x3d: {  	[tilespmem:s4], [sflag:$0x3] =	stream.linear.gather [hbm4b:s15+s4], $0x800, $0x38;
	[tilespmem:$0x1C800] =	vst v63  }
0x3e: {  	_ =	swait.ge [sflag:s16], $0x800  }
0x3f: {  	[sflag:s16] =	ssyncset.done $0x0  }
0x40: {  	[sflag:s16] =	ssyncadd.s32 $0xFFFFF800  }
0x41: {  	[tilespmem:s17], [sflag:$0x1] =	stream.indirect.gather [spmem:s2], $0x40, s4, s18, $0xb8;
	[tilespmem:$0x1C800] =	vst v63  }
0x42: {  	_ = 	snop  }
0x43: {  	[tilespmem:s20], [sflag:$0x1] =	stream.indirect.gather [spmem:s2], $0x40, s19, s18, $0xb8;
	[tilespmem:$0x1C800] =	vst v63  }
0x44: {  	_ =	swait.ge [sflag:s21], $0x2000  }
0x45: {  	[sflag:s21] =	ssyncset.done $0x0  }
0x46: {  	[sflag:s21] =	ssyncadd.s32 $0xFFFFE000  }
0x47: {  	[spmem:s3] =	stream.indirect.scatter.add.f32 [tilespmem:s17], [sflag:$0x2], $0x40, s18, s18, $0xb8;
	[tilespmem:$0x1C800] =	vst v63  }
0x48: {  	_ =	swait.ge [sflag:s21], $0x2000  }
0x49: {  	[sflag:s21] =	ssyncset.done $0x0  }
0x4a: {  	[sflag:s21] =	ssyncadd.s32 $0xFFFFE000  }
0x4b: {  	[spmem:s3] =	stream.indirect.scatter.add.f32 [tilespmem:s20], [sflag:$0x2], $0x40, s22, s18, $0xb8;
	[tilespmem:$0x1C800] =	vst v63  }
0x4c: {  	_ = 	snop  }
0x4d: {  	[tilespmem:s24], [sflag:$0x1] =	stream.indirect.gather [spmem:s2], $0x40, s23, s18, $0xb8;
	[tilespmem:$0x1C800] =	vst v63  }
0x4e: {  	_ = 	snop  }
0x4f: {  	[tilespmem:s26], [sflag:$0x1] =	stream.indirect.gather [spmem:s2], $0x40, s25, s18, $0xb8;
	[tilespmem:$0x1C800] =	vst v63  }
0x50: {  	_ =	swait.ge [sflag:s21], $0x2000  }
0x51: {  	[sflag:s21] =	ssyncset.done $0x0  }
0x52: {  	[sflag:s21] =	ssyncadd.s32 $0xFFFFE000  }
0x53: {  	[spmem:s3] =	stream.indirect.scatter.add.f32 [tilespmem:s24], [sflag:$0x2], $0x40, s28, s18, $0xb8;
	[tilespmem:$0x1C800] =	vst v63  }
0x54: {  	_ =	swait.ge [sflag:s21], $0x2000  }
0x55: {  	[sflag:s21] =	ssyncset.done $0x0  }
0x56: {  	[sflag:s21] =	ssyncadd.s32 $0xFFFFE000  }
0x57: {  	[spmem:s3] =	stream.indirect.scatter.add.f32 [tilespmem:s26], [sflag:$0x2], $0x40, s29, s18, $0xb8;
	[tilespmem:$0x1C800] =	vst v63  }
0x58: {  	_ =	swait.ge [sflag:s30], $0x2000  }
0x59: {  	[sflag:s30] =	ssyncset.done $0x0  }
0x5a: {  	[sflag:s30] =	ssyncadd.s32 $0xFFFFE000  }
0x5b: {  	_ =	swait.ge [sflag:s30], $0x2000  }
0x5c: {  	[sflag:s30] =	ssyncset.done $0x0  }
0x5d: {  	[sflag:s30] =	ssyncadd.s32 $0xFFFFE000  }
0x5e: {  	[tilespmem:s17], [sflag:$0x1] =	stream.indirect.gather [spmem:s2], $0x40, s31, s18, $0xb8;
	[tilespmem:$0x1C800] =	vst v63  }
0x5f: {  	_ = 	snop  }
0x60: {  	[tilespmem:s20], [sflag:$0x1] =	stream.indirect.gather [spmem:s2], $0x40, s1, s18, $0xb8;
	[tilespmem:$0x1C800] =	vst v63  }
0x61: {  	_ =	swait.ge [sflag:s21], $0x2000  }
0x62: {  	[sflag:s21] =	ssyncset.done $0x0  }
0x63: {  	[sflag:s21] =	ssyncadd.s32 $0xFFFFE000  }
0x64: {  	[spmem:s3] =	stream.indirect.scatter.add.f32 [tilespmem:s17], [sflag:$0x2], $0x40, s0, s18, $0xb8;
	[tilespmem:$0x1C800] =	vst v63  }
0x65: {  	_ =	swait.ge [sflag:s21], $0x2000  }
0x66: {  	[sflag:s21] =	ssyncset.done $0x0  }
0x67: {  	[sflag:s21] =	ssyncadd.s32 $0xFFFFE000  }
0x68: {  	[spmem:s3] =	stream.indirect.scatter.add.f32 [tilespmem:s20], [sflag:$0x2], $0x40, s5, s18, $0xb8;
	[tilespmem:$0x1C800] =	vst v63  }
0x69: {  	_ =	swait.ge [sflag:s30], $0x2000  }
0x6a: {  	[sflag:s30] =	ssyncset.done $0x0  }
0x6b: {  	[sflag:s30] =	ssyncadd.s32 $0xFFFFE000  }
0x6c: {  	_ =	swait.ge [sflag:s30], $0x2000  }
0x6d: {  	[sflag:s30] =	ssyncset.done $0x0  }
0x6e: {  	[sflag:s30] =	ssyncadd.s32 $0xFFFFE000  }
0x6f: {  	[tilespmem:s24], [sflag:$0x1] =	stream.indirect.gather [spmem:s2], $0x40, s8, s18, $0xb8;
	[tilespmem:$0x1C800] =	vst v63  }
0x70: {  	_ = 	snop  }
0x71: {  	[tilespmem:s26], [sflag:$0x1] =	stream.indirect.gather [spmem:s2], $0x40, s9, s18, $0xb8;
	[tilespmem:$0x1C800] =	vst v63  }
0x72: {  	_ =	swait.ge [sflag:s21], $0x2000  }
0x73: {  	[sflag:s21] =	ssyncset.done $0x0  }
0x74: {  	[sflag:s21] =	ssyncadd.s32 $0xFFFFE000  }
0x75: {  	[spmem:s3] =	stream.indirect.scatter.add.f32 [tilespmem:s24], [sflag:$0x2], $0x40, s10, s18, $0xb8;
	[tilespmem:$0x1C800] =	vst v63  }
0x76: {  	_ =	swait.ge [sflag:s21], $0x2000  }
0x77: {  	[sflag:s21] =	ssyncset.done $0x0  }
0x78: {  	[sflag:s21] =	ssyncadd.s32 $0xFFFFE000  }
0x79: {  	[spmem:s3] =	stream.indirect.scatter.add.f32 [tilespmem:s26], [sflag:$0x2], $0x40, s11, s18, $0xb8;
	[tilespmem:$0x1C800] =	vst v63  }
0x7a: {  	_ =	swait.ge [sflag:s30], $0x2000  }
0x7b: {  	[sflag:s30] =	ssyncset.done $0x0  }
0x7c: {  	[sflag:s30] =	ssyncadd.s32 $0xFFFFE000  }
0x7d: {  	_ =	swait.ge [sflag:s30], $0x2000  }
0x7e: {  	[sflag:s30] =	ssyncset.done $0x0  }
0x7f: {  	[sflag:s30] =	ssyncadd.s32 $0xFFFFE000  }
0x80: {  	_ =	swait.ge [sflag:s30], $0x2000  }
0x81: {  	[sflag:s30] =	ssyncset.done $0x0  }
0x82: {  	[sflag:s30] =	ssyncadd.s32 $0xFFFFE000  }
0x83: {  	_ =	swait.ge [sflag:s30], $0x2000  }
0x84: {  	s13 =	simm.s32 $0x100;
	s15 =	simm.s32 $0x200;
	[sflag:s30] =	ssyncset.done $0x0  }
.LBB2_4:
0x85: {  	s7 =	sadd.s32 s13, s14  }
0x86: {  	[sflag:s30] =	ssyncadd.s32 $0xFFFFE000;
	s13 =	smov.u32 s15;
	s6 =	sadd.s32 $0x100, s15  }
0x87: {  	[tilespmem:s4], [sflag:$0x3] =	stream.linear.gather [hbm4b:s7+s4], $0x800, $0x38;
	[tilespmem:$0x1C800] =	vst v63  }
0x88: {  	p0 =	sne.s32 s15, $0x900;
	_ =	swait.ge [sflag:s16], $0x800  }
0x89: {  	[sflag:s16] =	ssyncset.done $0x0  }
0x8a: {  	[sflag:s16] =	ssyncadd.s32 $0xFFFFF800  }
0x8b: {  	[tilespmem:s17], [sflag:$0x1] =	stream.indirect.gather [spmem:s2], $0x40, s4, s18, $0xb8;
	[tilespmem:$0x1C800] =	vst v63  }
0x8c: {  	_ = 	snop  }
0x8d: {  	[tilespmem:s20], [sflag:$0x1] =	stream.indirect.gather [spmem:s2], $0x40, s19, s18, $0xb8;
	[tilespmem:$0x1C800] =	vst v63  }
0x8e: {  	_ =	swait.ge [sflag:s21], $0x2000  }
0x8f: {  	[sflag:s21] =	ssyncset.done $0x0  }
0x90: {  	[sflag:s21] =	ssyncadd.s32 $0xFFFFE000  }
0x91: {  	[spmem:s3] =	stream.indirect.scatter.add.f32 [tilespmem:s17], [sflag:$0x2], $0x40, s18, s18, $0xb8;
	[tilespmem:$0x1C800] =	vst v63  }
0x92: {  	_ =	swait.ge [sflag:s21], $0x2000  }
0x93: {  	[sflag:s21] =	ssyncset.done $0x0  }
0x94: {  	[sflag:s21] =	ssyncadd.s32 $0xFFFFE000  }
0x95: {  	[spmem:s3] =	stream.indirect.scatter.add.f32 [tilespmem:s20], [sflag:$0x2], $0x40, s22, s18, $0xb8;
	[tilespmem:$0x1C800] =	vst v63  }
0x96: {  	_ = 	snop  }
0x97: {  	[tilespmem:s24], [sflag:$0x1] =	stream.indirect.gather [spmem:s2], $0x40, s23, s18, $0xb8;
	[tilespmem:$0x1C800] =	vst v63  }
0x98: {  	_ = 	snop  }
0x99: {  	[tilespmem:s26], [sflag:$0x1] =	stream.indirect.gather [spmem:s2], $0x40, s25, s18, $0xb8;
	[tilespmem:$0x1C800] =	vst v63  }
0x9a: {  	_ =	swait.ge [sflag:s21], $0x2000  }
0x9b: {  	[sflag:s21] =	ssyncset.done $0x0  }
0x9c: {  	[sflag:s21] =	ssyncadd.s32 $0xFFFFE000  }
0x9d: {  	[spmem:s3] =	stream.indirect.scatter.add.f32 [tilespmem:s24], [sflag:$0x2], $0x40, s28, s18, $0xb8;
	[tilespmem:$0x1C800] =	vst v63  }
0x9e: {  	_ =	swait.ge [sflag:s21], $0x2000  }
0x9f: {  	[sflag:s21] =	ssyncset.done $0x0  }
0xa0: {  	[sflag:s21] =	ssyncadd.s32 $0xFFFFE000  }
0xa1: {  	[spmem:s3] =	stream.indirect.scatter.add.f32 [tilespmem:s26], [sflag:$0x2], $0x40, s29, s18, $0xb8;
	[tilespmem:$0x1C800] =	vst v63  }
0xa2: {  	_ =	swait.ge [sflag:s30], $0x2000  }
0xa3: {  	[sflag:s30] =	ssyncset.done $0x0  }
0xa4: {  	[sflag:s30] =	ssyncadd.s32 $0xFFFFE000  }
0xa5: {  	_ =	swait.ge [sflag:s30], $0x2000  }
0xa6: {  	[sflag:s30] =	ssyncset.done $0x0  }
0xa7: {  	[sflag:s30] =	ssyncadd.s32 $0xFFFFE000  }
0xa8: {  	[tilespmem:s17], [sflag:$0x1] =	stream.indirect.gather [spmem:s2], $0x40, s31, s18, $0xb8;
	[tilespmem:$0x1C800] =	vst v63  }
0xa9: {  	_ = 	snop  }
0xaa: {  	[tilespmem:s20], [sflag:$0x1] =	stream.indirect.gather [spmem:s2], $0x40, s1, s18, $0xb8;
	[tilespmem:$0x1C800] =	vst v63  }
0xab: {  	_ =	swait.ge [sflag:s21], $0x2000  }
0xac: {  	[sflag:s21] =	ssyncset.done $0x0  }
0xad: {  	[sflag:s21] =	ssyncadd.s32 $0xFFFFE000  }
0xae: {  	[spmem:s3] =	stream.indirect.scatter.add.f32 [tilespmem:s17], [sflag:$0x2], $0x40, s0, s18, $0xb8;
	[tilespmem:$0x1C800] =	vst v63  }
0xaf: {  	_ =	swait.ge [sflag:s21], $0x2000  }
0xb0: {  	[sflag:s21] =	ssyncset.done $0x0  }
0xb1: {  	[sflag:s21] =	ssyncadd.s32 $0xFFFFE000  }
0xb2: {  	[spmem:s3] =	stream.indirect.scatter.add.f32 [tilespmem:s20], [sflag:$0x2], $0x40, s5, s18, $0xb8;
	[tilespmem:$0x1C800] =	vst v63  }
0xb3: {  	_ =	swait.ge [sflag:s30], $0x2000  }
0xb4: {  	[sflag:s30] =	ssyncset.done $0x0  }
0xb5: {  	[sflag:s30] =	ssyncadd.s32 $0xFFFFE000  }
0xb6: {  	_ =	swait.ge [sflag:s30], $0x2000  }
0xb7: {  	[sflag:s30] =	ssyncset.done $0x0  }
0xb8: {  	[sflag:s30] =	ssyncadd.s32 $0xFFFFE000  }
0xb9: {  	[tilespmem:s24], [sflag:$0x1] =	stream.indirect.gather [spmem:s2], $0x40, s8, s18, $0xb8;
	[tilespmem:$0x1C800] =	vst v63  }
0xba: {  	_ = 	snop  }
0xbb: {  	[tilespmem:s26], [sflag:$0x1] =	stream.indirect.gather [spmem:s2], $0x40, s9, s18, $0xb8;
	[tilespmem:$0x1C800] =	vst v63  }
0xbc: {  	_ =	swait.ge [sflag:s21], $0x2000  }
0xbd: {  	[sflag:s21] =	ssyncset.done $0x0  }
0xbe: {  	[sflag:s21] =	ssyncadd.s32 $0xFFFFE000  }
0xbf: {  	[spmem:s3] =	stream.indirect.scatter.add.f32 [tilespmem:s24], [sflag:$0x2], $0x40, s10, s18, $0xb8;
	[tilespmem:$0x1C800] =	vst v63  }
0xc0: {  	_ =	swait.ge [sflag:s21], $0x2000  }
0xc1: {  	[sflag:s21] =	ssyncset.done $0x0  }
0xc2: {  	[sflag:s21] =	ssyncadd.s32 $0xFFFFE000  }
0xc3: {  	[spmem:s3] =	stream.indirect.scatter.add.f32 [tilespmem:s26], [sflag:$0x2], $0x40, s11, s18, $0xb8;
	[tilespmem:$0x1C800] =	vst v63  }
0xc4: {  	_ =	swait.ge [sflag:s30], $0x2000  }
0xc5: {  	[sflag:s30] =	ssyncset.done $0x0  }
0xc6: {  	[sflag:s30] =	ssyncadd.s32 $0xFFFFE000  }
0xc7: {  	_ =	swait.ge [sflag:s30], $0x2000  }
0xc8: {  	[sflag:s30] =	ssyncset.done $0x0  }
0xc9: {  	[sflag:s30] =	ssyncadd.s32 $0xFFFFE000  }
.Ltmp1:
0xca: {  	_ =	swait.ge [sflag:s30], $0x2000;
	(pc) =	sbr.rel @p0 .LBB2_4-.Ltmp1, $4  }
0xcb: {  	[sflag:s30] =	ssyncset.done $0x0  }
0xcc: {  	[sflag:s30] =	ssyncadd.s32 $0xFFFFE000  }
0xcd: {  	_ =	swait.ge [sflag:s30], $0x2000  }
0xce: {  	s15 =	smov.u32 s6;
	[sflag:s30] =	ssyncset.done $0x0  }
0xcf: {  	s6 =	sadd.s32 s13, s14;
	[sflag:s30] =	ssyncadd.s32 $0xFFFFE000  }
0xd0: {  	[tilespmem:s4], [sflag:$0x3] =	stream.linear.gather [hbm4b:s6+s4], $0x800, $0x38;
	[tilespmem:$0x1C800] =	vst v63  }
0xd1: {  	_ =	swait.ge [sflag:s16], $0x800  }
0xd2: {  	[sflag:s16] =	ssyncset.done $0x0  }
0xd3: {  	[sflag:s16] =	ssyncadd.s32 $0xFFFFF800  }
0xd4: {  	[tilespmem:s17], [sflag:$0x1] =	stream.indirect.gather [spmem:s2], $0x40, s4, s18, $0xb8;
	[tilespmem:$0x1C800] =	vst v63  }
0xd5: {  	_ = 	snop  }
0xd6: {  	[tilespmem:s20], [sflag:$0x1] =	stream.indirect.gather [spmem:s2], $0x40, s19, s18, $0xb8;
	[tilespmem:$0x1C800] =	vst v63  }
0xd7: {  	_ =	swait.ge [sflag:s21], $0x2000  }
0xd8: {  	[sflag:s21] =	ssyncset.done $0x0  }
0xd9: {  	[sflag:s21] =	ssyncadd.s32 $0xFFFFE000  }
0xda: {  	[spmem:s3] =	stream.indirect.scatter.add.f32 [tilespmem:s17], [sflag:$0x2], $0x40, s18, s18, $0xb8;
	[tilespmem:$0x1C800] =	vst v63  }
0xdb: {  	_ =	swait.ge [sflag:s21], $0x2000  }
0xdc: {  	[sflag:s21] =	ssyncset.done $0x0  }
0xdd: {  	[sflag:s21] =	ssyncadd.s32 $0xFFFFE000  }
0xde: {  	[spmem:s3] =	stream.indirect.scatter.add.f32 [tilespmem:s20], [sflag:$0x2], $0x40, s22, s18, $0xb8;
	[tilespmem:$0x1C800] =	vst v63  }
0xdf: {  	_ = 	snop  }
0xe0: {  	[tilespmem:s24], [sflag:$0x1] =	stream.indirect.gather [spmem:s2], $0x40, s23, s18, $0xb8;
	[tilespmem:$0x1C800] =	vst v63  }
0xe1: {  	_ = 	snop  }
0xe2: {  	[tilespmem:s26], [sflag:$0x1] =	stream.indirect.gather [spmem:s2], $0x40, s25, s18, $0xb8;
	[tilespmem:$0x1C800] =	vst v63  }
0xe3: {  	_ =	swait.ge [sflag:s21], $0x2000  }
0xe4: {  	[sflag:s21] =	ssyncset.done $0x0  }
0xe5: {  	[sflag:s21] =	ssyncadd.s32 $0xFFFFE000  }
0xe6: {  	[spmem:s3] =	stream.indirect.scatter.add.f32 [tilespmem:s24], [sflag:$0x2], $0x40, s28, s18, $0xb8;
	[tilespmem:$0x1C800] =	vst v63  }
0xe7: {  	_ =	swait.ge [sflag:s21], $0x2000  }
0xe8: {  	[sflag:s21] =	ssyncset.done $0x0  }
0xe9: {  	[sflag:s21] =	ssyncadd.s32 $0xFFFFE000  }
0xea: {  	[spmem:s3] =	stream.indirect.scatter.add.f32 [tilespmem:s26], [sflag:$0x2], $0x40, s29, s18, $0xb8;
	[tilespmem:$0x1C800] =	vst v63  }
0xeb: {  	_ =	swait.ge [sflag:s30], $0x2000  }
0xec: {  	[sflag:s30] =	ssyncset.done $0x0  }
0xed: {  	[sflag:s30] =	ssyncadd.s32 $0xFFFFE000  }
0xee: {  	_ =	swait.ge [sflag:s30], $0x2000  }
0xef: {  	[sflag:s30] =	ssyncset.done $0x0  }
0xf0: {  	[sflag:s30] =	ssyncadd.s32 $0xFFFFE000  }
0xf1: {  	[tilespmem:s17], [sflag:$0x1] =	stream.indirect.gather [spmem:s2], $0x40, s31, s18, $0xb8;
	[tilespmem:$0x1C800] =	vst v63  }
0xf2: {  	_ = 	snop  }
0xf3: {  	[tilespmem:s20], [sflag:$0x1] =	stream.indirect.gather [spmem:s2], $0x40, s1, s18, $0xb8;
	[tilespmem:$0x1C800] =	vst v63  }
0xf4: {  	_ =	swait.ge [sflag:s21], $0x2000  }
0xf5: {  	[sflag:s21] =	ssyncset.done $0x0  }
0xf6: {  	[sflag:s21] =	ssyncadd.s32 $0xFFFFE000  }
0xf7: {  	[spmem:s3] =	stream.indirect.scatter.add.f32 [tilespmem:s17], [sflag:$0x2], $0x40, s0, s18, $0xb8;
	[tilespmem:$0x1C800] =	vst v63  }
0xf8: {  	_ =	swait.ge [sflag:s21], $0x2000  }
0xf9: {  	[sflag:s21] =	ssyncset.done $0x0  }
0xfa: {  	[sflag:s21] =	ssyncadd.s32 $0xFFFFE000  }
0xfb: {  	[spmem:s3] =	stream.indirect.scatter.add.f32 [tilespmem:s20], [sflag:$0x2], $0x40, s5, s18, $0xb8;
	[tilespmem:$0x1C800] =	vst v63  }
0xfc: {  	_ =	swait.ge [sflag:s30], $0x2000  }
0xfd: {  	[sflag:s30] =	ssyncset.done $0x0  }
0xfe: {  	[sflag:s30] =	ssyncadd.s32 $0xFFFFE000  }
0xff: {  	_ =	swait.ge [sflag:s30], $0x2000  }
0x100: {  	[sflag:s30] =	ssyncset.done $0x0  }
0x101: {  	[sflag:s30] =	ssyncadd.s32 $0xFFFFE000  }
0x102: {  	[tilespmem:s24], [sflag:$0x1] =	stream.indirect.gather [spmem:s2], $0x40, s8, s18, $0xb8;
	[tilespmem:$0x1C800] =	vst v63  }
0x103: {  	_ = 	snop  }
0x104: {  	[tilespmem:s26], [sflag:$0x1] =	stream.indirect.gather [spmem:s2], $0x40, s9, s18, $0xb8;
	[tilespmem:$0x1C800] =	vst v63  }
0x105: {  	_ =	swait.ge [sflag:s21], $0x2000  }
0x106: {  	[sflag:s21] =	ssyncset.done $0x0  }
0x107: {  	[sflag:s21] =	ssyncadd.s32 $0xFFFFE000  }
0x108: {  	[spmem:s3] =	stream.indirect.scatter.add.f32 [tilespmem:s24], [sflag:$0x2], $0x40, s10, s18, $0xb8;
	[tilespmem:$0x1C800] =	vst v63  }
0x109: {  	_ =	swait.ge [sflag:s21], $0x2000  }
0x10a: {  	[sflag:s21] =	ssyncset.done $0x0  }
0x10b: {  	[sflag:s21] =	ssyncadd.s32 $0xFFFFE000  }
0x10c: {  	[spmem:s3] =	stream.indirect.scatter.add.f32 [tilespmem:s26], [sflag:$0x2], $0x40, s11, s18, $0xb8;
	[tilespmem:$0x1C800] =	vst v63  }
0x10d: {  	_ =	swait.ge [sflag:s30], $0x2000  }
0x10e: {  	[sflag:s30] =	ssyncset.done $0x0  }
0x10f: {  	[sflag:s30] =	ssyncadd.s32 $0xFFFFE000  }
0x110: {  	_ =	swait.ge [sflag:s30], $0x2000  }
0x111: {  	[sflag:s30] =	ssyncset.done $0x0  }
0x112: {  	[sflag:s30] =	ssyncadd.s32 $0xFFFFE000  }
0x113: {  	_ =	swait.ge [sflag:s30], $0x2000  }
0x114: {  	[sflag:s30] =	ssyncset.done $0x0  }
0x115: {  	[sflag:s30] =	ssyncadd.s32 $0xFFFFE000  }
0x116: {  	_ =	swait.ge [sflag:s30], $0x2000  }
0x117: {  	[sflag:s30] =	ssyncset.done $0x0  }
0x118: {  	[sflag:s30] =	ssyncadd.s32 $0xFFFFE000  }
0x119: {  	[bflag:$0x0] =	sbarrier.arrive $0xFFFF  }
0x11a: {  	s13 =	rddreg [dreg:$0x6]  }
0x11b: {  	s7 =	rddreg [dreg:$0x5]  }
0x11c: {  	s15 =	rddreg [dreg:$0xb];
	s6 =	sshrl.u32 s13, $0x3  }
0x11d: {  	[hbm:s15], [sflag:s7] =	dma.local [spmem:s6], $0x1400  }
0x11e: {  	_ =	swait.ge [sflag:s16], $0x1400  }
0x11f: {  	s12 =	sadd.s32 $0x1, s12;
	s15 =	rddreg [dreg:$0xc]  }
0x120: {  	p0 =	sne.s32 s12, s15  }
.Ltmp2:
0x121: {  	_ = 	snop;
	(pc) =	sbr.rel @p0 .LBB2_1-.Ltmp2, $3  }
0x122: {  	_ =	sdelay $0x1  }
0x123: {  	[sflag:s16] =	ssyncset.done $0x0  }
0x124: {  	[sflag:s16] =	ssyncadd.s32 $0xFFFFEC00  }
0x125: {  	_ =	sfence.sel $0x180000  }
0x126: {  	[bflag:$0x0] =	sbarrier.arrive $0xFFFF  }
0x127: {  	_ =	strace $0x9000004D  }
0x128: {  	s0 =	stileid.u32;
	[bflag:$0x2] =	sbarrier.arrive $0xFFFF  }
0x129: {  	p0 =	sne.s32 s0, $0x0;
	s0 =	rddreg [dreg:$0x3]  }
0x12a: {  	s0 =	sadd.s32 @!p0 $0x100000, s0  }
0x12b: {  	[sflag:s0] =	ssyncadd.tile.s32 @!p0 $0x1;
	_ =	shalt  }
.Lfunc_end2:
_tile_overlayer_lowered:
.L_overlay_start_2:
0x12c: {  	(tag) =	ssettag $0x2  }
0x12d: {  	s0 =	rddreg [dreg:$0x0];
	s2 =	stileid.u32  }
0x12e: {  	s1 =	rddreg [dreg:$0x1];
	p0 =	sne.s32 s2, $0x0  }
0x12f: {  	s3 =	rddreg [dreg:$0x2];
	[bflag:$0x3] =	sbarrier.arrive $0xFFFF;
	s2 =	simm.s32 @!p0 $0x1C03  }
0x130: {  	[timem:s3], [sflag:s2] =	dma.local @!p0 [hbm:s0], s1  }
0x131: {  	s0 =	simm.s32 @!p0 $0x3  }
0x132: {  	_ =	swait.ge @!p0 [sflag:s0], s1  }
0x133: {  	s1 =	ssub.s32 @!p0 $0x0, s1;
	[sflag:s0] =	ssyncset.done @!p0 $0x0  }
0x134: {  	[sflag:s0] =	ssyncadd.s32 @!p0 s1  }
0x135: {  	[bflag:$0x3] =	sbarrier.arrive $0xFFFF  }
0x136: {  	_ =	shalt  }

// kernel: kernel.8.cloned.1.call-start
scs
__scs_entry_jumppad:
0x0: {  	(pc) =	sbr.rel $0x88, $3  }
0x1: {  	(tag) =	ssettag $0x0;
	lr =	simm.s32 $0x1  }
0x2: {  	[smem:$0x3F9B] =	sst lr;
	_ =	strace $0xD0000000  }
0x3: {  	_ = 	snop  }
0x4: {  	_ = 	snop  }
0x5: {  	_ = 	snop  }
0x6: {  	_ = 	snop  }
0x7: {  	_ = 	snop  }
__scs_overlays_trampoline_lowered:
0x8: {  	[smem:$0x3FAA] =	sst s0  }
0x9: {  	[smem:$0x3FAB] =	sst s1  }
0xa: {  	[smem:$0x3FAC] =	sst s2  }
0xb: {  	[smem:$0x3FAD] =	sst s3  }
0xc: {  	[smem:$0x3FAE] =	sst s4  }
0xd: {  	[smem:$0x3FAF] =	sst s5  }
0xe: {  	[smem:$0x3FB0] =	sst s6  }
0xf: {  	[smem:$0x3FB1] =	sst s7  }
0x10: {  	[smem:$0x3FB2] =	sst s8  }
0x11: {  	[smem:$0x3FB3] =	sst s9;
	s0 =	simm.s32 @!p0 $0x0  }
0x12: {  	s1 =	sld [smem:$0x3F99];
	s0 =	simm.s32 @p0 $0x1  }
0x13: {  	[smem:$0x3FB4] =	sst s0;
	s0 =	simm.s32 @!p1 $0x0  }
0x14: {  	s2 =	sld [smem:$0x3F98];
	s0 =	simm.s32 @p1 $0x1  }
0x15: {  	[smem:$0x3FB5] =	sst s0;
	s0 =	simm.s32 @!p2 $0x0  }
0x16: {  	s3 =	sld [smem:$0x3FDB];
	s0 =	simm.s32 @p2 $0x1  }
0x17: {  	s4 =	simm.s32 $0x1BF5;
	[smem:$0x3FB7] =	sst s0  }
0x18: {  	s0 =	sld [smem:$0x3F9A];
	_ =	swait.ge [sflag:s4], $0x0  }
0x19: {  	s7 =	sld [smem:$0x3F9B]  }
0x1a: {  	s8 =	sadd.s32 $0xFFFFE003, lr  }
0x1b: {  	s9 =	sadd.s32 $0xFFFFFEF7, lr;
	s5 =	simm.s32 $0xFFFFFFFF;
	p2 =	slt.u32 s8, $0xFFFFF086  }
0x1c: {  	p1 =	slt.u32 s9, $0xF7A;
	s5 =	simm.s32 @!p2 $0x0  }
0x1d: {  	s5 =	simm.s32 @p1 $0x1;
	p0 =	seq.s32 s7, s2  }
0x1e: {  	s7 =	smul.u32 @!p0 $0xF7A, s2;
	p2 =	seq.s32 @!p0 s5, $0x0  }
0x1f: {  	s9 =	smul.u32 $0xF7A, s1;
	s8 =	simm.s32 @!p0 $0x1BF5;
	p2 =	por !p2, p0  }
0x20: {  	[sflag:s8] =	ssyncset.s32 @!p0 $0xFFFFF086;
	s6 =	sadd.s32 @!p0 s3, s7;
	s7 =	simm.s32 @!p0 $0x108  }
0x21: {  	s3 =	sadd.s32 s3, s9;
	s6 =	sadd.s32 @!p0 $0x88, s6;
	s7 =	simm.s32 @p2 $0x1082  }
0x22: {  	[simem:s7], [sflag:s8] =	dma.local @!p0 [hbm:s6], $0xF7A  }
0x23: {  	s9 =	sor.u32 $0xD0000000, s2;
	s6 =	simm.s32 $0x108;
	_ =	swait.ge @!p0 [sflag:s8], $0x0  }
0x24: {  	s3 =	sadd.s32 $0x88, s3;
	s6 =	simm.s32 @!p1 $0x1082;
	[sflag:s4] =	ssyncset.s32 $0xFFFFF086  }
0x25: {  	[simem:s6], [sflag:s4] =	dma.local [hbm:s3], $0xF7A  }
0x26: {  	[smem:$0x3F9B] =	sst s1;
	(tag) =	ssettag s2;
	_ =	strace s9  }
0x27: {  	s1 =	sld [smem:$0x3FAB]  }
0x28: {  	s2 =	sld [smem:$0x3FAC]  }
0x29: {  	s4 =	sld [smem:$0x3FAE]  }
0x2a: {  	p0 =	seq.s32 s5, $0x0;
	s5 =	sld [smem:$0x3FAF]  }
0x2b: {  	s6 =	sld [smem:$0x3FB0]  }
0x2c: {  	s7 =	sld [smem:$0x3FB1]  }
0x2d: {  	s3 =	simm.s32 $0x108;
	s8 =	sld [smem:$0x3FB2]  }
0x2e: {  	s3 =	simm.s32 @!p0 $0x1082;
	s9 =	sld [smem:$0x3FB3]  }
0x2f: {  	lr =	sadd.s32 s0, s3;
	s0 =	sld [smem:$0x3FAA]  }
0x30: {  	s3 =	sld [smem:$0x3FAD]  }
0x31: {  	[smem:$0x3FB6] =	sst s10  }
0x32: {  	s10 =	sld [smem:$0x3FB4];
	_ =	sdelay $0x3  }
0x33: {  	p0 =	seq.s32 s10, $0x1;
	s10 =	sld [smem:$0x3FB6];
	_ =	sdelay $0x3  }
0x34: {  	[smem:$0x3FB6] =	sst s10  }
0x35: {  	s10 =	sld [smem:$0x3FB5];
	_ =	sdelay $0x3  }
0x36: {  	p1 =	seq.s32 s10, $0x1;
	s10 =	sld [smem:$0x3FB6];
	_ =	sdelay $0x3  }
0x37: {  	[smem:$0x3FB6] =	sst s10  }
0x38: {  	s10 =	sld [smem:$0x3FB7]  }
0x39: {  	_ = 	snop;
	(pc) =	sbr.ind lr, $3  }
0x3a: {  	_ = 	snop  }
0x3b: {  	_ = 	snop  }
0x3c: {  	p2 =	seq.s32 s10, $0x1;
	s10 =	sld [smem:$0x3FB6]  }
0x3d: {  	_ =	shalt  }
0x3e: {  	_ =	shalt  }
0x3f: {  	_ =	shalt  }
0x40: {  	_ =	shalt  }
0x41: {  	_ =	shalt  }
0x42: {  	_ =	shalt  }
0x43: {  	_ =	shalt  }
0x44: {  	_ =	shalt  }
0x45: {  	_ =	shalt  }
0x46: {  	_ =	shalt  }
0x47: {  	_ =	shalt  }
0x48: {  	_ =	shalt  }
0x49: {  	_ =	shalt  }
0x4a: {  	_ =	shalt  }
0x4b: {  	_ =	shalt  }
0x4c: {  	_ =	shalt  }
0x4d: {  	_ =	shalt  }
0x4e: {  	_ =	shalt  }
0x4f: {  	_ =	shalt  }
0x50: {  	_ =	shalt  }
0x51: {  	_ =	shalt  }
0x52: {  	_ =	shalt  }
0x53: {  	_ =	shalt  }
0x54: {  	_ =	shalt  }
0x55: {  	_ =	shalt  }
0x56: {  	_ =	shalt  }
0x57: {  	_ =	shalt  }
0x58: {  	_ =	shalt  }
0x59: {  	_ =	shalt  }
0x5a: {  	_ =	shalt  }
0x5b: {  	_ =	shalt  }
0x5c: {  	_ =	shalt  }
0x5d: {  	_ =	shalt  }
0x5e: {  	_ =	shalt  }
0x5f: {  	_ =	shalt  }
0x60: {  	_ =	shalt  }
0x61: {  	_ =	shalt  }
0x62: {  	_ =	shalt  }
0x63: {  	_ =	shalt  }
0x64: {  	_ =	shalt  }
0x65: {  	_ =	shalt  }
0x66: {  	_ =	shalt  }
0x67: {  	_ =	shalt  }
0x68: {  	_ =	shalt  }
0x69: {  	_ =	shalt  }
0x6a: {  	_ =	shalt  }
0x6b: {  	_ =	shalt  }
0x6c: {  	_ =	shalt  }
0x6d: {  	_ =	shalt  }
0x6e: {  	_ =	shalt  }
0x6f: {  	_ =	shalt  }
0x70: {  	_ =	shalt  }
0x71: {  	_ =	shalt  }
0x72: {  	_ =	shalt  }
0x73: {  	_ =	shalt  }
0x74: {  	_ =	shalt  }
0x75: {  	_ =	shalt  }
0x76: {  	_ =	shalt  }
0x77: {  	_ =	shalt  }
0x78: {  	_ =	shalt  }
0x79: {  	_ =	shalt  }
0x7a: {  	_ =	shalt  }
0x7b: {  	_ =	shalt  }
0x7c: {  	_ =	shalt  }
0x7d: {  	_ =	shalt  }
0x7e: {  	_ =	shalt  }
0x7f: {  	_ =	shalt  }
0x80: {  	_ =	shalt  }
0x81: {  	_ =	shalt  }
0x82: {  	_ =	shalt  }
0x83: {  	_ =	shalt  }
0x84: {  	_ =	shalt  }
0x85: {  	_ =	shalt  }
0x86: {  	_ =	shalt  }
0x87: {  	_ =	shalt  }
.Lfunc_end0:
.L_simem_size_0:
called_computation_lowered:
.L_overlay_start_0:
0x88: {  	s2 =	sld [smem:$0x3FD9]  }
0x89: {  	s3 =	sld [smem:$0x3FFE];
	_ =	sdelay $0x1  }
0x8a: {  	s1 =	srdreg.scid  }
0x8b: {  	s0 =	sand.u32 $0x1, s1  }
0x8c: {  	s17 =	sshll.u32 s0, $0xA;
	s2 =	sadd.s32 s3, s2  }
0x8d: {  	s2 =	sadd.s32 s2, s17  }
0x8e: {  	[smem:$0x3FC2] =	sst s2  }
0x8f: {  	_ = 	snop  }
0x90: {  	s2 =	sld [smem:$0x3FD0];
	(tm) =	ssettm $0x1  }
0x91: {  	s18 =	sld [smem:$0x3FFB];
	_ =	sdelay $0x3  }
0x92: {  	_ =	strace s18  }
0x93: {  	s3 =	sld [smem:$0x3FFC];
	_ =	sdelay $0x3  }
0x94: {  	_ =	strace s3  }
0x95: {  	s3 =	sld [smem:$0x3FFD];
	_ =	sdelay $0x3  }
0x96: {  	_ =	strace s3  }
0x97: {  	_ =	strace $0x8FFFFFFF  }
0x98: {  	s19 =	sld [smem:$0x3FDB];
	_ =	sdelay $0x1  }
0x99: {  	s4 =	simm.s32 $_scs_section_size  }
0x9a: {  	s5 =	simm.s32 $_size__tile_overlayer_lowered;
	s6 =	simm.s32 $_tile_overlayer_lowered  }
0x9b: {  	s22 =	simm.s32 $0x1BFF;
	s21 =	sshll.u32 s6, $0x1;
	s3 =	sadd.s32 s4, s19  }
0x9c: {  	s7 =	simm.s32 $0x0;
	s20 =	sshll.u32 s5, $0x1;
	s5 =	sadd.s32 s21, s3  }
0x9d: {  	[timem:s7], [sflag:s22] =	dma.local [hbm:s5], s20  }
0x9e: {  	_ =	swait.ge [sflag:s22], s20  }
0x9f: {  	s4 =	ssub.s32 $0x0, s20;
	[sflag:s22] =	ssyncset.done $0x0  }
0xa0: {  	[sflag:s22] =	ssyncadd.s32 s4;
	_ =	sdelay $0x1  }
0xa1: {  	s23 =	simm.s32 $0x1B8B  }
0xa2: {  	_ =	swait.ge [sflag:s23], $0x1  }
0xa3: {  	[sflag:s23] =	ssyncset.done $0x0  }
0xa4: {  	s25 =	simm.s32 $0x1B8E;
	s24 =	sld [smem:$0x3FFE];
	[sflag:s23] =	ssyncadd.s32 $0xFFFFFFFF  }
0xa5: {  	s26 =	simm.s32 $execute0_lowered;
	[smem:$0x3FD2] =	sst s25  }
0xa6: {  	s5 =	sshll.u32 s26, $0x1;
	_ =	strace $0x80000046;
	[dreg:$0x1] =	wrdreg $0xFFFFFFFF  }
0xa7: {  	s28 =	simm.s32 $_size_execute0_lowered;
	s3 =	sadd.s32 s3, s5;
	[dreg:$0x0] =	wrdreg $0x0  }
0xa8: {  	s5 =	sshll.u32 s28, $0x1;
	[dreg:$0x2] =	wrdreg s3  }
0xa9: {  	[dreg:$0x3] =	wrdreg s5  }
0xaa: {  	[dreg:$0x4] =	wrdreg $0xC0  }
0xab: {  	_ =	task [dreg:s7], $0x5FFFF  }
0xac: {  	[dreg:$0x1] =	wrdreg $0xFFFFFFFF  }
0xad: {  	[dreg:$0x0] =	wrdreg $0x60  }
0xae: {  	[dreg:$0x2] =	wrdreg s2  }
0xaf: {  	[dreg:$0x3] =	wrdreg s24  }
0xb0: {  	[dreg:$0x4] =	wrdreg $0x68000  }
0xb1: {  	[dreg:$0x5] =	wrdreg $0x9  }
0xb2: {  	_ =	task.clear_ibuf [dreg:s7], $0x6FFFF;
	_ =	strace $0x90000046  }
0xb3: {  	s29 =	simm.s32 $0x9;
	_ =	strace $0x80000048  }
0xb4: {  	_ =	swait.ge [sflag:s29], $0x1  }
0xb5: {  	[sflag:s29] =	ssyncadd.s32 $0xFFFFFFFF  }
0xb6: {  	_ =	strace $0x90000048  }
0xb7: {  	_ =	sfence  }
0xb8: {  	s30 =	sld [smem:$0x0];
	_ =	sdelay $0x2  }
0xb9: {  	s31 =	sshll.u32 s1, $0xD;
	s1 =	sshrl.u32 s1, $0x2  }
0xba: {  	s3 =	sand.u32 $0x4000, s31;
	s1 =	sadd.s32 s1, s30  }
0xbb: {  	s0 =	sor.u32 s3, s0;
	s1 =	sshll.u32 s1, $0x11  }
0xbc: {  	s0 =	sor.u32 s1, s0  }
0xbd: {  	s0 =	sadd.s32 $0x8F2B, s0  }
0xbe: {  	[sflag:s0] =	ssyncadd.remote.s32 $0x1  }
0xbf: {  	_ =	sfence.sel $0xFFFF  }
0xc0: {  	[dreg:$0x0] =	wrdreg $0xFFFFFFFF;
	(pc) =	sbr.abs _section_cstart, $3  }
0xc1: {  	[dreg:$0x1] =	wrdreg $0xFFFFFFFF  }
0xc2: {  	_ =	task.clear_ibuf [dreg:s7], $0x2FFFF;
	_ =	strace $0x9FFFFFFF  }
0xc3: {  	(tm) =	ssettm $0x7FFFFFFF  }
tec
execute0_lowered:
.L_overlay_start_1:
0x0: {  	(tag) =	ssettag $0x1  }
0x1: {  	s9 =	rddreg [dreg:$0x0]  }
0x2: {  	s6 =	rddreg [dreg:$0x1]  }
0x3: {  	s2 =	rddreg [dreg:$0x2]  }
0x4: {  	s0 =	srdreg.scid;
	s1 =	rddreg [dreg:$0x3]  }
0x5: {  	s3 =	simm.s32 $0x0;
	s13 =	simm.s32 $0x2;
	s4 =	sand.u32 $0x1, s0  }
0x6: {  	s14 =	simm.s32 $0x80;
	s0 =	stileid.u32;
	s5 =	smul.u32 $0x140000, s4  }
0x7: {  	s15 =	simm.s32 $0x1;
	[smem:$0x7FF] =	sst s3;
	s7 =	smul.u32 $0x14000, s0  }
0x8: {  	s26 =	smul.u32 $0x50000, s0;
	_ =	strace $0x80000047;
	s28 =	sshll.u32 s0, $0x1  }
0x9: {  	s29 =	ssub.s32 $0x2, s4;
	s16 =	sshll.u32 s0, $0x6;
	s5 =	sadd.s32 s7, s5  }
0xa: {  	s31 =	sshrl.u32 s29, $0x1;
	s16 =	sor.u32 $0x1C02, s16;
	s5 =	sshrl.u32 s5, $0x3  }
0xb: {  	s30 =	sshrl.u32 s26, $0x2;
	s10 =	sadd.s32 s5, s6;
	s5 =	sor.u32 s4, s28  }
0xc: {  	s12 =	ssub.s32 s29, s31;
	s4 =	sadd.s32 s30, s2;
	s11 =	smul.u32 $0x500, s5  }
0xd: {  	s5 =	sadd.s32 $0x4000, s4;
	s6 =	sadd.s32 $0x8000, s4;
	s7 =	sadd.s32 $0xC000, s4  }
0xe: {  	s8 =	sadd.s32 $0x10000, s4;
	s10 =	sadd.s32 $0x1A00, s10;
	s17 =	sshrl.u32 s4, $0x3  }
0xf: {  	v0 =	vimm.f32 $0.0e+00;
	v1 =	vimm.f32 $1.000000000e+00;
	s9 =	sadd.s32 s9, s11;
	s11 =	smax.u32 s12, $0x1;
	s12 =	simm.s32 $0x2800  }
.LBB2_1:
0x10: {  	s18 =	simm.s32 $0x200;
	s19 =	simm.s32 $0x0  }
.LBB2_2:
0x11: {  	p0 =	sne.s32 s18, $0xFE00;
	[tilespmem:s19+$0x2800] =	vst v0;
	s19 =	smov.u32 s18;
	s18 =	sadd.s32 $0x200, s18  }
.Ltmp0:
0x12: {  	(pc) =	sbr.rel @p0 .LBB2_2-.Ltmp0, $2  }
0x13: {  	_ =	sdelay $0x2  }
0x14: {  	s19 =	sshra.s32 s19, $0x2  }
0x15: {  	[tilespmem:s19+$0x2800] =	vst v0  }
0x16: {  	[spmem:s4] =	stream.linear.scatter [tilespmem:s12], [sflag:$0x2], $0x4000, $0x38;
	[tilespmem:$0x9000] =	vst v63  }
0x17: {  	_ =	swait.ge [sflag:s13], $0x4000  }
0x18: {  	[sflag:s13] =	ssyncset.done $0x0  }
0x19: {  	[sflag:s13] =	ssyncadd.s32 $0xFFFFC000  }
0x1a: {  	[spmem:s5] =	stream.linear.scatter [tilespmem:s12], [sflag:$0x2], $0x4000, $0x38;
	[tilespmem:$0x9000] =	vst v63  }
0x1b: {  	_ =	swait.ge [sflag:s13], $0x4000  }
0x1c: {  	[sflag:s13] =	ssyncset.done $0x0  }
0x1d: {  	[sflag:s13] =	ssyncadd.s32 $0xFFFFC000  }
0x1e: {  	[spmem:s6] =	stream.linear.scatter [tilespmem:s12], [sflag:$0x2], $0x4000, $0x38;
	[tilespmem:$0x9000] =	vst v63  }
0x1f: {  	_ =	swait.ge [sflag:s13], $0x4000  }
0x20: {  	[sflag:s13] =	ssyncset.done $0x0  }
0x21: {  	[sflag:s13] =	ssyncadd.s32 $0xFFFFC000  }
0x22: {  	[spmem:s7] =	stream.linear.scatter [tilespmem:s12], [sflag:$0x2], $0x4000, $0x38;
	[tilespmem:$0x9000] =	vst v63  }
0x23: {  	_ =	swait.ge [sflag:s13], $0x4000  }
0x24: {  	[sflag:s13] =	ssyncset.done $0x0  }
0x25: {  	[sflag:s13] =	ssyncadd.s32 $0xFFFFC000  }
0x26: {  	[spmem:s8] =	stream.linear.scatter [tilespmem:s12], [sflag:$0x2], $0x4000, $0x38;
	[tilespmem:$0x9000] =	vst v63  }
0x27: {  	_ =	swait.ge [sflag:s13], $0x4000  }
0x28: {  	[sflag:s13] =	ssyncset.done $0x0  }
0x29: {  	s18 =	simm.s32 $0x0;
	[sflag:s13] =	ssyncadd.s32 $0xFFFFC000  }
0x2a: {  	[tilespmem:s18], [sflag:$0x2] =	stream.linear.gather [hbm4b:s9+s18], $0x2800, $0x38;
	[tilespmem:$0x9000] =	vst v63  }
0x2b: {  	_ =	swait.ge [sflag:s13], $0x2800  }
0x2c: {  	[sflag:s13] =	ssyncset.done $0x0  }
0x2d: {  	s19 =	simm.s32 $0x0;
	s18 =	simm.s32 $0x200;
	[sflag:s13] =	ssyncadd.s32 $0xFFFFD800  }
.LBB2_4:
0x2e: {  	p0 =	sne.s32 s18, $0xFE00;
	[tilespmem:s19+$0x2800] =	vst v1;
	s19 =	smov.u32 s18;
	s18 =	sadd.s32 $0x200, s18  }
.Ltmp1:
0x2f: {  	(pc) =	sbr.rel @p0 .LBB2_4-.Ltmp1, $2  }
0x30: {  	_ =	sdelay $0x2  }
0x31: {  	s19 =	sshra.s32 s19, $0x2  }
0x32: {  	[tilespmem:s19+$0x2800] =	vst v1  }
0x33: {  	s18 =	simm.s32 $0x0;
	[bflag:$0x0] =	sbarrier.arrive $0xFFFF  }
0x34: {  	[spmem:s2] =	stream.indirect.scatter.add.f32 [tilespmem:s12], [sflag:$0x1], $0x10, s18, s14, $0xb8;
	[tilespmem:$0x9000] =	vst v63  }
0x35: {  	s29 =	simm.s32 $0x80  }
0x36: {  	[spmem:s2] =	stream.indirect.scatter.add.f32 [tilespmem:s12], [sflag:$0x1], $0x10, s29, s14, $0xb8;
	[tilespmem:$0x9000] =	vst v63  }
0x37: {  	s30 =	simm.s32 $0x100  }
0x38: {  	[spmem:s2] =	stream.indirect.scatter.add.f32 [tilespmem:s12], [sflag:$0x1], $0x10, s30, s14, $0xb8;
	[tilespmem:$0x9000] =	vst v63  }
0x39: {  	s31 =	simm.s32 $0x180  }
0x3a: {  	[spmem:s2] =	stream.indirect.scatter.add.f32 [tilespmem:s12], [sflag:$0x1], $0x10, s31, s14, $0xb8;
	[tilespmem:$0x9000] =	vst v63  }
0x3b: {  	_ =	swait.ge [sflag:s15], $0x800  }
0x3c: {  	[sflag:s15] =	ssyncset.done $0x0  }
0x3d: {  	[sflag:s15] =	ssyncadd.s32 $0xFFFFF800  }
0x3e: {  	_ =	swait.ge [sflag:s15], $0x800  }
0x3f: {  	[sflag:s15] =	ssyncset.done $0x0  }
0x40: {  	[sflag:s15] =	ssyncadd.s32 $0xFFFFF800  }
0x41: {  	_ =	swait.ge [sflag:s15], $0x800  }
0x42: {  	[sflag:s15] =	ssyncset.done $0x0  }
0x43: {  	[sflag:s15] =	ssyncadd.s32 $0xFFFFF800  }
0x44: {  	_ =	swait.ge [sflag:s15], $0x800  }
0x45: {  	s19 =	simm.s32 $0x1000;
	s18 =	simm.s32 $0x800;
	[sflag:s15] =	ssyncset.done $0x0  }
.LBB2_6:
0x46: {  	s20 =	sshra.s32 s18, $0x2  }
0x47: {  	[sflag:s15] =	ssyncadd.s32 $0xFFFFF800;
	s18 =	smov.u32 s19;
	s21 =	sadd.s32 $0x800, s19  }
0x48: {  	[spmem:s2] =	stream.indirect.scatter.add.f32 [tilespmem:s12], [sflag:$0x1], $0x10, s20, s14, $0xb8;
	[tilespmem:$0x9000] =	vst v63  }
0x49: {  	p0 =	sne.s32 s19, $0x9800;
	s19 =	sadd.s32 $0x80, s20  }
0x4a: {  	[spmem:s2] =	stream.indirect.scatter.add.f32 [tilespmem:s12], [sflag:$0x1], $0x10, s19, s14, $0xb8;
	[tilespmem:$0x9000] =	vst v63  }
0x4b: {  	s19 =	sadd.s32 $0x100, s20  }
0x4c: {  	[spmem:s2] =	stream.indirect.scatter.add.f32 [tilespmem:s12], [sflag:$0x1], $0x10, s19, s14, $0xb8;
	[tilespmem:$0x9000] =	vst v63  }
0x4d: {  	s19 =	sadd.s32 $0x180, s20  }
0x4e: {  	[spmem:s2] =	stream.indirect.scatter.add.f32 [tilespmem:s12], [sflag:$0x1], $0x10, s19, s14, $0xb8;
	[tilespmem:$0x9000] =	vst v63  }
0x4f: {  	_ =	swait.ge [sflag:s15], $0x800  }
0x50: {  	[sflag:s15] =	ssyncset.done $0x0  }
0x51: {  	[sflag:s15] =	ssyncadd.s32 $0xFFFFF800  }
0x52: {  	_ =	swait.ge [sflag:s15], $0x800  }
0x53: {  	[sflag:s15] =	ssyncset.done $0x0  }
0x54: {  	[sflag:s15] =	ssyncadd.s32 $0xFFFFF800  }
.Ltmp2:
0x55: {  	_ =	swait.ge [sflag:s15], $0x800;
	(pc) =	sbr.rel @p0 .LBB2_6-.Ltmp2, $4  }
0x56: {  	[sflag:s15] =	ssyncset.done $0x0  }
0x57: {  	[sflag:s15] =	ssyncadd.s32 $0xFFFFF800  }
0x58: {  	_ =	swait.ge [sflag:s15], $0x800  }
0x59: {  	s19 =	smov.u32 s21;
	[sflag:s15] =	ssyncset.done $0x0  }
0x5a: {  	s18 =	sshra.s32 s18, $0x2;
	[sflag:s15] =	ssyncadd.s32 $0xFFFFF800  }
0x5b: {  	[spmem:s2] =	stream.indirect.scatter.add.f32 [tilespmem:s12], [sflag:$0x1], $0x10, s18, s14, $0xb8;
	[tilespmem:$0x9000] =	vst v63  }
0x5c: {  	s19 =	sadd.s32 $0x80, s18  }
0x5d: {  	[spmem:s2] =	stream.indirect.scatter.add.f32 [tilespmem:s12], [sflag:$0x1], $0x10, s19, s14, $0xb8;
	[tilespmem:$0x9000] =	vst v63  }
0x5e: {  	s31 =	sadd.s32 $0x100, s18  }
0x5f: {  	[spmem:s2] =	stream.indirect.scatter.add.f32 [tilespmem:s12], [sflag:$0x1], $0x10, s31, s14, $0xb8;
	[tilespmem:$0x9000] =	vst v63  }
0x60: {  	s18 =	sadd.s32 $0x180, s18  }
0x61: {  	[spmem:s2] =	stream.indirect.scatter.add.f32 [tilespmem:s12], [sflag:$0x1], $0x10, s18, s14, $0xb8;
	[tilespmem:$0x9000] =	vst v63  }
0x62: {  	_ =	swait.ge [sflag:s15], $0x800  }
0x63: {  	[sflag:s15] =	ssyncset.done $0x0  }
0x64: {  	[sflag:s15] =	ssyncadd.s32 $0xFFFFF800  }
0x65: {  	_ =	swait.ge [sflag:s15], $0x800  }
0x66: {  	[sflag:s15] =	ssyncset.done $0x0  }
0x67: {  	[sflag:s15] =	ssyncadd.s32 $0xFFFFF800  }
0x68: {  	_ =	swait.ge [sflag:s15], $0x800  }
0x69: {  	[sflag:s15] =	ssyncset.done $0x0  }
0x6a: {  	[sflag:s15] =	ssyncadd.s32 $0xFFFFF800  }
0x6b: {  	_ =	swait.ge [sflag:s15], $0x800  }
0x6c: {  	s3 =	sadd.s32 $0x1, s3;
	[sflag:s15] =	ssyncset.done $0x0  }
0x6d: {  	p0 =	sne.s32 s3, s11;
	[sflag:s15] =	ssyncadd.s32 $0xFFFFF800  }
.Ltmp3:
0x6e: {  	[bflag:$0x0] =	sbarrier.arrive $0xFFFF;
	(pc) =	sbr.rel @p0 .LBB2_1-.Ltmp3, $4  }
0x6f: {  	[hbm:s10], [sflag:s16] =	dma.local [spmem:s17], $0x2800  }
0x70: {  	_ =	swait.ge [sflag:s13], $0x2800  }
0x71: {  	[sflag:s13] =	ssyncset.done $0x0  }
0x72: {  	[sflag:s13] =	ssyncadd.s32 $0xFFFFD800  }
0x73: {  	_ =	sfence.sel $0x180000  }
0x74: {  	[bflag:$0x0] =	sbarrier.arrive $0xFFFF  }
0x75: {  	p0 =	sne.s32 s0, $0x0;
	_ =	strace $0x90000047  }
0x76: {  	s0 =	sadd.s32 @!p0 $0x100000, s1;
	[bflag:$0x2] =	sbarrier.arrive $0xFFFF  }
0x77: {  	[sflag:s0] =	ssyncadd.tile.s32 @!p0 $0x1;
	_ =	shalt  }
.Lfunc_end2:
_tile_overlayer_lowered:
.L_overlay_start_2:
0x78: {  	(tag) =	ssettag $0x2  }
0x79: {  	s0 =	rddreg [dreg:$0x0];
	s2 =	stileid.u32  }
0x7a: {  	s1 =	rddreg [dreg:$0x1];
	p0 =	sne.s32 s2, $0x0  }
0x7b: {  	s3 =	rddreg [dreg:$0x2];
	[bflag:$0x3] =	sbarrier.arrive $0xFFFF;
	s2 =	simm.s32 @!p0 $0x1C02  }
0x7c: {  	[timem:s3], [sflag:s2] =	dma.local @!p0 [hbm:s0], s1  }
0x7d: {  	s0 =	simm.s32 @!p0 $0x2  }
0x7e: {  	_ =	swait.ge @!p0 [sflag:s0], s1  }
0x7f: {  	s1 =	ssub.s32 @!p0 $0x0, s1;
	[sflag:s0] =	ssyncset.done @!p0 $0x0  }
0x80: {  	[sflag:s0] =	ssyncadd.s32 @!p0 s1  }
0x81: {  	[bflag:$0x3] =	sbarrier.arrive $0xFFFF  }
0x82: {  	_ =	shalt  }

</sc_bundles>
